<compile_context>
chip_gen: v7x
topology: tpu7x:2x2x1
jax: 0.10.2.dev20260603
libtpu: 0.0.44.dev20260713+nightly
codegen_flags: <defaults>
</compile_context>

<pallas_src>
import functools

import jax
import jax.numpy as jnp
from jax import lax
from jax.experimental import pallas as pl
from jax.experimental.pallas import tpu as pltpu
from jax.experimental.pallas import tpu_sc as plsc

D = 512
NN = 4096
CH = 1024
NC = NN // CH

_SC_INFO = plsc.get_sparse_core_info()
_NW = _SC_INFO.num_cores * _SC_INFO.num_subcores
_PER_W = NN // _NW


def _sc_classify_body(idx_hbm, cell_hbm, cnt_hbm, idx_v, cell_v, cnt_v):
    wid = lax.axis_index("s") * _SC_INFO.num_cores + lax.axis_index("c")
    base = wid * _PER_W
    pltpu.sync_copy(idx_hbm.at[pl.ds(base, _PER_W)], idx_v)
    pltpu.sync_copy(cell_hbm, cell_v)
    c729 = jnp.full((16,), 729, jnp.int32)
    c27 = jnp.full((16,), 27, jnp.int32)
    c4 = jnp.full((16,), 4, jnp.int32)
    c36 = jnp.full((16,), 36, jnp.int32)
    one = jnp.ones((16,), jnp.int32)
    zero = jnp.zeros((16,), jnp.int32)
    cc = cell_v[...]
    ccx = lax.div(cc, c729)
    r2 = cc - c729 * ccx
    ccy = lax.div(r2, c27)
    ccz = r2 - c27 * ccy
    lcv = jnp.zeros((16,), jnp.int32)
    fcv = jnp.zeros((16,), jnp.int32)
    dcv = jnp.zeros((16,), jnp.int32)
    for j in range(_PER_W // 16):
        iv = idx_v[pl.ds(j * 16, 16)]
        ix = lax.div(iv, c729)
        r1 = iv - c729 * ix
        iy = lax.div(r1, c27)
        iz = r1 - c27 * iy
        dx = ix - ccx
        dy = iy - ccy
        dz = iz - ccz
        d2 = dx * dx + dy * dy + dz * dz
        lmask = jnp.minimum(jnp.maximum(c4 - d2, zero), one)
        dmask = jnp.minimum(jnp.maximum(d2 - c36, zero), one)
        lcv = lcv + lmask
        dcv = dcv + dmask
        fcv = fcv + (one - lmask - dmask)
    cnt_v[pl.ds(0, 16)] = lcv.astype(jnp.float32)
    cnt_v[pl.ds(16, 16)] = fcv.astype(jnp.float32)
    cnt_v[pl.ds(32, 16)] = dcv.astype(jnp.float32)
    pltpu.sync_copy(cnt_v, cnt_hbm.at[wid])


def _sc_classify(neighbor_indices_i32, cell_rep):
    mesh = plsc.VectorSubcoreMesh(core_axis_name="c", subcore_axis_name="s")
    k = functools.partial(
        pl.kernel,
        mesh=mesh,
        out_type=jax.ShapeDtypeStruct((_NW, 48), jnp.float32),
        scratch_types=[
            pltpu.VMEM((_PER_W,), jnp.int32),
            pltpu.VMEM((16,), jnp.int32),
            pltpu.VMEM((48,), jnp.float32),
        ],
    )(_sc_classify_body)
    return k(neighbor_indices_i32, cell_rep)


def _body(cell_ref, idx_ref, cs_ref, bm_ref, bl_ref, bu_ref, b1_ref, b2_ref,
          Wg_ref, bg_ref, cnt_ref, ns_hbm, Wm_hbm, Wl_hbm, Wu_hbm, W1_hbm, W2_hbm,
          out_ref,
          ns_v, Wm_v, Wmb_v, Wl_v, Wu_v, W1_v, W2_v,
          ns_sem, wm_sem, wl_sem, wu_sem, w1_sem, w2_sem):
    ns_cp = [pltpu.make_async_copy(ns_hbm.at[pl.ds(c * CH, CH), :],
                                   ns_v.at[pl.ds(c * CH, CH), :],
                                   ns_sem.at[c]) for c in range(NC)]
    wm_cp = pltpu.make_async_copy(Wm_hbm, Wm_v, wm_sem)
    w_cp = [pltpu.make_async_copy(h, v, s) for h, v, s in
            ((Wl_hbm, Wl_v, wl_sem), (Wu_hbm, Wu_v, wu_sem),
             (W1_hbm, W1_v, w1_sem), (W2_hbm, W2_v, w2_sem))]

    ns_cp[0].start()
    wm_cp.start()
    ns_cp[1].start()

    cell = cell_ref[0]
    cx = (cell // 729).astype(jnp.float32)
    cy = ((cell // 27) % 27).astype(jnp.float32)
    cz = (cell % 27).astype(jnp.float32)

    wm_cp.wait()
    Wmb_v[...] = Wm_v[...].astype(jnp.bfloat16)

    local_sum = jnp.zeros((1, D), jnp.float32)
    dist_sum = jnp.zeros((1, D), jnp.float32)
    all_sum = jnp.zeros((1, D), jnp.float32)
    func_sum = jnp.zeros((1, D), jnp.float32)
    cnt = cnt_ref[...]
    lc = jnp.sum(cnt[:, 0:16])
    fc = jnp.sum(cnt[:, 16:32])
    dc = jnp.sum(cnt[:, 32:48])

    for c in range(NC):
        idx = idx_ref[c].astype(jnp.float32)
        nx = jnp.floor(idx * (1.0 / 729.0))
        r = idx - 729.0 * nx
        ny = jnp.floor(r * (1.0 / 27.0))
        nz = r - 27.0 * ny
        d2 = (nx - cx) ** 2 + (ny - cy) ** 2 + (nz - cz) ** 2
        local_m = jnp.where(d2 <= 3.24, 1.0, 0.0)
        dist_m = jnp.where(d2 > 36.0, 1.0, 0.0)
        func_m = 1.0 - local_m - dist_m

        row = jax.lax.broadcasted_iota(jnp.int32, (8, CH), 0)
        M = jnp.where(row == 0, local_m, jnp.where(row == 1, func_m,
            jnp.where(row == 2, dist_m, 0.0)))
        Mt = jnp.transpose(M, (1, 0))
        lm_col = Mt[:, 0:1]
        fm_col = Mt[:, 1:2]
        dm_col = Mt[:, 2:3]

        ns_cp[c].wait()
        if c + 2 < NC:
            ns_cp[c + 2].start()
        if c == 0:
            w_cp[0].start()
            w_cp[1].start()
        elif c == 1:
            w_cp[2].start()
            w_cp[3].start()
        ns = ns_v[pl.ds(c * CH, CH), :]

        local_sum += jnp.sum(ns * lm_col, axis=0, keepdims=True)
        dist_sum += jnp.sum(ns * dm_col, axis=0, keepdims=True)
        all_sum += jnp.sum(ns, axis=0, keepdims=True)

        t = jnp.tanh(jax.lax.dot_general(
            ns.astype(jnp.bfloat16), Wmb_v[...], (((1,), (0,)), ((), ())),
            preferred_element_type=jnp.float32) + bm_ref[...])
        func_sum += jnp.sum(t * fm_col, axis=0, keepdims=True)

    local_agg = local_sum / jnp.maximum(lc, 1.0)
    func_agg = func_sum / jnp.maximum(fc, 1.0)
    dist_agg = dist_sum / jnp.maximum(dc, 1.0)
    all_agg = all_sum * (1.0 / NN)

    cs = cs_ref[...]

    def mm(a, w):
        return jax.lax.dot_general(a, w, (((1,), (0,)), ((), ())),
                                   preferred_element_type=jnp.float32)

    w_cp[0].wait()
    xl = jnp.concatenate([cs, local_agg], axis=1)
    local_out = jnp.tanh(mm(xl, Wl_v[...]) + bl_ref[...])

    w_cp[1].wait()
    xf = jnp.concatenate([cs, func_agg], axis=1)
    func_out = jnp.tanh(mm(xf, Wu_v[...]) + bu_ref[...])

    w_cp[2].wait()
    w_cp[3].wait()
    z = cs
    for _ in range(3):
        h = jnp.tanh(mm(jnp.concatenate([z, dist_agg], axis=1), W1_v[...])
                     + b1_ref[...])
        z = z + 0.3 * (mm(h, W2_v[...]) + b2_ref[...])

    logits = mm(jnp.concatenate([cs, all_agg], axis=1), Wg_ref[...]) + bg_ref[...]
    m = jnp.max(logits, axis=1, keepdims=True)
    e = jnp.exp(logits - m)
    g = e / jnp.sum(e, axis=1, keepdims=True)

    out_ref[...] = (g[:, 0:1] * local_out + g[:, 1:2] * func_out
                    + g[:, 2:3] * z)


def kernel(current_state, neighbor_states, cell_idx, neighbor_indices,
           W_local, b_local, W_msg, b_msg, W_upd, b_upd,
           W_cnf1, b_cnf1, W_cnf2, b_cnf2, W_gate, b_gate):
    cell_i32 = jnp.asarray(cell_idx, dtype=jnp.int32)
    cell = jnp.reshape(cell_i32, (1,))
    idx_i32 = neighbor_indices.astype(jnp.int32)
    idx3 = jnp.reshape(idx_i32, (NC, 1, CH))
    cs = jnp.reshape(current_state, (1, D))
    cnts = _sc_classify(idx_i32, jnp.full((16,), cell_i32, jnp.int32))

    full = lambda shape: pl.BlockSpec(shape, lambda: (0,) * len(shape))
    any_spec = pl.BlockSpec(memory_space=pl.ANY)
    out = pl.pallas_call(
        _body,
        in_specs=[
            pl.BlockSpec(memory_space=pltpu.SMEM),
            full((NC, 1, CH)),
            full((1, D)),
            full((1, D)),
            full((1, D)),
            full((1, D)),
            full((1, 2 * D)),
            full((1, D)),
            full((2 * D, 3)),
            full((1, 3)),
            full((_NW, 48)),
            any_spec,
            any_spec,
            any_spec,
            any_spec,
            any_spec,
            any_spec,
        ],
        out_specs=pl.BlockSpec((1, D), lambda: (0, 0)),
        out_shape=jax.ShapeDtypeStruct((1, D), jnp.float32),
        scratch_shapes=[
            pltpu.VMEM((NN, D), jnp.float32),
            pltpu.VMEM((D, D), jnp.float32),
            pltpu.VMEM((D, D), jnp.bfloat16),
            pltpu.VMEM((2 * D, D), jnp.float32),
            pltpu.VMEM((2 * D, D), jnp.float32),
            pltpu.VMEM((2 * D, 2 * D), jnp.float32),
            pltpu.VMEM((2 * D, D), jnp.float32),
            pltpu.SemaphoreType.DMA((NC,)),
            pltpu.SemaphoreType.DMA,
            pltpu.SemaphoreType.DMA,
            pltpu.SemaphoreType.DMA,
            pltpu.SemaphoreType.DMA,
            pltpu.SemaphoreType.DMA,
        ],
    )(cell, idx3, cs, jnp.reshape(b_msg, (1, D)), jnp.reshape(b_local, (1, D)),
      jnp.reshape(b_upd, (1, D)), jnp.reshape(b_cnf1, (1, 2 * D)),
      jnp.reshape(b_cnf2, (1, D)), W_gate, jnp.reshape(b_gate, (1, 3)),
      cnts, neighbor_states, W_msg, W_local, W_upd, W_cnf1, W_cnf2)
    return jnp.reshape(out, (D,))

# --- scband reference (transcript-rebuilt; emitter-appended) ---
"""Pipeline reference for scband-mo-econnection-processor-27900107555503 (READ-ONLY COPY).

The authoritative reference and input builder live on the scoring server;
editing this copy changes nothing except your own understanding.
"""

import jax, jax.numpy as jnp
import numpy as np

D = 512
NN = 4096
LAT = 27 * 27 * 27


def _coords(idx):
    idx = jnp.asarray(idx)
    return jnp.stack([idx // (27 * 27), (idx // 27) % 27, idx % 27], axis=-1).astype(jnp.float32)


def _masked_mean(x, mask):
    w = mask.astype(x.dtype)
    denom = jnp.maximum(jnp.sum(w), 1.0)
    return jnp.sum(x * w[:, None], axis=0) / denom


def setup_inputs(seed: int = 0) -> dict:
    key = jax.random.key(seed)
    ks = jax.random.split(key, 16)
    s = 0.02
    inp = {}
    inp['current_state'] = jax.random.normal(ks[0], (D,), dtype=jnp.float32)
    inp['neighbor_states'] = jax.random.normal(ks[1], (NN, D), dtype=jnp.float32)
    inp['cell_idx'] = 9841
    inp['neighbor_indices'] = jax.random.randint(ks[2], (NN,), 0, LAT, dtype=jnp.int32).astype(jnp.int64)
    inp['W_local'] = jax.random.normal(ks[3], (2 * D, D), dtype=jnp.float32) * s
    inp['b_local'] = jnp.zeros((D,), dtype=jnp.float32)
    inp['W_msg'] = jax.random.normal(ks[4], (D, D), dtype=jnp.float32) * s
    inp['b_msg'] = jnp.zeros((D,), dtype=jnp.float32)
    inp['W_upd'] = jax.random.normal(ks[5], (2 * D, D), dtype=jnp.float32) * s
    inp['b_upd'] = jnp.zeros((D,), dtype=jnp.float32)
    inp['W_cnf1'] = jax.random.normal(ks[6], (2 * D, 2 * D), dtype=jnp.float32) * s
    inp['b_cnf1'] = jnp.zeros((2 * D,), dtype=jnp.float32)
    inp['W_cnf2'] = jax.random.normal(ks[7], (2 * D, D), dtype=jnp.float32) * s
    inp['b_cnf2'] = jnp.zeros((D,), dtype=jnp.float32)
    inp['W_gate'] = jax.random.normal(ks[8], (2 * D, 3), dtype=jnp.float32) * s
    inp['b_gate'] = jnp.zeros((3,), dtype=jnp.float32)
    return inp


def reference(current_state, neighbor_states, cell_idx, neighbor_indices,
              W_local, b_local, W_msg, b_msg, W_upd, b_upd,
              W_cnf1, b_cnf1, W_cnf2, b_cnf2, W_gate, b_gate):
    # --- connection classification by 3D lattice distance (UnifiedConnectionClassifier) ---
    ccoord = _coords(cell_idx)
    ncoord = _coords(neighbor_indices)
    dist = jnp.sqrt(jnp.sum((ncoord - ccoord) ** 2, axis=-1) + 1e-12)
    local_mask = dist <= 1.8
    distant_mask = dist > 6.0
    functional_mask = jnp.logical_and(~local_mask, ~distant_mask)

    # --- local expert: SimpleLinear over [current, local-aggregated neighbors] ---
    local_agg = _masked_mean(neighbor_states, local_mask)
    local_out = jnp.tanh(jnp.concatenate([current_state, local_agg], axis=-1) @ W_local + b_local)

    # --- functional expert: HybridGNN message passing over functional neighbors ---
    messages = jnp.tanh(neighbor_states @ W_msg + b_msg)
    func_agg = _masked_mean(messages, functional_mask)
    func_out = jnp.tanh(jnp.concatenate([current_state, func_agg], axis=-1) @ W_upd + b_upd)

    # --- distant expert: lightweight CNF, 3 Euler integration steps ---
    dist_agg = _masked_mean(neighbor_states, distant_mask)
    z = current_state
    dt = 0.3
    for _ in range(3):
        h = jnp.tanh(jnp.concatenate([z, dist_agg], axis=-1) @ W_cnf1 + b_cnf1)
        dz = h @ W_cnf2 + b_cnf2
        z = z + dt * dz
    distant_out = z

    # --- gating network: softmax over 3 experts ---
    all_agg = jnp.mean(neighbor_states, axis=0)
    gate_logits = jnp.concatenate([current_state, all_agg], axis=-1) @ W_gate + b_gate
    gates = jax.nn.softmax(gate_logits)

    new_state = gates[0] * local_out + gates[1] * func_out + gates[2] * distant_out
    return new_state

if __name__ == "__main__":
    import jax
    _d = setup_inputs()
    print(jax.jit(kernel)(*tuple(_d.values())))

</pallas_src>

<mosaic_0001>
#map = affine_map<(d0, d1) -> (0)>
#map1 = affine_map<(d0, d1) -> (0, 0)>
module attributes {stable_mosaic.version = 14 : i64} {
  func.func @_sc_classify_body(%arg0: i32, %arg1: i32, %arg2: memref<4096xi32, #tpu.memory_space<hbm>>, %arg3: memref<16xi32, #tpu.memory_space<hbm>>, %arg4: memref<32x48xf32, #tpu.memory_space<hbm>>, %arg5: memref<128xi32, #tpu.memory_space<vmem>>, %arg6: memref<16xi32, #tpu.memory_space<vmem>>, %arg7: memref<48xf32, #tpu.memory_space<vmem>>) attributes {dimension_semantics = [#tpu.dimension_semantics<core_parallel>, #tpu.dimension_semantics<subcore_parallel>], iteration_bounds = array<i64: 2, 16>, scalar_prefetch = 0 : i64, scratch_operands = 3 : i64, tpu.core_type = #tpu.core_type<sc_vector_subcore>, window_params = [{transform_indices = #map}, {transform_indices = #map}, {transform_indices = #map1}]} {
    %mul3A = arith.constant 2 : i32
    %mul3A_0 = arith.muli %arg1, %mul3A : i32
    %add3A = arith.addi %mul3A_0, %arg0 : i32
    %mul3A_1 = arith.constant 128 : i32
    %mul3A_2 = arith.muli %add3A, %mul3A_1 : i32
    "tpu.region"() ({
      %run_scoped3A = tpu.sem_alloc : memref<!tpu.dma_semaphore, #tpu.memory_space<semaphore_mem>>
      %dma_start3A = tpu.memref_slice %arg2[%mul3A_2] : memref<4096xi32, #tpu.memory_space<hbm>> -> memref<128xi32, #tpu.memory_space<hbm>>
      %dma_start3A_261 = tpu.memref_slice %arg2[%mul3A_2] : memref<4096xi32, #tpu.memory_space<hbm>> -> memref<128xi32, #tpu.memory_space<hbm>>
      tpu.enqueue_dma source(%dma_start3A_261 : memref<128xi32, #tpu.memory_space<hbm>>) target(%arg5 : memref<128xi32, #tpu.memory_space<vmem>>) target_semaphore(%run_scoped3A : memref<!tpu.dma_semaphore, #tpu.memory_space<semaphore_mem>>)
      %dma_wait3A = tpu.memref_slice %arg2[%mul3A_2] : memref<4096xi32, #tpu.memory_space<hbm>> -> memref<128xi32, #tpu.memory_space<hbm>>
      %dma_wait3A_262 = tpu.memref_slice %arg2[%mul3A_2] : memref<4096xi32, #tpu.memory_space<hbm>> -> memref<128xi32, #tpu.memory_space<hbm>>
      tpu.wait_dma2 semaphore(%run_scoped3A : memref<!tpu.dma_semaphore, #tpu.memory_space<semaphore_mem>>) src(%dma_wait3A_262 : memref<128xi32, #tpu.memory_space<hbm>>) dst(%arg5 : memref<128xi32, #tpu.memory_space<vmem>>)
      tpu.yield
    }) : () -> ()
    "tpu.region"() ({
      %run_scoped3A = tpu.sem_alloc : memref<!tpu.dma_semaphore, #tpu.memory_space<semaphore_mem>>
      tpu.enqueue_dma source(%arg3 : memref<16xi32, #tpu.memory_space<hbm>>) target(%arg6 : memref<16xi32, #tpu.memory_space<vmem>>) target_semaphore(%run_scoped3A : memref<!tpu.dma_semaphore, #tpu.memory_space<semaphore_mem>>)
      tpu.wait_dma2 semaphore(%run_scoped3A : memref<!tpu.dma_semaphore, #tpu.memory_space<semaphore_mem>>) src(%arg3 : memref<16xi32, #tpu.memory_space<hbm>>) dst(%arg6 : memref<16xi32, #tpu.memory_space<vmem>>)
      tpu.yield
    }) : () -> ()
    %broadcast_in_dim3A = arith.constant 729 : i32
    %broadcast_in_dim3A_3 = vector.broadcast %broadcast_in_dim3A : i32 to vector<16xi32>
    %broadcast_in_dim3A_4 = arith.constant 27 : i32
    %broadcast_in_dim3A_5 = vector.broadcast %broadcast_in_dim3A_4 : i32 to vector<16xi32>
    %broadcast_in_dim3A_6 = arith.constant 4 : i32
    %broadcast_in_dim3A_7 = vector.broadcast %broadcast_in_dim3A_6 : i32 to vector<16xi32>
    %broadcast_in_dim3A_8 = arith.constant 36 : i32
    %broadcast_in_dim3A_9 = vector.broadcast %broadcast_in_dim3A_8 : i32 to vector<16xi32>
    %broadcast_in_dim3A_10 = arith.constant 1 : i32
    %broadcast_in_dim3A_11 = vector.broadcast %broadcast_in_dim3A_10 : i32 to vector<16xi32>
    %broadcast_in_dim3A_12 = arith.constant 0 : i32
    %broadcast_in_dim3A_13 = vector.broadcast %broadcast_in_dim3A_12 : i32 to vector<16xi32>
    %get3A = arith.constant 0 : index
    %get3A_14 = tpu.vector_load %arg6[%get3A] {strides = array<i32>} : memref<16xi32, #tpu.memory_space<vmem>>, vector<16xi32>,
    %get3A_15 = vector.shape_cast %get3A_14 : vector<16xi32> to vector<16xi32>
    %div3A = arith.divsi %get3A_15, %broadcast_in_dim3A_3 : vector<16xi32>
    %mul3A_16 = arith.muli %broadcast_in_dim3A_3, %div3A : vector<16xi32>
    %sub3A = arith.subi %get3A_15, %mul3A_16 : vector<16xi32>
    %div3A_17 = arith.divsi %sub3A, %broadcast_in_dim3A_5 : vector<16xi32>
    %mul3A_18 = arith.muli %broadcast_in_dim3A_5, %div3A_17 : vector<16xi32>
    %sub3A_19 = arith.subi %sub3A, %mul3A_18 : vector<16xi32>
    %broadcast_in_dim3A_20 = arith.constant 0 : i32
    %broadcast_in_dim3A_21 = vector.broadcast %broadcast_in_dim3A_20 : i32 to vector<16xi32>
    %broadcast_in_dim3A_22 = arith.constant 0 : i32
    %broadcast_in_dim3A_23 = vector.broadcast %broadcast_in_dim3A_22 : i32 to vector<16xi32>
    %broadcast_in_dim3A_24 = arith.constant 0 : i32
    %broadcast_in_dim3A_25 = vector.broadcast %broadcast_in_dim3A_24 : i32 to vector<16xi32>
    %get3A_26 = arith.constant 0 : index
    %get3A_27 = tpu.vector_load %arg5[%get3A_26] {strides = array<i32>} : memref<128xi32, #tpu.memory_space<vmem>>, vector<16xi32>,
    %get3A_28 = vector.shape_cast %get3A_27 : vector<16xi32> to vector<16xi32>
    %div3A_29 = arith.divsi %get3A_28, %broadcast_in_dim3A_3 : vector<16xi32>
    %mul3A_30 = arith.muli %broadcast_in_dim3A_3, %div3A_29 : vector<16xi32>
    %sub3A_31 = arith.subi %get3A_28, %mul3A_30 : vector<16xi32>
    %div3A_32 = arith.divsi %sub3A_31, %broadcast_in_dim3A_5 : vector<16xi32>
    %mul3A_33 = arith.muli %broadcast_in_dim3A_5, %div3A_32 : vector<16xi32>
    %sub3A_34 = arith.subi %sub3A_31, %mul3A_33 : vector<16xi32>
    %sub3A_35 = arith.subi %div3A_29, %div3A : vector<16xi32>
    %sub3A_36 = arith.subi %div3A_32, %div3A_17 : vector<16xi32>
    %sub3A_37 = arith.subi %sub3A_34, %sub3A_19 : vector<16xi32>
    %mul3A_38 = arith.muli %sub3A_35, %sub3A_35 : vector<16xi32>
    %mul3A_39 = arith.muli %sub3A_36, %sub3A_36 : vector<16xi32>
    %add3A_40 = arith.addi %mul3A_38, %mul3A_39 : vector<16xi32>
    %mul3A_41 = arith.muli %sub3A_37, %sub3A_37 : vector<16xi32>
    %add3A_42 = arith.addi %add3A_40, %mul3A_41 : vector<16xi32>
    %sub3A_43 = arith.subi %broadcast_in_dim3A_7, %add3A_42 : vector<16xi32>
    %max3A = arith.maxsi %sub3A_43, %broadcast_in_dim3A_13 : vector<16xi32>
    %min3A = arith.minsi %max3A, %broadcast_in_dim3A_11 : vector<16xi32>
    %sub3A_44 = arith.subi %add3A_42, %broadcast_in_dim3A_9 : vector<16xi32>
    %max3A_45 = arith.maxsi %sub3A_44, %broadcast_in_dim3A_13 : vector<16xi32>
    %min3A_46 = arith.minsi %max3A_45, %broadcast_in_dim3A_11 : vector<16xi32>
    %add3A_47 = arith.addi %broadcast_in_dim3A_21, %min3A : vector<16xi32>
    %add3A_48 = arith.addi %broadcast_in_dim3A_25, %min3A_46 : vector<16xi32>
    %sub3A_49 = arith.subi %broadcast_in_dim3A_11, %min3A : vector<16xi32>
    %sub3A_50 = arith.subi %sub3A_49, %min3A_46 : vector<16xi32>
    %add3A_51 = arith.addi %broadcast_in_dim3A_23, %sub3A_50 : vector<16xi32>
    %get3A_52 = arith.constant 16 : index
    %get3A_53 = tpu.vector_load %arg5[%get3A_52] {strides = array<i32>} : memref<128xi32, #tpu.memory_space<vmem>>, vector<16xi32>,
    %get3A_54 = vector.shape_cast %get3A_53 : vector<16xi32> to vector<16xi32>
    %div3A_55 = arith.divsi %get3A_54, %broadcast_in_dim3A_3 : vector<16xi32>
    %mul3A_56 = arith.muli %broadcast_in_dim3A_3, %div3A_55 : vector<16xi32>
    %sub3A_57 = arith.subi %get3A_54, %mul3A_56 : vector<16xi32>
    %div3A_58 = arith.divsi %sub3A_57, %broadcast_in_dim3A_5 : vector<16xi32>
    %mul3A_59 = arith.muli %broadcast_in_dim3A_5, %div3A_58 : vector<16xi32>
    %sub3A_60 = arith.subi %sub3A_57, %mul3A_59 : vector<16xi32>
    %sub3A_61 = arith.subi %div3A_55, %div3A : vector<16xi32>
    %sub3A_62 = arith.subi %div3A_58, %div3A_17 : vector<16xi32>
    %sub3A_63 = arith.subi %sub3A_60, %sub3A_19 : vector<16xi32>
    %mul3A_64 = arith.muli %sub3A_61, %sub3A_61 : vector<16xi32>
    %mul3A_65 = arith.muli %sub3A_62, %sub3A_62 : vector<16xi32>
    %add3A_66 = arith.addi %mul3A_64, %mul3A_65 : vector<16xi32>
    %mul3A_67 = arith.muli %sub3A_63, %sub3A_63 : vector<16xi32>
    %add3A_68 = arith.addi %add3A_66, %mul3A_67 : vector<16xi32>
    %sub3A_69 = arith.subi %broadcast_in_dim3A_7, %add3A_68 : vector<16xi32>
    %max3A_70 = arith.maxsi %sub3A_69, %broadcast_in_dim3A_13 : vector<16xi32>
    %min3A_71 = arith.minsi %max3A_70, %broadcast_in_dim3A_11 : vector<16xi32>
    %sub3A_72 = arith.subi %add3A_68, %broadcast_in_dim3A_9 : vector<16xi32>
    %max3A_73 = arith.maxsi %sub3A_72, %broadcast_in_dim3A_13 : vector<16xi32>
    %min3A_74 = arith.minsi %max3A_73, %broadcast_in_dim3A_11 : vector<16xi32>
    %add3A_75 = arith.addi %add3A_47, %min3A_71 : vector<16xi32>
    %add3A_76 = arith.addi %add3A_48, %min3A_74 : vector<16xi32>
    %sub3A_77 = arith.subi %broadcast_in_dim3A_11, %min3A_71 : vector<16xi32>
    %sub3A_78 = arith.subi %sub3A_77, %min3A_74 : vector<16xi32>
    %add3A_79 = arith.addi %add3A_51, %sub3A_78 : vector<16xi32>
    %get3A_80 = arith.constant 32 : index
    %get3A_81 = tpu.vector_load %arg5[%get3A_80] {strides = array<i32>} : memref<128xi32, #tpu.memory_space<vmem>>, vector<16xi32>,
    %get3A_82 = vector.shape_cast %get3A_81 : vector<16xi32> to vector<16xi32>
    %div3A_83 = arith.divsi %get3A_82, %broadcast_in_dim3A_3 : vector<16xi32>
    %mul3A_84 = arith.muli %broadcast_in_dim3A_3, %div3A_83 : vector<16xi32>
    %sub3A_85 = arith.subi %get3A_82, %mul3A_84 : vector<16xi32>
    %div3A_86 = arith.divsi %sub3A_85, %broadcast_in_dim3A_5 : vector<16xi32>
    %mul3A_87 = arith.muli %broadcast_in_dim3A_5, %div3A_86 : vector<16xi32>
    %sub3A_88 = arith.subi %sub3A_85, %mul3A_87 : vector<16xi32>
    %sub3A_89 = arith.subi %div3A_83, %div3A : vector<16xi32>
    %sub3A_90 = arith.subi %div3A_86, %div3A_17 : vector<16xi32>
    %sub3A_91 = arith.subi %sub3A_88, %sub3A_19 : vector<16xi32>
    %mul3A_92 = arith.muli %sub3A_89, %sub3A_89 : vector<16xi32>
    %mul3A_93 = arith.muli %sub3A_90, %sub3A_90 : vector<16xi32>
    %add3A_94 = arith.addi %mul3A_92, %mul3A_93 : vector<16xi32>
    %mul3A_95 = arith.muli %sub3A_91, %sub3A_91 : vector<16xi32>
    %add3A_96 = arith.addi %add3A_94, %mul3A_95 : vector<16xi32>
    %sub3A_97 = arith.subi %broadcast_in_dim3A_7, %add3A_96 : vector<16xi32>
    %max3A_98 = arith.maxsi %sub3A_97, %broadcast_in_dim3A_13 : vector<16xi32>
    %min3A_99 = arith.minsi %max3A_98, %broadcast_in_dim3A_11 : vector<16xi32>
    %sub3A_100 = arith.subi %add3A_96, %broadcast_in_dim3A_9 : vector<16xi32>
    %max3A_101 = arith.maxsi %sub3A_100, %broadcast_in_dim3A_13 : vector<16xi32>
    %min3A_102 = arith.minsi %max3A_101, %broadcast_in_dim3A_11 : vector<16xi32>
    %add3A_103 = arith.addi %add3A_75, %min3A_99 : vector<16xi32>
    %add3A_104 = arith.addi %add3A_76, %min3A_102 : vector<16xi32>
    %sub3A_105 = arith.subi %broadcast_in_dim3A_11, %min3A_99 : vector<16xi32>
    %sub3A_106 = arith.subi %sub3A_105, %min3A_102 : vector<16xi32>
    %add3A_107 = arith.addi %add3A_79, %sub3A_106 : vector<16xi32>
    %get3A_108 = arith.constant 48 : index
    %get3A_109 = tpu.vector_load %arg5[%get3A_108] {strides = array<i32>} : memref<128xi32, #tpu.memory_space<vmem>>, vector<16xi32>,
    %get3A_110 = vector.shape_cast %get3A_109 : vector<16xi32> to vector<16xi32>
    %div3A_111 = arith.divsi %get3A_110, %broadcast_in_dim3A_3 : vector<16xi32>
    %mul3A_112 = arith.muli %broadcast_in_dim3A_3, %div3A_111 : vector<16xi32>
    %sub3A_113 = arith.subi %get3A_110, %mul3A_112 : vector<16xi32>
    %div3A_114 = arith.divsi %sub3A_113, %broadcast_in_dim3A_5 : vector<16xi32>
    %mul3A_115 = arith.muli %broadcast_in_dim3A_5, %div3A_114 : vector<16xi32>
    %sub3A_116 = arith.subi %sub3A_113, %mul3A_115 : vector<16xi32>
    %sub3A_117 = arith.subi %div3A_111, %div3A : vector<16xi32>
    %sub3A_118 = arith.subi %div3A_114, %div3A_17 : vector<16xi32>
    %sub3A_119 = arith.subi %sub3A_116, %sub3A_19 : vector<16xi32>
    %mul3A_120 = arith.muli %sub3A_117, %sub3A_117 : vector<16xi32>
    %mul3A_121 = arith.muli %sub3A_118, %sub3A_118 : vector<16xi32>
    %add3A_122 = arith.addi %mul3A_120, %mul3A_121 : vector<16xi32>
    %mul3A_123 = arith.muli %sub3A_119, %sub3A_119 : vector<16xi32>
    %add3A_124 = arith.addi %add3A_122, %mul3A_123 : vector<16xi32>
    %sub3A_125 = arith.subi %broadcast_in_dim3A_7, %add3A_124 : vector<16xi32>
    %max3A_126 = arith.maxsi %sub3A_125, %broadcast_in_dim3A_13 : vector<16xi32>
    %min3A_127 = arith.minsi %max3A_126, %broadcast_in_dim3A_11 : vector<16xi32>
    %sub3A_128 = arith.subi %add3A_124, %broadcast_in_dim3A_9 : vector<16xi32>
    %max3A_129 = arith.maxsi %sub3A_128, %broadcast_in_dim3A_13 : vector<16xi32>
    %min3A_130 = arith.minsi %max3A_129, %broadcast_in_dim3A_11 : vector<16xi32>
    %add3A_131 = arith.addi %add3A_103, %min3A_127 : vector<16xi32>
    %add3A_132 = arith.addi %add3A_104, %min3A_130 : vector<16xi32>
    %sub3A_133 = arith.subi %broadcast_in_dim3A_11, %min3A_127 : vector<16xi32>
    %sub3A_134 = arith.subi %sub3A_133, %min3A_130 : vector<16xi32>
    %add3A_135 = arith.addi %add3A_107, %sub3A_134 : vector<16xi32>
    %get3A_136 = arith.constant 64 : index
    %get3A_137 = tpu.vector_load %arg5[%get3A_136] {strides = array<i32>} : memref<128xi32, #tpu.memory_space<vmem>>, vector<16xi32>,
    %get3A_138 = vector.shape_cast %get3A_137 : vector<16xi32> to vector<16xi32>
    %div3A_139 = arith.divsi %get3A_138, %broadcast_in_dim3A_3 : vector<16xi32>
    %mul3A_140 = arith.muli %broadcast_in_dim3A_3, %div3A_139 : vector<16xi32>
    %sub3A_141 = arith.subi %get3A_138, %mul3A_140 : vector<16xi32>
    %div3A_142 = arith.divsi %sub3A_141, %broadcast_in_dim3A_5 : vector<16xi32>
    %mul3A_143 = arith.muli %broadcast_in_dim3A_5, %div3A_142 : vector<16xi32>
    %sub3A_144 = arith.subi %sub3A_141, %mul3A_143 : vector<16xi32>
    %sub3A_145 = arith.subi %div3A_139, %div3A : vector<16xi32>
    %sub3A_146 = arith.subi %div3A_142, %div3A_17 : vector<16xi32>
    %sub3A_147 = arith.subi %sub3A_144, %sub3A_19 : vector<16xi32>
    %mul3A_148 = arith.muli %sub3A_145, %sub3A_145 : vector<16xi32>
    %mul3A_149 = arith.muli %sub3A_146, %sub3A_146 : vector<16xi32>
    %add3A_150 = arith.addi %mul3A_148, %mul3A_149 : vector<16xi32>
    %mul3A_151 = arith.muli %sub3A_147, %sub3A_147 : vector<16xi32>
    %add3A_152 = arith.addi %add3A_150, %mul3A_151 : vector<16xi32>
    %sub3A_153 = arith.subi %broadcast_in_dim3A_7, %add3A_152 : vector<16xi32>
    %max3A_154 = arith.maxsi %sub3A_153, %broadcast_in_dim3A_13 : vector<16xi32>
    %min3A_155 = arith.minsi %max3A_154, %broadcast_in_dim3A_11 : vector<16xi32>
    %sub3A_156 = arith.subi %add3A_152, %broadcast_in_dim3A_9 : vector<16xi32>
    %max3A_157 = arith.maxsi %sub3A_156, %broadcast_in_dim3A_13 : vector<16xi32>
    %min3A_158 = arith.minsi %max3A_157, %broadcast_in_dim3A_11 : vector<16xi32>
    %add3A_159 = arith.addi %add3A_131, %min3A_155 : vector<16xi32>
    %add3A_160 = arith.addi %add3A_132, %min3A_158 : vector<16xi32>
    %sub3A_161 = arith.subi %broadcast_in_dim3A_11, %min3A_155 : vector<16xi32>
    %sub3A_162 = arith.subi %sub3A_161, %min3A_158 : vector<16xi32>
    %add3A_163 = arith.addi %add3A_135, %sub3A_162 : vector<16xi32>
    %get3A_164 = arith.constant 80 : index
    %get3A_165 = tpu.vector_load %arg5[%get3A_164] {strides = array<i32>} : memref<128xi32, #tpu.memory_space<vmem>>, vector<16xi32>,
    %get3A_166 = vector.shape_cast %get3A_165 : vector<16xi32> to vector<16xi32>
    %div3A_167 = arith.divsi %get3A_166, %broadcast_in_dim3A_3 : vector<16xi32>
    %mul3A_168 = arith.muli %broadcast_in_dim3A_3, %div3A_167 : vector<16xi32>
    %sub3A_169 = arith.subi %get3A_166, %mul3A_168 : vector<16xi32>
    %div3A_170 = arith.divsi %sub3A_169, %broadcast_in_dim3A_5 : vector<16xi32>
    %mul3A_171 = arith.muli %broadcast_in_dim3A_5, %div3A_170 : vector<16xi32>
    %sub3A_172 = arith.subi %sub3A_169, %mul3A_171 : vector<16xi32>
    %sub3A_173 = arith.subi %div3A_167, %div3A : vector<16xi32>
    %sub3A_174 = arith.subi %div3A_170, %div3A_17 : vector<16xi32>
    %sub3A_175 = arith.subi %sub3A_172, %sub3A_19 : vector<16xi32>
    %mul3A_176 = arith.muli %sub3A_173, %sub3A_173 : vector<16xi32>
    %mul3A_177 = arith.muli %sub3A_174, %sub3A_174 : vector<16xi32>
    %add3A_178 = arith.addi %mul3A_176, %mul3A_177 : vector<16xi32>
    %mul3A_179 = arith.muli %sub3A_175, %sub3A_175 : vector<16xi32>
    %add3A_180 = arith.addi %add3A_178, %mul3A_179 : vector<16xi32>
    %sub3A_181 = arith.subi %broadcast_in_dim3A_7, %add3A_180 : vector<16xi32>
    %max3A_182 = arith.maxsi %sub3A_181, %broadcast_in_dim3A_13 : vector<16xi32>
    %min3A_183 = arith.minsi %max3A_182, %broadcast_in_dim3A_11 : vector<16xi32>
    %sub3A_184 = arith.subi %add3A_180, %broadcast_in_dim3A_9 : vector<16xi32>
    %max3A_185 = arith.maxsi %sub3A_184, %broadcast_in_dim3A_13 : vector<16xi32>
    %min3A_186 = arith.minsi %max3A_185, %broadcast_in_dim3A_11 : vector<16xi32>
    %add3A_187 = arith.addi %add3A_159, %min3A_183 : vector<16xi32>
    %add3A_188 = arith.addi %add3A_160, %min3A_186 : vector<16xi32>
    %sub3A_189 = arith.subi %broadcast_in_dim3A_11, %min3A_183 : vector<16xi32>
    %sub3A_190 = arith.subi %sub3A_189, %min3A_186 : vector<16xi32>
    %add3A_191 = arith.addi %add3A_163, %sub3A_190 : vector<16xi32>
    %get3A_192 = arith.constant 96 : index
    %get3A_193 = tpu.vector_load %arg5[%get3A_192] {strides = array<i32>} : memref<128xi32, #tpu.memory_space<vmem>>, vector<16xi32>,
    %get3A_194 = vector.shape_cast %get3A_193 : vector<16xi32> to vector<16xi32>
    %div3A_195 = arith.divsi %get3A_194, %broadcast_in_dim3A_3 : vector<16xi32>
    %mul3A_196 = arith.muli %broadcast_in_dim3A_3, %div3A_195 : vector<16xi32>
    %sub3A_197 = arith.subi %get3A_194, %mul3A_196 : vector<16xi32>
    %div3A_198 = arith.divsi %sub3A_197, %broadcast_in_dim3A_5 : vector<16xi32>
    %mul3A_199 = arith.muli %broadcast_in_dim3A_5, %div3A_198 : vector<16xi32>
    %sub3A_200 = arith.subi %sub3A_197, %mul3A_199 : vector<16xi32>
    %sub3A_201 = arith.subi %div3A_195, %div3A : vector<16xi32>
    %sub3A_202 = arith.subi %div3A_198, %div3A_17 : vector<16xi32>
    %sub3A_203 = arith.subi %sub3A_200, %sub3A_19 : vector<16xi32>
    %mul3A_204 = arith.muli %sub3A_201, %sub3A_201 : vector<16xi32>
    %mul3A_205 = arith.muli %sub3A_202, %sub3A_202 : vector<16xi32>
    %add3A_206 = arith.addi %mul3A_204, %mul3A_205 : vector<16xi32>
    %mul3A_207 = arith.muli %sub3A_203, %sub3A_203 : vector<16xi32>
    %add3A_208 = arith.addi %add3A_206, %mul3A_207 : vector<16xi32>
    %sub3A_209 = arith.subi %broadcast_in_dim3A_7, %add3A_208 : vector<16xi32>
    %max3A_210 = arith.maxsi %sub3A_209, %broadcast_in_dim3A_13 : vector<16xi32>
    %min3A_211 = arith.minsi %max3A_210, %broadcast_in_dim3A_11 : vector<16xi32>
    %sub3A_212 = arith.subi %add3A_208, %broadcast_in_dim3A_9 : vector<16xi32>
    %max3A_213 = arith.maxsi %sub3A_212, %broadcast_in_dim3A_13 : vector<16xi32>
    %min3A_214 = arith.minsi %max3A_213, %broadcast_in_dim3A_11 : vector<16xi32>
    %add3A_215 = arith.addi %add3A_187, %min3A_211 : vector<16xi32>
    %add3A_216 = arith.addi %add3A_188, %min3A_214 : vector<16xi32>
    %sub3A_217 = arith.subi %broadcast_in_dim3A_11, %min3A_211 : vector<16xi32>
    %sub3A_218 = arith.subi %sub3A_217, %min3A_214 : vector<16xi32>
    %add3A_219 = arith.addi %add3A_191, %sub3A_218 : vector<16xi32>
    %get3A_220 = arith.constant 112 : index
    %get3A_221 = tpu.vector_load %arg5[%get3A_220] {strides = array<i32>} : memref<128xi32, #tpu.memory_space<vmem>>, vector<16xi32>,
    %get3A_222 = vector.shape_cast %get3A_221 : vector<16xi32> to vector<16xi32>
    %div3A_223 = arith.divsi %get3A_222, %broadcast_in_dim3A_3 : vector<16xi32>
    %mul3A_224 = arith.muli %broadcast_in_dim3A_3, %div3A_223 : vector<16xi32>
    %sub3A_225 = arith.subi %get3A_222, %mul3A_224 : vector<16xi32>
    %div3A_226 = arith.divsi %sub3A_225, %broadcast_in_dim3A_5 : vector<16xi32>
    %mul3A_227 = arith.muli %broadcast_in_dim3A_5, %div3A_226 : vector<16xi32>
    %sub3A_228 = arith.subi %sub3A_225, %mul3A_227 : vector<16xi32>
    %sub3A_229 = arith.subi %div3A_223, %div3A : vector<16xi32>
    %sub3A_230 = arith.subi %div3A_226, %div3A_17 : vector<16xi32>
    %sub3A_231 = arith.subi %sub3A_228, %sub3A_19 : vector<16xi32>
    %mul3A_232 = arith.muli %sub3A_229, %sub3A_229 : vector<16xi32>
    %mul3A_233 = arith.muli %sub3A_230, %sub3A_230 : vector<16xi32>
    %add3A_234 = arith.addi %mul3A_232, %mul3A_233 : vector<16xi32>
    %mul3A_235 = arith.muli %sub3A_231, %sub3A_231 : vector<16xi32>
    %add3A_236 = arith.addi %add3A_234, %mul3A_235 : vector<16xi32>
    %sub3A_237 = arith.subi %broadcast_in_dim3A_7, %add3A_236 : vector<16xi32>
    %max3A_238 = arith.maxsi %sub3A_237, %broadcast_in_dim3A_13 : vector<16xi32>
    %min3A_239 = arith.minsi %max3A_238, %broadcast_in_dim3A_11 : vector<16xi32>
    %sub3A_240 = arith.subi %add3A_236, %broadcast_in_dim3A_9 : vector<16xi32>
    %max3A_241 = arith.maxsi %sub3A_240, %broadcast_in_dim3A_13 : vector<16xi32>
    %min3A_242 = arith.minsi %max3A_241, %broadcast_in_dim3A_11 : vector<16xi32>
    %add3A_243 = arith.addi %add3A_215, %min3A_239 : vector<16xi32>
    %add3A_244 = arith.addi %add3A_216, %min3A_242 : vector<16xi32>
    %sub3A_245 = arith.subi %broadcast_in_dim3A_11, %min3A_239 : vector<16xi32>
    %sub3A_246 = arith.subi %sub3A_245, %min3A_242 : vector<16xi32>
    %add3A_247 = arith.addi %add3A_219, %sub3A_246 : vector<16xi32>
    %convert_element_type3A = arith.sitofp %add3A_243 : vector<16xi32> to vector<16xf32>
    %swap3A = arith.constant 0 : index
    %swap3A_248 = tpu.vector_load %arg7[%swap3A] {strides = array<i32>} : memref<48xf32, #tpu.memory_space<vmem>>, vector<16xf32>,
    %swap3A_249 = vector.shape_cast %swap3A_248 : vector<16xf32> to vector<16xf32>
    %swap3A_250 = vector.shape_cast %convert_element_type3A : vector<16xf32> to vector<16xf32>
    tpu.vector_store %arg7[%swap3A], %swap3A_250 {strides = array<i32>} : memref<48xf32, #tpu.memory_space<vmem>>, vector<16xf32>,
    %convert_element_type3A_251 = arith.sitofp %add3A_247 : vector<16xi32> to vector<16xf32>
    %swap3A_252 = arith.constant 16 : index
    %swap3A_253 = tpu.vector_load %arg7[%swap3A_252] {strides = array<i32>} : memref<48xf32, #tpu.memory_space<vmem>>, vector<16xf32>,
    %swap3A_254 = vector.shape_cast %swap3A_253 : vector<16xf32> to vector<16xf32>
    %swap3A_255 = vector.shape_cast %convert_element_type3A_251 : vector<16xf32> to vector<16xf32>
    tpu.vector_store %arg7[%swap3A_252], %swap3A_255 {strides = array<i32>} : memref<48xf32, #tpu.memory_space<vmem>>, vector<16xf32>,
    %convert_element_type3A_256 = arith.sitofp %add3A_244 : vector<16xi32> to vector<16xf32>
    %swap3A_257 = arith.constant 32 : index
    %swap3A_258 = tpu.vector_load %arg7[%swap3A_257] {strides = array<i32>} : memref<48xf32, #tpu.memory_space<vmem>>, vector<16xf32>,
    %swap3A_259 = vector.shape_cast %swap3A_258 : vector<16xf32> to vector<16xf32>
    %swap3A_260 = vector.shape_cast %convert_element_type3A_256 : vector<16xf32> to vector<16xf32>
    tpu.vector_store %arg7[%swap3A_257], %swap3A_260 {strides = array<i32>} : memref<48xf32, #tpu.memory_space<vmem>>, vector<16xf32>,
    "tpu.region"() ({
      %run_scoped3A = tpu.sem_alloc : memref<!tpu.dma_semaphore, #tpu.memory_space<semaphore_mem>>
      %dma_start3A = arith.constant 0 : i32
      %dma_start3A_261 = tpu.memref_slice %arg4[%add3A, %dma_start3A] : memref<32x48xf32, #tpu.memory_space<hbm>> -> memref<1x48xf32, #tpu.memory_space<hbm>>
      %dma_start3A_262 = tpu.memref_squeeze %dma_start3A_261 : memref<1x48xf32, #tpu.memory_space<hbm>> -> memref<48xf32, #tpu.memory_space<hbm>>
      %dma_start3A_263 = arith.constant 0 : i32
      %dma_start3A_264 = tpu.memref_slice %arg4[%add3A, %dma_start3A_263] : memref<32x48xf32, #tpu.memory_space<hbm>> -> memref<1x48xf32, #tpu.memory_space<hbm>>
      %dma_start3A_265 = tpu.memref_squeeze %dma_start3A_264 : memref<1x48xf32, #tpu.memory_space<hbm>> -> memref<48xf32, #tpu.memory_space<hbm>>
      tpu.enqueue_dma source(%arg7 : memref<48xf32, #tpu.memory_space<vmem>>) target(%dma_start3A_265 : memref<48xf32, #tpu.memory_space<hbm>>) target_semaphore(%run_scoped3A : memref<!tpu.dma_semaphore, #tpu.memory_space<semaphore_mem>>)
      %dma_wait3A = arith.constant 0 : i32
      %dma_wait3A_266 = tpu.memref_slice %arg4[%add3A, %dma_wait3A] : memref<32x48xf32, #tpu.memory_space<hbm>> -> memref<1x48xf32, #tpu.memory_space<hbm>>
      %dma_wait3A_267 = tpu.memref_squeeze %dma_wait3A_266 : memref<1x48xf32, #tpu.memory_space<hbm>> -> memref<48xf32, #tpu.memory_space<hbm>>
      %dma_wait3A_268 = arith.constant 0 : i32
      %dma_wait3A_269 = tpu.memref_slice %arg4[%add3A, %dma_wait3A_268] : memref<32x48xf32, #tpu.memory_space<hbm>> -> memref<1x48xf32, #tpu.memory_space<hbm>>
      %dma_wait3A_270 = tpu.memref_squeeze %dma_wait3A_269 : memref<1x48xf32, #tpu.memory_space<hbm>> -> memref<48xf32, #tpu.memory_space<hbm>>
      tpu.wait_dma2 semaphore(%run_scoped3A : memref<!tpu.dma_semaphore, #tpu.memory_space<semaphore_mem>>) src(%arg7 : memref<48xf32, #tpu.memory_space<vmem>>) dst(%dma_wait3A_270 : memref<48xf32, #tpu.memory_space<hbm>>)
      tpu.yield
    }) : () -> ()
    return
  }
}

module attributes {stable_mosaic.version = 14 : i64} {
  func.func @_body(%arg0: memref<1xi32, #tpu.memory_space<smem>>, %arg1: memref<4x1x1024xi32, #tpu.memory_space<vmem>>, %arg2: memref<1x512xf32, #tpu.memory_space<vmem>>, %arg3: memref<1x512xf32, #tpu.memory_space<vmem>>, %arg4: memref<1x512xf32, #tpu.memory_space<vmem>>, %arg5: memref<1x512xf32, #tpu.memory_space<vmem>>, %arg6: memref<1x1024xf32, #tpu.memory_space<vmem>>, %arg7: memref<1x512xf32, #tpu.memory_space<vmem>>, %arg8: memref<1024x3xf32, #tpu.memory_space<vmem>>, %arg9: memref<1x3xf32, #tpu.memory_space<vmem>>, %arg10: memref<32x48xf32, #tpu.memory_space<vmem>>, %arg11: memref<4096x512xf32, #tpu.memory_space<any>>, %arg12: memref<512x512xf32, #tpu.memory_space<any>>, %arg13: memref<1024x512xf32, #tpu.memory_space<any>>, %arg14: memref<1024x512xf32, #tpu.memory_space<any>>, %arg15: memref<1024x1024xf32, #tpu.memory_space<any>>, %arg16: memref<1024x512xf32, #tpu.memory_space<any>>, %arg17: memref<1x512xf32, #tpu.memory_space<vmem>>, %arg18: memref<4096x512xf32, #tpu.memory_space<vmem>>, %arg19: memref<512x512xf32, #tpu.memory_space<vmem>>, %arg20: memref<512x512xbf16, #tpu.memory_space<vmem>>, %arg21: memref<1024x512xf32, #tpu.memory_space<vmem>>, %arg22: memref<1024x512xf32, #tpu.memory_space<vmem>>, %arg23: memref<1024x1024xf32, #tpu.memory_space<vmem>>, %arg24: memref<1024x512xf32, #tpu.memory_space<vmem>>, %arg25: memref<4x!tpu.dma_semaphore, #tpu.memory_space<semaphore_mem>>, %arg26: memref<!tpu.dma_semaphore, #tpu.memory_space<semaphore_mem>>, %arg27: memref<!tpu.dma_semaphore, #tpu.memory_space<semaphore_mem>>, %arg28: memref<!tpu.dma_semaphore, #tpu.memory_space<semaphore_mem>>, %arg29: memref<!tpu.dma_semaphore, #tpu.memory_space<semaphore_mem>>, %arg30: memref<!tpu.dma_semaphore, #tpu.memory_space<semaphore_mem>>) attributes {dimension_semantics = [], scalar_prefetch = 0 : i64, scratch_operands = 13 : i64, tpu.core_type = #tpu.core_type<tc>} {
    %dma_start3A = arith.constant 0 : i32
    %dma_start3A_0 = tpu.memref_slice %arg25[%dma_start3A] : memref<4x!tpu.dma_semaphore, #tpu.memory_space<semaphore_mem>> -> memref<1x!tpu.dma_semaphore, #tpu.memory_space<semaphore_mem>>
    %dma_start3A_1 = tpu.memref_squeeze %dma_start3A_0 : memref<1x!tpu.dma_semaphore, #tpu.memory_space<semaphore_mem>> -> memref<!tpu.dma_semaphore, #tpu.memory_space<semaphore_mem>>
    %dma_start3A_2 = arith.constant 0 : i32
    %dma_start3A_3 = arith.constant 0 : i32
    %dma_start3A_4 = tpu.memref_slice %arg18[%dma_start3A_2, %dma_start3A_3] : memref<4096x512xf32, #tpu.memory_space<vmem>> -> memref<1024x512xf32, #tpu.memory_space<vmem>>
    %dma_start3A_5 = arith.constant 0 : i32
    %dma_start3A_6 = arith.constant 0 : i32
    %dma_start3A_7 = tpu.memref_slice %arg11[%dma_start3A_5, %dma_start3A_6] : memref<4096x512xf32, #tpu.memory_space<any>> -> memref<1024x512xf32, #tpu.memory_space<any>>
    tpu.enqueue_dma source(%dma_start3A_7 : memref<1024x512xf32, #tpu.memory_space<any>>) target(%dma_start3A_4 : memref<1024x512xf32, #tpu.memory_space<vmem>>) target_semaphore(%dma_start3A_1 : memref<!tpu.dma_semaphore, #tpu.memory_space<semaphore_mem>>)
    tpu.enqueue_dma source(%arg12 : memref<512x512xf32, #tpu.memory_space<any>>) target(%arg19 : memref<512x512xf32, #tpu.memory_space<vmem>>) target_semaphore(%arg26 : memref<!tpu.dma_semaphore, #tpu.memory_space<semaphore_mem>>)
    %dma_start3A_8 = arith.constant 1 : i32
    %dma_start3A_9 = tpu.memref_slice %arg25[%dma_start3A_8] : memref<4x!tpu.dma_semaphore, #tpu.memory_space<semaphore_mem>> -> memref<1x!tpu.dma_semaphore, #tpu.memory_space<semaphore_mem>>
    %dma_start3A_10 = tpu.memref_squeeze %dma_start3A_9 : memref<1x!tpu.dma_semaphore, #tpu.memory_space<semaphore_mem>> -> memref<!tpu.dma_semaphore, #tpu.memory_space<semaphore_mem>>
    %dma_start3A_11 = arith.constant 1024 : i32
    %dma_start3A_12 = arith.constant 0 : i32
    %dma_start3A_13 = tpu.memref_slice %arg18[%dma_start3A_11, %dma_start3A_12] : memref<4096x512xf32, #tpu.memory_space<vmem>> -> memref<1024x512xf32, #tpu.memory_space<vmem>>
    %dma_start3A_14 = arith.constant 1024 : i32
    %dma_start3A_15 = arith.constant 0 : i32
    %dma_start3A_16 = tpu.memref_slice %arg11[%dma_start3A_14, %dma_start3A_15] : memref<4096x512xf32, #tpu.memory_space<any>> -> memref<1024x512xf32, #tpu.memory_space<any>>
    tpu.enqueue_dma source(%dma_start3A_16 : memref<1024x512xf32, #tpu.memory_space<any>>) target(%dma_start3A_13 : memref<1024x512xf32, #tpu.memory_space<vmem>>) target_semaphore(%dma_start3A_10 : memref<!tpu.dma_semaphore, #tpu.memory_space<semaphore_mem>>)
    %get3A = arith.constant 0 : index
    %get3A_17 = memref.load %arg0[%get3A] : memref<1xi32, #tpu.memory_space<smem>>
    %jit3A = arith.constant 729 : i32
    %div3A = arith.divsi %get3A_17, %jit3A : i32
    %sign3A = arith.constant 0 : i32
    %sign3A_18 = arith.cmpi sgt, %get3A_17, %sign3A : i32
    %sign3A_19 = arith.extui %sign3A_18 : i1 to i32
    %sign3A_20 = arith.constant 0 : i32
    %sign3A_21 = arith.cmpi slt, %get3A_17, %sign3A_20 : i32
    %sign3A_22 = arith.extui %sign3A_21 : i1 to i32
    %sign3A_23 = arith.subi %sign3A_19, %sign3A_22 : i32
    %sign3A_24 = arith.constant 0 : i32
    %sign3A_25 = arith.cmpi sgt, %jit3A, %sign3A_24 : i32
    %sign3A_26 = arith.extui %sign3A_25 : i1 to i32
    %sign3A_27 = arith.constant 0 : i32
    %sign3A_28 = arith.cmpi slt, %jit3A, %sign3A_27 : i32
    %sign3A_29 = arith.extui %sign3A_28 : i1 to i32
    %sign3A_30 = arith.subi %sign3A_26, %sign3A_29 : i32
    %ne3A = arith.cmpi ne, %sign3A_23, %sign3A_30 : i32
    %rem3A = arith.remsi %get3A_17, %jit3A : i32
    %ne3A_31 = arith.constant 0 : i32
    %ne3A_32 = arith.cmpi ne, %rem3A, %ne3A_31 : i32
    %and3A = arith.andi %ne3A, %ne3A_32 : i1
    %sub3A = arith.constant 1 : i32
    %sub3A_33 = arith.subi %div3A, %sub3A : i32
    %select_n3A = arith.select %and3A, %sub3A_33, %div3A : i32
    %convert_element_type3A = arith.sitofp %select_n3A : i32 to f32
    %jit3A_34 = arith.constant 27 : i32
    %div3A_35 = arith.divsi %get3A_17, %jit3A_34 : i32
    %sign3A_36 = arith.constant 0 : i32
    %sign3A_37 = arith.cmpi sgt, %get3A_17, %sign3A_36 : i32
    %sign3A_38 = arith.extui %sign3A_37 : i1 to i32
    %sign3A_39 = arith.constant 0 : i32
    %sign3A_40 = arith.cmpi slt, %get3A_17, %sign3A_39 : i32
    %sign3A_41 = arith.extui %sign3A_40 : i1 to i32
    %sign3A_42 = arith.subi %sign3A_38, %sign3A_41 : i32
    %sign3A_43 = arith.constant 0 : i32
    %sign3A_44 = arith.cmpi sgt, %jit3A_34, %sign3A_43 : i32
    %sign3A_45 = arith.extui %sign3A_44 : i1 to i32
    %sign3A_46 = arith.constant 0 : i32
    %sign3A_47 = arith.cmpi slt, %jit3A_34, %sign3A_46 : i32
    %sign3A_48 = arith.extui %sign3A_47 : i1 to i32
    %sign3A_49 = arith.subi %sign3A_45, %sign3A_48 : i32
    %ne3A_50 = arith.cmpi ne, %sign3A_42, %sign3A_49 : i32
    %rem3A_51 = arith.remsi %get3A_17, %jit3A_34 : i32
    %ne3A_52 = arith.constant 0 : i32
    %ne3A_53 = arith.cmpi ne, %rem3A_51, %ne3A_52 : i32
    %and3A_54 = arith.andi %ne3A_50, %ne3A_53 : i1
    %sub3A_55 = arith.constant 1 : i32
    %sub3A_56 = arith.subi %div3A_35, %sub3A_55 : i32
    %select_n3A_57 = arith.select %and3A_54, %sub3A_56, %div3A_35 : i32
    %jit3A_58 = arith.constant 27 : i32
    %eq3A = arith.constant 0 : i32
    %eq3A_59 = arith.cmpi eq, %jit3A_58, %eq3A : i32
    %jit3A_60 = arith.constant 1 : i32
    %select_n3A_61 = arith.select %eq3A_59, %jit3A_60, %jit3A_58 : i32
    %rem3A_62 = arith.remsi %select_n3A_57, %select_n3A_61 : i32
    %ne3A_63 = arith.constant 0 : i32
    %ne3A_64 = arith.cmpi ne, %rem3A_62, %ne3A_63 : i32
    %lt3A = arith.constant 0 : i32
    %lt3A_65 = arith.cmpi slt, %rem3A_62, %lt3A : i32
    %lt3A_66 = arith.constant 0 : i32
    %lt3A_67 = arith.cmpi slt, %select_n3A_61, %lt3A_66 : i32
    %ne3A_68 = arith.xori %lt3A_65, %lt3A_67 : i1
    %and3A_69 = arith.andi %ne3A_68, %ne3A_64 : i1
    %add3A = arith.addi %rem3A_62, %select_n3A_61 : i32
    %select_n3A_70 = arith.select %and3A_69, %add3A, %rem3A_62 : i32
    %convert_element_type3A_71 = arith.sitofp %select_n3A_70 : i32 to f32
    %jit3A_72 = arith.constant 27 : i32
    %eq3A_73 = arith.constant 0 : i32
    %eq3A_74 = arith.cmpi eq, %jit3A_72, %eq3A_73 : i32
    %jit3A_75 = arith.constant 1 : i32
    %select_n3A_76 = arith.select %eq3A_74, %jit3A_75, %jit3A_72 : i32
    %rem3A_77 = arith.remsi %get3A_17, %select_n3A_76 : i32
    %ne3A_78 = arith.constant 0 : i32
    %ne3A_79 = arith.cmpi ne, %rem3A_77, %ne3A_78 : i32
    %lt3A_80 = arith.constant 0 : i32
    %lt3A_81 = arith.cmpi slt, %rem3A_77, %lt3A_80 : i32
    %lt3A_82 = arith.constant 0 : i32
    %lt3A_83 = arith.cmpi slt, %select_n3A_76, %lt3A_82 : i32
    %ne3A_84 = arith.xori %lt3A_81, %lt3A_83 : i1
    %and3A_85 = arith.andi %ne3A_84, %ne3A_79 : i1
    %add3A_86 = arith.addi %rem3A_77, %select_n3A_76 : i32
    %select_n3A_87 = arith.select %and3A_85, %add3A_86, %rem3A_77 : i32
    %convert_element_type3A_88 = arith.sitofp %select_n3A_87 : i32 to f32
    tpu.wait_dma2 semaphore(%arg26 : memref<!tpu.dma_semaphore, #tpu.memory_space<semaphore_mem>>) src(%arg12 : memref<512x512xf32, #tpu.memory_space<any>>) dst(%arg19 : memref<512x512xf32, #tpu.memory_space<vmem>>)
    %get3A_89 = arith.constant 0 : index
    %get3A_90 = arith.constant 0 : index
    %get3A_91 = vector.load %arg19[%get3A_89, %get3A_90] : memref<512x512xf32, #tpu.memory_space<vmem>>, vector<512x512xf32>
    %convert_element_type3A_92 = arith.truncf %get3A_91 : vector<512x512xf32> to vector<512x512xbf16>
    %swap3A = arith.constant 0 : index
    %swap3A_93 = arith.constant 0 : index
    %swap3A_94 = vector.load %arg20[%swap3A, %swap3A_93] : memref<512x512xbf16, #tpu.memory_space<vmem>>, vector<512x512xbf16>
    tpu.vector_store %arg20[%swap3A, %swap3A_93], %convert_element_type3A_92 {strides = array<i32>} : memref<512x512xbf16, #tpu.memory_space<vmem>>, vector<512x512xbf16>,
    %broadcast_in_dim3A = arith.constant 0.000000e+00 : f32
    %broadcast_in_dim3A_95 = vector.broadcast %broadcast_in_dim3A : f32 to vector<1x512xf32>
    %broadcast_in_dim3A_96 = arith.constant 0.000000e+00 : f32
    %broadcast_in_dim3A_97 = vector.broadcast %broadcast_in_dim3A_96 : f32 to vector<1x512xf32>
    %broadcast_in_dim3A_98 = arith.constant 0.000000e+00 : f32
    %broadcast_in_dim3A_99 = vector.broadcast %broadcast_in_dim3A_98 : f32 to vector<1x512xf32>
    %broadcast_in_dim3A_100 = arith.constant 0.000000e+00 : f32
    %broadcast_in_dim3A_101 = vector.broadcast %broadcast_in_dim3A_100 : f32 to vector<1x512xf32>
    %get3A_102 = arith.constant 0 : index
    %get3A_103 = arith.constant 0 : index
    %get3A_104 = vector.load %arg10[%get3A_102, %get3A_103] : memref<32x48xf32, #tpu.memory_space<vmem>>, vector<32x48xf32>
    %slice3A = vector.extract_strided_slice %get3A_104 {offsets = [0, 0], sizes = [32, 16], strides = [1, 1]} : vector<32x48xf32> to vector<32x16xf32>
    %reduce_sum3A = vector.shape_cast %slice3A : vector<32x16xf32> to vector<1x32x16xf32>
    %reduce_sum3A_105 = arith.constant dense<0.000000e+00> : vector<1xf32>
    %reduce_sum3A_106 = vector.multi_reduction <add>, %reduce_sum3A, %reduce_sum3A_105 [1, 2] : vector<1x32x16xf32> to vector<1xf32>
    %reduce_sum3A_107 = vector.shape_cast %reduce_sum3A_106 : vector<1xf32> to vector<1x1x1xf32>
    %reduce_sum3A_108 = vector.extract %reduce_sum3A_107[0, 0, 0] : f32 from vector<1x1x1xf32>
    %slice3A_109 = vector.extract_strided_slice %get3A_104 {offsets = [0, 16], sizes = [32, 16], strides = [1, 1]} : vector<32x48xf32> to vector<32x16xf32>
    %reduce_sum3A_110 = vector.shape_cast %slice3A_109 : vector<32x16xf32> to vector<1x32x16xf32>
    %reduce_sum3A_111 = arith.constant dense<0.000000e+00> : vector<1xf32>
    %reduce_sum3A_112 = vector.multi_reduction <add>, %reduce_sum3A_110, %reduce_sum3A_111 [1, 2] : vector<1x32x16xf32> to vector<1xf32>
    %reduce_sum3A_113 = vector.shape_cast %reduce_sum3A_112 : vector<1xf32> to vector<1x1x1xf32>
    %reduce_sum3A_114 = vector.extract %reduce_sum3A_113[0, 0, 0] : f32 from vector<1x1x1xf32>
    %slice3A_115 = vector.extract_strided_slice %get3A_104 {offsets = [0, 32], sizes = [32, 16], strides = [1, 1]} : vector<32x48xf32> to vector<32x16xf32>
    %reduce_sum3A_116 = vector.shape_cast %slice3A_115 : vector<32x16xf32> to vector<1x32x16xf32>
    %reduce_sum3A_117 = arith.constant dense<0.000000e+00> : vector<1xf32>
    %reduce_sum3A_118 = vector.multi_reduction <add>, %reduce_sum3A_116, %reduce_sum3A_117 [1, 2] : vector<1x32x16xf32> to vector<1xf32>
    %reduce_sum3A_119 = vector.shape_cast %reduce_sum3A_118 : vector<1xf32> to vector<1x1x1xf32>
    %reduce_sum3A_120 = vector.extract %reduce_sum3A_119[0, 0, 0] : f32 from vector<1x1x1xf32>
    %get3A_121 = arith.constant 0 : index
    %get3A_122 = arith.constant 0 : index
    %get3A_123 = arith.constant 0 : index
    %get3A_124 = vector.load %arg1[%get3A_121, %get3A_122, %get3A_123] : memref<4x1x1024xi32, #tpu.memory_space<vmem>>, vector<1x1x1024xi32>
    %get3A_125 = vector.shape_cast %get3A_124 : vector<1x1x1024xi32> to vector<1x1024xi32>
    %convert_element_type3A_126 = arith.sitofp %get3A_125 : vector<1x1024xi32> to vector<1x1024xf32>
    %mul3A = arith.constant 0.00137174211 : f32
    %mul3A_127 = vector.broadcast %mul3A : f32 to vector<1x1024xf32>
    %mul3A_128 = arith.mulf %convert_element_type3A_126, %mul3A_127 : vector<1x1024xf32>
    %floor3A = math.floor %mul3A_128 : vector<1x1024xf32>
    %mul3A_129 = arith.constant 7.290000e+02 : f32
    %mul3A_130 = vector.broadcast %mul3A_129 : f32 to vector<1x1024xf32>
    %mul3A_131 = arith.mulf %mul3A_130, %floor3A : vector<1x1024xf32>
    %sub3A_132 = arith.subf %convert_element_type3A_126, %mul3A_131 : vector<1x1024xf32>
    %mul3A_133 = arith.constant 0.0370370373 : f32
    %mul3A_134 = vector.broadcast %mul3A_133 : f32 to vector<1x1024xf32>
    %mul3A_135 = arith.mulf %sub3A_132, %mul3A_134 : vector<1x1024xf32>
    %floor3A_136 = math.floor %mul3A_135 : vector<1x1024xf32>
    %mul3A_137 = arith.constant 2.700000e+01 : f32
    %mul3A_138 = vector.broadcast %mul3A_137 : f32 to vector<1x1024xf32>
    %mul3A_139 = arith.mulf %mul3A_138, %floor3A_136 : vector<1x1024xf32>
    %sub3A_140 = arith.subf %sub3A_132, %mul3A_139 : vector<1x1024xf32>
    %sub3A_141 = vector.broadcast %convert_element_type3A : f32 to vector<1x1024xf32>
    %sub3A_142 = arith.subf %floor3A, %sub3A_141 : vector<1x1024xf32>
    %integer_pow3A = arith.mulf %sub3A_142, %sub3A_142 : vector<1x1024xf32>
    %sub3A_143 = vector.broadcast %convert_element_type3A_71 : f32 to vector<1x1024xf32>
    %sub3A_144 = arith.subf %floor3A_136, %sub3A_143 : vector<1x1024xf32>
    %integer_pow3A_145 = arith.mulf %sub3A_144, %sub3A_144 : vector<1x1024xf32>
    %add3A_146 = arith.addf %integer_pow3A, %integer_pow3A_145 : vector<1x1024xf32>
    %sub3A_147 = vector.broadcast %convert_element_type3A_88 : f32 to vector<1x1024xf32>
    %sub3A_148 = arith.subf %sub3A_140, %sub3A_147 : vector<1x1024xf32>
    %integer_pow3A_149 = arith.mulf %sub3A_148, %sub3A_148 : vector<1x1024xf32>
    %add3A_150 = arith.addf %add3A_146, %integer_pow3A_149 : vector<1x1024xf32>
    %le3A = arith.constant 3.240000e+00 : f32
    %le3A_151 = vector.broadcast %le3A : f32 to vector<1x1024xf32>
    %le3A_152 = arith.cmpf ole, %add3A_150, %le3A_151 : vector<1x1024xf32>
    %jit3A_153 = arith.constant 1.000000e+00 : f32
    %jit3A_154 = arith.constant 0.000000e+00 : f32
    %broadcast_in_dim3A_155 = vector.broadcast %jit3A_153 : f32 to vector<1x1024xf32>
    %broadcast_in_dim3A_156 = vector.broadcast %jit3A_154 : f32 to vector<1x1024xf32>
    %select_n3A_157 = arith.select %le3A_152, %broadcast_in_dim3A_155, %broadcast_in_dim3A_156 : vector<1x1024xi1>, vector<1x1024xf32>
    %gt3A = arith.constant 3.600000e+01 : f32
    %gt3A_158 = vector.broadcast %gt3A : f32 to vector<1x1024xf32>
    %gt3A_159 = arith.cmpf ogt, %add3A_150, %gt3A_158 : vector<1x1024xf32>
    %jit3A_160 = arith.constant 1.000000e+00 : f32
    %jit3A_161 = arith.constant 0.000000e+00 : f32
    %broadcast_in_dim3A_162 = vector.broadcast %jit3A_160 : f32 to vector<1x1024xf32>
    %broadcast_in_dim3A_163 = vector.broadcast %jit3A_161 : f32 to vector<1x1024xf32>
    %select_n3A_164 = arith.select %gt3A_159, %broadcast_in_dim3A_162, %broadcast_in_dim3A_163 : vector<1x1024xi1>, vector<1x1024xf32>
    %sub3A_165 = arith.constant 1.000000e+00 : f32
    %sub3A_166 = vector.broadcast %sub3A_165 : f32 to vector<1x1024xf32>
    %sub3A_167 = arith.subf %sub3A_166, %select_n3A_157 : vector<1x1024xf32>
    %sub3A_168 = arith.subf %sub3A_167, %select_n3A_164 : vector<1x1024xf32>
    %iota3A = tpu.iota {dimensions = array<i32: 0>} : vector<8x1024xi32>
    %eq3A_169 = arith.constant 0 : i32
    %eq3A_170 = vector.broadcast %eq3A_169 : i32 to vector<8x1024xi32>
    %eq3A_171 = arith.cmpi eq, %iota3A, %eq3A_170 : vector<8x1024xi32>
    %eq3A_172 = arith.constant 1 : i32
    %eq3A_173 = vector.broadcast %eq3A_172 : i32 to vector<8x1024xi32>
    %eq3A_174 = arith.cmpi eq, %iota3A, %eq3A_173 : vector<8x1024xi32>
    %eq3A_175 = arith.constant 2 : i32
    %eq3A_176 = vector.broadcast %eq3A_175 : i32 to vector<8x1024xi32>
    %eq3A_177 = arith.cmpi eq, %iota3A, %eq3A_176 : vector<8x1024xi32>
    %jit3A_178 = arith.constant 0.000000e+00 : f32
    %broadcast_in_dim3A_179 = vector.shape_cast %select_n3A_164 : vector<1x1024xf32> to vector<1x1024xf32>
    %broadcast_in_dim3A_180 = vector.broadcast %broadcast_in_dim3A_179 : vector<1x1024xf32> to vector<8x1024xf32>
    %broadcast_in_dim3A_181 = vector.broadcast %jit3A_178 : f32 to vector<8x1024xf32>
    %select_n3A_182 = arith.select %eq3A_177, %broadcast_in_dim3A_180, %broadcast_in_dim3A_181 : vector<8x1024xi1>, vector<8x1024xf32>
    %broadcast_in_dim3A_183 = vector.shape_cast %sub3A_168 : vector<1x1024xf32> to vector<1x1024xf32>
    %broadcast_in_dim3A_184 = vector.broadcast %broadcast_in_dim3A_183 : vector<1x1024xf32> to vector<8x1024xf32>
    %select_n3A_185 = arith.select %eq3A_174, %broadcast_in_dim3A_184, %select_n3A_182 : vector<8x1024xi1>, vector<8x1024xf32>
    %broadcast_in_dim3A_186 = vector.shape_cast %select_n3A_157 : vector<1x1024xf32> to vector<1x1024xf32>
    %broadcast_in_dim3A_187 = vector.broadcast %broadcast_in_dim3A_186 : vector<1x1024xf32> to vector<8x1024xf32>
    %select_n3A_188 = arith.select %eq3A_171, %broadcast_in_dim3A_187, %select_n3A_185 : vector<8x1024xi1>, vector<8x1024xf32>
    %transpose3A = tpu.transpose %select_n3A_188, [1, 0] : vector<8x1024xf32> -> vector<1024x8xf32>
    %slice3A_189 = vector.extract_strided_slice %transpose3A {offsets = [0, 0], sizes = [1024, 1], strides = [1, 1]} : vector<1024x8xf32> to vector<1024x1xf32>
    %slice3A_190 = vector.extract_strided_slice %transpose3A {offsets = [0, 1], sizes = [1024, 1], strides = [1, 1]} : vector<1024x8xf32> to vector<1024x1xf32>
    %slice3A_191 = vector.extract_strided_slice %transpose3A {offsets = [0, 2], sizes = [1024, 1], strides = [1, 1]} : vector<1024x8xf32> to vector<1024x1xf32>
    %dma_wait3A = arith.constant 0 : i32
    %dma_wait3A_192 = tpu.memref_slice %arg25[%dma_wait3A] : memref<4x!tpu.dma_semaphore, #tpu.memory_space<semaphore_mem>> -> memref<1x!tpu.dma_semaphore, #tpu.memory_space<semaphore_mem>>
    %dma_wait3A_193 = tpu.memref_squeeze %dma_wait3A_192 : memref<1x!tpu.dma_semaphore, #tpu.memory_space<semaphore_mem>> -> memref<!tpu.dma_semaphore, #tpu.memory_space<semaphore_mem>>
    %dma_wait3A_194 = arith.constant 0 : i32
    %dma_wait3A_195 = arith.constant 0 : i32
    %dma_wait3A_196 = tpu.memref_slice %arg18[%dma_wait3A_194, %dma_wait3A_195] : memref<4096x512xf32, #tpu.memory_space<vmem>> -> memref<1024x512xf32, #tpu.memory_space<vmem>>
    %dma_wait3A_197 = arith.constant 0 : i32
    %dma_wait3A_198 = arith.constant 0 : i32
    %dma_wait3A_199 = tpu.memref_slice %arg11[%dma_wait3A_197, %dma_wait3A_198] : memref<4096x512xf32, #tpu.memory_space<any>> -> memref<1024x512xf32, #tpu.memory_space<any>>
    tpu.wait_dma2 semaphore(%dma_wait3A_193 : memref<!tpu.dma_semaphore, #tpu.memory_space<semaphore_mem>>) src(%dma_wait3A_199 : memref<1024x512xf32, #tpu.memory_space<any>>) dst(%dma_wait3A_196 : memref<1024x512xf32, #tpu.memory_space<vmem>>)
    %dma_start3A_200 = arith.constant 2 : i32
    %dma_start3A_201 = tpu.memref_slice %arg25[%dma_start3A_200] : memref<4x!tpu.dma_semaphore, #tpu.memory_space<semaphore_mem>> -> memref<1x!tpu.dma_semaphore, #tpu.memory_space<semaphore_mem>>
    %dma_start3A_202 = tpu.memref_squeeze %dma_start3A_201 : memref<1x!tpu.dma_semaphore, #tpu.memory_space<semaphore_mem>> -> memref<!tpu.dma_semaphore, #tpu.memory_space<semaphore_mem>>
    %dma_start3A_203 = arith.constant 2048 : i32
    %dma_start3A_204 = arith.constant 0 : i32
    %dma_start3A_205 = tpu.memref_slice %arg18[%dma_start3A_203, %dma_start3A_204] : memref<4096x512xf32, #tpu.memory_space<vmem>> -> memref<1024x512xf32, #tpu.memory_space<vmem>>
    %dma_start3A_206 = arith.constant 2048 : i32
    %dma_start3A_207 = arith.constant 0 : i32
    %dma_start3A_208 = tpu.memref_slice %arg11[%dma_start3A_206, %dma_start3A_207] : memref<4096x512xf32, #tpu.memory_space<any>> -> memref<1024x512xf32, #tpu.memory_space<any>>
    tpu.enqueue_dma source(%dma_start3A_208 : memref<1024x512xf32, #tpu.memory_space<any>>) target(%dma_start3A_205 : memref<1024x512xf32, #tpu.memory_space<vmem>>) target_semaphore(%dma_start3A_202 : memref<!tpu.dma_semaphore, #tpu.memory_space<semaphore_mem>>)
    tpu.enqueue_dma source(%arg13 : memref<1024x512xf32, #tpu.memory_space<any>>) target(%arg21 : memref<1024x512xf32, #tpu.memory_space<vmem>>) target_semaphore(%arg27 : memref<!tpu.dma_semaphore, #tpu.memory_space<semaphore_mem>>)
    tpu.enqueue_dma source(%arg14 : memref<1024x512xf32, #tpu.memory_space<any>>) target(%arg22 : memref<1024x512xf32, #tpu.memory_space<vmem>>) target_semaphore(%arg28 : memref<!tpu.dma_semaphore, #tpu.memory_space<semaphore_mem>>)
    %get3A_209 = arith.constant 0 : index
    %get3A_210 = arith.constant 0 : index
    %get3A_211 = vector.load %arg18[%get3A_209, %get3A_210] : memref<4096x512xf32, #tpu.memory_space<vmem>>, vector<1024x512xf32>
    %mul3A_212 = vector.broadcast %slice3A_189 : vector<1024x1xf32> to vector<1024x512xf32>
    %mul3A_213 = arith.mulf %get3A_211, %mul3A_212 : vector<1024x512xf32>
    %reduce_sum3A_214 = arith.constant dense<0.000000e+00> : vector<512xf32>
    %reduce_sum3A_215 = vector.multi_reduction <add>, %mul3A_213, %reduce_sum3A_214 [0] : vector<1024x512xf32> to vector<512xf32>
    %broadcast_in_dim3A_216 = vector.shape_cast %reduce_sum3A_215 : vector<512xf32> to vector<1x512xf32>
    %add3A_217 = arith.addf %broadcast_in_dim3A_95, %broadcast_in_dim3A_216 : vector<1x512xf32>
    %mul3A_218 = vector.broadcast %slice3A_191 : vector<1024x1xf32> to vector<1024x512xf32>
    %mul3A_219 = arith.mulf %get3A_211, %mul3A_218 : vector<1024x512xf32>
    %reduce_sum3A_220 = arith.constant dense<0.000000e+00> : vector<512xf32>
    %reduce_sum3A_221 = vector.multi_reduction <add>, %mul3A_219, %reduce_sum3A_220 [0] : vector<1024x512xf32> to vector<512xf32>
    %broadcast_in_dim3A_222 = vector.shape_cast %reduce_sum3A_221 : vector<512xf32> to vector<1x512xf32>
    %add3A_223 = arith.addf %broadcast_in_dim3A_97, %broadcast_in_dim3A_222 : vector<1x512xf32>
    %reduce_sum3A_224 = arith.constant dense<0.000000e+00> : vector<512xf32>
    %reduce_sum3A_225 = vector.multi_reduction <add>, %get3A_211, %reduce_sum3A_224 [0] : vector<1024x512xf32> to vector<512xf32>
    %broadcast_in_dim3A_226 = vector.shape_cast %reduce_sum3A_225 : vector<512xf32> to vector<1x512xf32>
    %add3A_227 = arith.addf %broadcast_in_dim3A_99, %broadcast_in_dim3A_226 : vector<1x512xf32>
    %convert_element_type3A_228 = arith.truncf %get3A_211 : vector<1024x512xf32> to vector<1024x512xbf16>
    %get3A_229 = arith.constant 0 : index
    %get3A_230 = arith.constant 0 : index
    %get3A_231 = vector.load %arg20[%get3A_229, %get3A_230] : memref<512x512xbf16, #tpu.memory_space<vmem>>, vector<512x512xbf16>
    %dot_general3A = arith.constant dense<0.000000e+00> : vector<1024x512xf32>
    %dot_general3A_232 = tpu.matmul %convert_element_type3A_228, %get3A_231, %dot_general3A {dimension_numbers = #tpu.dot_dimension_numbers<[1], [0], [0], [1], [0, 0, 1, 1], [], []>, transpose_lhs_hint = false} : vector<1024x512xbf16>, vector<512x512xbf16>, vector<1024x512xf32> -> vector<1024x512xf32>
    %get3A_233 = arith.constant 0 : index
    %get3A_234 = arith.constant 0 : index
    %get3A_235 = vector.load %arg3[%get3A_233, %get3A_234] : memref<1x512xf32, #tpu.memory_space<vmem>>, vector<1x512xf32>
    %add3A_236 = vector.broadcast %get3A_235 : vector<1x512xf32> to vector<1024x512xf32>
    %add3A_237 = arith.addf %dot_general3A_232, %add3A_236 : vector<1024x512xf32>
    %tanh3A = math.tanh %add3A_237 : vector<1024x512xf32>
    %mul3A_238 = vector.broadcast %slice3A_190 : vector<1024x1xf32> to vector<1024x512xf32>
    %mul3A_239 = arith.mulf %tanh3A, %mul3A_238 : vector<1024x512xf32>
    %reduce_sum3A_240 = arith.constant dense<0.000000e+00> : vector<512xf32>
    %reduce_sum3A_241 = vector.multi_reduction <add>, %mul3A_239, %reduce_sum3A_240 [0] : vector<1024x512xf32> to vector<512xf32>
    %broadcast_in_dim3A_242 = vector.shape_cast %reduce_sum3A_241 : vector<512xf32> to vector<1x512xf32>
    %add3A_243 = arith.addf %broadcast_in_dim3A_101, %broadcast_in_dim3A_242 : vector<1x512xf32>
    %get3A_244 = arith.constant 1 : index
    %get3A_245 = arith.constant 0 : index
    %get3A_246 = arith.constant 0 : index
    %get3A_247 = vector.load %arg1[%get3A_244, %get3A_245, %get3A_246] : memref<4x1x1024xi32, #tpu.memory_space<vmem>>, vector<1x1x1024xi32>
    %get3A_248 = vector.shape_cast %get3A_247 : vector<1x1x1024xi32> to vector<1x1024xi32>
    %convert_element_type3A_249 = arith.sitofp %get3A_248 : vector<1x1024xi32> to vector<1x1024xf32>
    %mul3A_250 = arith.constant 0.00137174211 : f32
    %mul3A_251 = vector.broadcast %mul3A_250 : f32 to vector<1x1024xf32>
    %mul3A_252 = arith.mulf %convert_element_type3A_249, %mul3A_251 : vector<1x1024xf32>
    %floor3A_253 = math.floor %mul3A_252 : vector<1x1024xf32>
    %mul3A_254 = arith.constant 7.290000e+02 : f32
    %mul3A_255 = vector.broadcast %mul3A_254 : f32 to vector<1x1024xf32>
    %mul3A_256 = arith.mulf %mul3A_255, %floor3A_253 : vector<1x1024xf32>
    %sub3A_257 = arith.subf %convert_element_type3A_249, %mul3A_256 : vector<1x1024xf32>
    %mul3A_258 = arith.constant 0.0370370373 : f32
    %mul3A_259 = vector.broadcast %mul3A_258 : f32 to vector<1x1024xf32>
    %mul3A_260 = arith.mulf %sub3A_257, %mul3A_259 : vector<1x1024xf32>
    %floor3A_261 = math.floor %mul3A_260 : vector<1x1024xf32>
    %mul3A_262 = arith.constant 2.700000e+01 : f32
    %mul3A_263 = vector.broadcast %mul3A_262 : f32 to vector<1x1024xf32>
    %mul3A_264 = arith.mulf %mul3A_263, %floor3A_261 : vector<1x1024xf32>
    %sub3A_265 = arith.subf %sub3A_257, %mul3A_264 : vector<1x1024xf32>
    %sub3A_266 = vector.broadcast %convert_element_type3A : f32 to vector<1x1024xf32>
    %sub3A_267 = arith.subf %floor3A_253, %sub3A_266 : vector<1x1024xf32>
    %integer_pow3A_268 = arith.mulf %sub3A_267, %sub3A_267 : vector<1x1024xf32>
    %sub3A_269 = vector.broadcast %convert_element_type3A_71 : f32 to vector<1x1024xf32>
    %sub3A_270 = arith.subf %floor3A_261, %sub3A_269 : vector<1x1024xf32>
    %integer_pow3A_271 = arith.mulf %sub3A_270, %sub3A_270 : vector<1x1024xf32>
    %add3A_272 = arith.addf %integer_pow3A_268, %integer_pow3A_271 : vector<1x1024xf32>
    %sub3A_273 = vector.broadcast %convert_element_type3A_88 : f32 to vector<1x1024xf32>
    %sub3A_274 = arith.subf %sub3A_265, %sub3A_273 : vector<1x1024xf32>
    %integer_pow3A_275 = arith.mulf %sub3A_274, %sub3A_274 : vector<1x1024xf32>
    %add3A_276 = arith.addf %add3A_272, %integer_pow3A_275 : vector<1x1024xf32>
    %le3A_277 = arith.constant 3.240000e+00 : f32
    %le3A_278 = vector.broadcast %le3A_277 : f32 to vector<1x1024xf32>
    %le3A_279 = arith.cmpf ole, %add3A_276, %le3A_278 : vector<1x1024xf32>
    %jit3A_280 = arith.constant 1.000000e+00 : f32
    %jit3A_281 = arith.constant 0.000000e+00 : f32
    %broadcast_in_dim3A_282 = vector.broadcast %jit3A_280 : f32 to vector<1x1024xf32>
    %broadcast_in_dim3A_283 = vector.broadcast %jit3A_281 : f32 to vector<1x1024xf32>
    %select_n3A_284 = arith.select %le3A_279, %broadcast_in_dim3A_282, %broadcast_in_dim3A_283 : vector<1x1024xi1>, vector<1x1024xf32>
    %gt3A_285 = arith.constant 3.600000e+01 : f32
    %gt3A_286 = vector.broadcast %gt3A_285 : f32 to vector<1x1024xf32>
    %gt3A_287 = arith.cmpf ogt, %add3A_276, %gt3A_286 : vector<1x1024xf32>
    %jit3A_288 = arith.constant 1.000000e+00 : f32
    %jit3A_289 = arith.constant 0.000000e+00 : f32
    %broadcast_in_dim3A_290 = vector.broadcast %jit3A_288 : f32 to vector<1x1024xf32>
    %broadcast_in_dim3A_291 = vector.broadcast %jit3A_289 : f32 to vector<1x1024xf32>
    %select_n3A_292 = arith.select %gt3A_287, %broadcast_in_dim3A_290, %broadcast_in_dim3A_291 : vector<1x1024xi1>, vector<1x1024xf32>
    %sub3A_293 = arith.constant 1.000000e+00 : f32
    %sub3A_294 = vector.broadcast %sub3A_293 : f32 to vector<1x1024xf32>
    %sub3A_295 = arith.subf %sub3A_294, %select_n3A_284 : vector<1x1024xf32>
    %sub3A_296 = arith.subf %sub3A_295, %select_n3A_292 : vector<1x1024xf32>
    %iota3A_297 = tpu.iota {dimensions = array<i32: 0>} : vector<8x1024xi32>
    %eq3A_298 = arith.constant 0 : i32
    %eq3A_299 = vector.broadcast %eq3A_298 : i32 to vector<8x1024xi32>
    %eq3A_300 = arith.cmpi eq, %iota3A_297, %eq3A_299 : vector<8x1024xi32>
    %eq3A_301 = arith.constant 1 : i32
    %eq3A_302 = vector.broadcast %eq3A_301 : i32 to vector<8x1024xi32>
    %eq3A_303 = arith.cmpi eq, %iota3A_297, %eq3A_302 : vector<8x1024xi32>
    %eq3A_304 = arith.constant 2 : i32
    %eq3A_305 = vector.broadcast %eq3A_304 : i32 to vector<8x1024xi32>
    %eq3A_306 = arith.cmpi eq, %iota3A_297, %eq3A_305 : vector<8x1024xi32>
    %jit3A_307 = arith.constant 0.000000e+00 : f32
    %broadcast_in_dim3A_308 = vector.shape_cast %select_n3A_292 : vector<1x1024xf32> to vector<1x1024xf32>
    %broadcast_in_dim3A_309 = vector.broadcast %broadcast_in_dim3A_308 : vector<1x1024xf32> to vector<8x1024xf32>
    %broadcast_in_dim3A_310 = vector.broadcast %jit3A_307 : f32 to vector<8x1024xf32>
    %select_n3A_311 = arith.select %eq3A_306, %broadcast_in_dim3A_309, %broadcast_in_dim3A_310 : vector<8x1024xi1>, vector<8x1024xf32>
    %broadcast_in_dim3A_312 = vector.shape_cast %sub3A_296 : vector<1x1024xf32> to vector<1x1024xf32>
    %broadcast_in_dim3A_313 = vector.broadcast %broadcast_in_dim3A_312 : vector<1x1024xf32> to vector<8x1024xf32>
    %select_n3A_314 = arith.select %eq3A_303, %broadcast_in_dim3A_313, %select_n3A_311 : vector<8x1024xi1>, vector<8x1024xf32>
    %broadcast_in_dim3A_315 = vector.shape_cast %select_n3A_284 : vector<1x1024xf32> to vector<1x1024xf32>
    %broadcast_in_dim3A_316 = vector.broadcast %broadcast_in_dim3A_315 : vector<1x1024xf32> to vector<8x1024xf32>
    %select_n3A_317 = arith.select %eq3A_300, %broadcast_in_dim3A_316, %select_n3A_314 : vector<8x1024xi1>, vector<8x1024xf32>
    %transpose3A_318 = tpu.transpose %select_n3A_317, [1, 0] : vector<8x1024xf32> -> vector<1024x8xf32>
    %slice3A_319 = vector.extract_strided_slice %transpose3A_318 {offsets = [0, 0], sizes = [1024, 1], strides = [1, 1]} : vector<1024x8xf32> to vector<1024x1xf32>
    %slice3A_320 = vector.extract_strided_slice %transpose3A_318 {offsets = [0, 1], sizes = [1024, 1], strides = [1, 1]} : vector<1024x8xf32> to vector<1024x1xf32>
    %slice3A_321 = vector.extract_strided_slice %transpose3A_318 {offsets = [0, 2], sizes = [1024, 1], strides = [1, 1]} : vector<1024x8xf32> to vector<1024x1xf32>
    %dma_wait3A_322 = arith.constant 1 : i32
    %dma_wait3A_323 = tpu.memref_slice %arg25[%dma_wait3A_322] : memref<4x!tpu.dma_semaphore, #tpu.memory_space<semaphore_mem>> -> memref<1x!tpu.dma_semaphore, #tpu.memory_space<semaphore_mem>>
    %dma_wait3A_324 = tpu.memref_squeeze %dma_wait3A_323 : memref<1x!tpu.dma_semaphore, #tpu.memory_space<semaphore_mem>> -> memref<!tpu.dma_semaphore, #tpu.memory_space<semaphore_mem>>
    %dma_wait3A_325 = arith.constant 1024 : i32
    %dma_wait3A_326 = arith.constant 0 : i32
    %dma_wait3A_327 = tpu.memref_slice %arg18[%dma_wait3A_325, %dma_wait3A_326] : memref<4096x512xf32, #tpu.memory_space<vmem>> -> memref<1024x512xf32, #tpu.memory_space<vmem>>
    %dma_wait3A_328 = arith.constant 1024 : i32
    %dma_wait3A_329 = arith.constant 0 : i32
    %dma_wait3A_330 = tpu.memref_slice %arg11[%dma_wait3A_328, %dma_wait3A_329] : memref<4096x512xf32, #tpu.memory_space<any>> -> memref<1024x512xf32, #tpu.memory_space<any>>
    tpu.wait_dma2 semaphore(%dma_wait3A_324 : memref<!tpu.dma_semaphore, #tpu.memory_space<semaphore_mem>>) src(%dma_wait3A_330 : memref<1024x512xf32, #tpu.memory_space<any>>) dst(%dma_wait3A_327 : memref<1024x512xf32, #tpu.memory_space<vmem>>)
    %dma_start3A_331 = arith.constant 3 : i32
    %dma_start3A_332 = tpu.memref_slice %arg25[%dma_start3A_331] : memref<4x!tpu.dma_semaphore, #tpu.memory_space<semaphore_mem>> -> memref<1x!tpu.dma_semaphore, #tpu.memory_space<semaphore_mem>>
    %dma_start3A_333 = tpu.memref_squeeze %dma_start3A_332 : memref<1x!tpu.dma_semaphore, #tpu.memory_space<semaphore_mem>> -> memref<!tpu.dma_semaphore, #tpu.memory_space<semaphore_mem>>
    %dma_start3A_334 = arith.constant 3072 : i32
    %dma_start3A_335 = arith.constant 0 : i32
    %dma_start3A_336 = tpu.memref_slice %arg18[%dma_start3A_334, %dma_start3A_335] : memref<4096x512xf32, #tpu.memory_space<vmem>> -> memref<1024x512xf32, #tpu.memory_space<vmem>>
    %dma_start3A_337 = arith.constant 3072 : i32
    %dma_start3A_338 = arith.constant 0 : i32
    %dma_start3A_339 = tpu.memref_slice %arg11[%dma_start3A_337, %dma_start3A_338] : memref<4096x512xf32, #tpu.memory_space<any>> -> memref<1024x512xf32, #tpu.memory_space<any>>
    tpu.enqueue_dma source(%dma_start3A_339 : memref<1024x512xf32, #tpu.memory_space<any>>) target(%dma_start3A_336 : memref<1024x512xf32, #tpu.memory_space<vmem>>) target_semaphore(%dma_start3A_333 : memref<!tpu.dma_semaphore, #tpu.memory_space<semaphore_mem>>)
    tpu.enqueue_dma source(%arg15 : memref<1024x1024xf32, #tpu.memory_space<any>>) target(%arg23 : memref<1024x1024xf32, #tpu.memory_space<vmem>>) target_semaphore(%arg29 : memref<!tpu.dma_semaphore, #tpu.memory_space<semaphore_mem>>)
    tpu.enqueue_dma source(%arg16 : memref<1024x512xf32, #tpu.memory_space<any>>) target(%arg24 : memref<1024x512xf32, #tpu.memory_space<vmem>>) target_semaphore(%arg30 : memref<!tpu.dma_semaphore, #tpu.memory_space<semaphore_mem>>)
    %get3A_340 = arith.constant 1024 : index
    %get3A_341 = arith.constant 0 : index
    %get3A_342 = vector.load %arg18[%get3A_340, %get3A_341] : memref<4096x512xf32, #tpu.memory_space<vmem>>, vector<1024x512xf32>
    %mul3A_343 = vector.broadcast %slice3A_319 : vector<1024x1xf32> to vector<1024x512xf32>
    %mul3A_344 = arith.mulf %get3A_342, %mul3A_343 : vector<1024x512xf32>
    %reduce_sum3A_345 = arith.constant dense<0.000000e+00> : vector<512xf32>
    %reduce_sum3A_346 = vector.multi_reduction <add>, %mul3A_344, %reduce_sum3A_345 [0] : vector<1024x512xf32> to vector<512xf32>
    %broadcast_in_dim3A_347 = vector.shape_cast %reduce_sum3A_346 : vector<512xf32> to vector<1x512xf32>
    %add3A_348 = arith.addf %add3A_217, %broadcast_in_dim3A_347 : vector<1x512xf32>
    %mul3A_349 = vector.broadcast %slice3A_321 : vector<1024x1xf32> to vector<1024x512xf32>
    %mul3A_350 = arith.mulf %get3A_342, %mul3A_349 : vector<1024x512xf32>
    %reduce_sum3A_351 = arith.constant dense<0.000000e+00> : vector<512xf32>
    %reduce_sum3A_352 = vector.multi_reduction <add>, %mul3A_350, %reduce_sum3A_351 [0] : vector<1024x512xf32> to vector<512xf32>
    %broadcast_in_dim3A_353 = vector.shape_cast %reduce_sum3A_352 : vector<512xf32> to vector<1x512xf32>
    %add3A_354 = arith.addf %add3A_223, %broadcast_in_dim3A_353 : vector<1x512xf32>
    %reduce_sum3A_355 = arith.constant dense<0.000000e+00> : vector<512xf32>
    %reduce_sum3A_356 = vector.multi_reduction <add>, %get3A_342, %reduce_sum3A_355 [0] : vector<1024x512xf32> to vector<512xf32>
    %broadcast_in_dim3A_357 = vector.shape_cast %reduce_sum3A_356 : vector<512xf32> to vector<1x512xf32>
    %add3A_358 = arith.addf %add3A_227, %broadcast_in_dim3A_357 : vector<1x512xf32>
    %convert_element_type3A_359 = arith.truncf %get3A_342 : vector<1024x512xf32> to vector<1024x512xbf16>
    %get3A_360 = arith.constant 0 : index
    %get3A_361 = arith.constant 0 : index
    %get3A_362 = vector.load %arg20[%get3A_360, %get3A_361] : memref<512x512xbf16, #tpu.memory_space<vmem>>, vector<512x512xbf16>
    %dot_general3A_363 = arith.constant dense<0.000000e+00> : vector<1024x512xf32>
    %dot_general3A_364 = tpu.matmul %convert_element_type3A_359, %get3A_362, %dot_general3A_363 {dimension_numbers = #tpu.dot_dimension_numbers<[1], [0], [0], [1], [0, 0, 1, 1], [], []>, transpose_lhs_hint = false} : vector<1024x512xbf16>, vector<512x512xbf16>, vector<1024x512xf32> -> vector<1024x512xf32>
    %get3A_365 = arith.constant 0 : index
    %get3A_366 = arith.constant 0 : index
    %get3A_367 = vector.load %arg3[%get3A_365, %get3A_366] : memref<1x512xf32, #tpu.memory_space<vmem>>, vector<1x512xf32>
    %add3A_368 = vector.broadcast %get3A_367 : vector<1x512xf32> to vector<1024x512xf32>
    %add3A_369 = arith.addf %dot_general3A_364, %add3A_368 : vector<1024x512xf32>
    %tanh3A_370 = math.tanh %add3A_369 : vector<1024x512xf32>
    %mul3A_371 = vector.broadcast %slice3A_320 : vector<1024x1xf32> to vector<1024x512xf32>
    %mul3A_372 = arith.mulf %tanh3A_370, %mul3A_371 : vector<1024x512xf32>
    %reduce_sum3A_373 = arith.constant dense<0.000000e+00> : vector<512xf32>
    %reduce_sum3A_374 = vector.multi_reduction <add>, %mul3A_372, %reduce_sum3A_373 [0] : vector<1024x512xf32> to vector<512xf32>
    %broadcast_in_dim3A_375 = vector.shape_cast %reduce_sum3A_374 : vector<512xf32> to vector<1x512xf32>
    %add3A_376 = arith.addf %add3A_243, %broadcast_in_dim3A_375 : vector<1x512xf32>
    %get3A_377 = arith.constant 2 : index
    %get3A_378 = arith.constant 0 : index
    %get3A_379 = arith.constant 0 : index
    %get3A_380 = vector.load %arg1[%get3A_377, %get3A_378, %get3A_379] : memref<4x1x1024xi32, #tpu.memory_space<vmem>>, vector<1x1x1024xi32>
    %get3A_381 = vector.shape_cast %get3A_380 : vector<1x1x1024xi32> to vector<1x1024xi32>
    %convert_element_type3A_382 = arith.sitofp %get3A_381 : vector<1x1024xi32> to vector<1x1024xf32>
    %mul3A_383 = arith.constant 0.00137174211 : f32
    %mul3A_384 = vector.broadcast %mul3A_383 : f32 to vector<1x1024xf32>
    %mul3A_385 = arith.mulf %convert_element_type3A_382, %mul3A_384 : vector<1x1024xf32>
    %floor3A_386 = math.floor %mul3A_385 : vector<1x1024xf32>
    %mul3A_387 = arith.constant 7.290000e+02 : f32
    %mul3A_388 = vector.broadcast %mul3A_387 : f32 to vector<1x1024xf32>
    %mul3A_389 = arith.mulf %mul3A_388, %floor3A_386 : vector<1x1024xf32>
    %sub3A_390 = arith.subf %convert_element_type3A_382, %mul3A_389 : vector<1x1024xf32>
    %mul3A_391 = arith.constant 0.0370370373 : f32
    %mul3A_392 = vector.broadcast %mul3A_391 : f32 to vector<1x1024xf32>
    %mul3A_393 = arith.mulf %sub3A_390, %mul3A_392 : vector<1x1024xf32>
    %floor3A_394 = math.floor %mul3A_393 : vector<1x1024xf32>
    %mul3A_395 = arith.constant 2.700000e+01 : f32
    %mul3A_396 = vector.broadcast %mul3A_395 : f32 to vector<1x1024xf32>
    %mul3A_397 = arith.mulf %mul3A_396, %floor3A_394 : vector<1x1024xf32>
    %sub3A_398 = arith.subf %sub3A_390, %mul3A_397 : vector<1x1024xf32>
    %sub3A_399 = vector.broadcast %convert_element_type3A : f32 to vector<1x1024xf32>
    %sub3A_400 = arith.subf %floor3A_386, %sub3A_399 : vector<1x1024xf32>
    %integer_pow3A_401 = arith.mulf %sub3A_400, %sub3A_400 : vector<1x1024xf32>
    %sub3A_402 = vector.broadcast %convert_element_type3A_71 : f32 to vector<1x1024xf32>
    %sub3A_403 = arith.subf %floor3A_394, %sub3A_402 : vector<1x1024xf32>
    %integer_pow3A_404 = arith.mulf %sub3A_403, %sub3A_403 : vector<1x1024xf32>
    %add3A_405 = arith.addf %integer_pow3A_401, %integer_pow3A_404 : vector<1x1024xf32>
    %sub3A_406 = vector.broadcast %convert_element_type3A_88 : f32 to vector<1x1024xf32>
    %sub3A_407 = arith.subf %sub3A_398, %sub3A_406 : vector<1x1024xf32>
    %integer_pow3A_408 = arith.mulf %sub3A_407, %sub3A_407 : vector<1x1024xf32>
    %add3A_409 = arith.addf %add3A_405, %integer_pow3A_408 : vector<1x1024xf32>
    %le3A_410 = arith.constant 3.240000e+00 : f32
    %le3A_411 = vector.broadcast %le3A_410 : f32 to vector<1x1024xf32>
    %le3A_412 = arith.cmpf ole, %add3A_409, %le3A_411 : vector<1x1024xf32>
    %jit3A_413 = arith.constant 1.000000e+00 : f32
    %jit3A_414 = arith.constant 0.000000e+00 : f32
    %broadcast_in_dim3A_415 = vector.broadcast %jit3A_413 : f32 to vector<1x1024xf32>
    %broadcast_in_dim3A_416 = vector.broadcast %jit3A_414 : f32 to vector<1x1024xf32>
    %select_n3A_417 = arith.select %le3A_412, %broadcast_in_dim3A_415, %broadcast_in_dim3A_416 : vector<1x1024xi1>, vector<1x1024xf32>
    %gt3A_418 = arith.constant 3.600000e+01 : f32
    %gt3A_419 = vector.broadcast %gt3A_418 : f32 to vector<1x1024xf32>
    %gt3A_420 = arith.cmpf ogt, %add3A_409, %gt3A_419 : vector<1x1024xf32>
    %jit3A_421 = arith.constant 1.000000e+00 : f32
    %jit3A_422 = arith.constant 0.000000e+00 : f32
    %broadcast_in_dim3A_423 = vector.broadcast %jit3A_421 : f32 to vector<1x1024xf32>
    %broadcast_in_dim3A_424 = vector.broadcast %jit3A_422 : f32 to vector<1x1024xf32>
    %select_n3A_425 = arith.select %gt3A_420, %broadcast_in_dim3A_423, %broadcast_in_dim3A_424 : vector<1x1024xi1>, vector<1x1024xf32>
    %sub3A_426 = arith.constant 1.000000e+00 : f32
    %sub3A_427 = vector.broadcast %sub3A_426 : f32 to vector<1x1024xf32>
    %sub3A_428 = arith.subf %sub3A_427, %select_n3A_417 : vector<1x1024xf32>
    %sub3A_429 = arith.subf %sub3A_428, %select_n3A_425 : vector<1x1024xf32>
    %iota3A_430 = tpu.iota {dimensions = array<i32: 0>} : vector<8x1024xi32>
    %eq3A_431 = arith.constant 0 : i32
    %eq3A_432 = vector.broadcast %eq3A_431 : i32 to vector<8x1024xi32>
    %eq3A_433 = arith.cmpi eq, %iota3A_430, %eq3A_432 : vector<8x1024xi32>
    %eq3A_434 = arith.constant 1 : i32
    %eq3A_435 = vector.broadcast %eq3A_434 : i32 to vector<8x1024xi32>
    %eq3A_436 = arith.cmpi eq, %iota3A_430, %eq3A_435 : vector<8x1024xi32>
    %eq3A_437 = arith.constant 2 : i32
    %eq3A_438 = vector.broadcast %eq3A_437 : i32 to vector<8x1024xi32>
    %eq3A_439 = arith.cmpi eq, %iota3A_430, %eq3A_438 : vector<8x1024xi32>
    %jit3A_440 = arith.constant 0.000000e+00 : f32
    %broadcast_in_dim3A_441 = vector.shape_cast %select_n3A_425 : vector<1x1024xf32> to vector<1x1024xf32>
    %broadcast_in_dim3A_442 = vector.broadcast %broadcast_in_dim3A_441 : vector<1x1024xf32> to vector<8x1024xf32>
    %broadcast_in_dim3A_443 = vector.broadcast %jit3A_440 : f32 to vector<8x1024xf32>
    %select_n3A_444 = arith.select %eq3A_439, %broadcast_in_dim3A_442, %broadcast_in_dim3A_443 : vector<8x1024xi1>, vector<8x1024xf32>
    %broadcast_in_dim3A_445 = vector.shape_cast %sub3A_429 : vector<1x1024xf32> to vector<1x1024xf32>
    %broadcast_in_dim3A_446 = vector.broadcast %broadcast_in_dim3A_445 : vector<1x1024xf32> to vector<8x1024xf32>
    %select_n3A_447 = arith.select %eq3A_436, %broadcast_in_dim3A_446, %select_n3A_444 : vector<8x1024xi1>, vector<8x1024xf32>
    %broadcast_in_dim3A_448 = vector.shape_cast %select_n3A_417 : vector<1x1024xf32> to vector<1x1024xf32>
    %broadcast_in_dim3A_449 = vector.broadcast %broadcast_in_dim3A_448 : vector<1x1024xf32> to vector<8x1024xf32>
    %select_n3A_450 = arith.select %eq3A_433, %broadcast_in_dim3A_449, %select_n3A_447 : vector<8x1024xi1>, vector<8x1024xf32>
    %transpose3A_451 = tpu.transpose %select_n3A_450, [1, 0] : vector<8x1024xf32> -> vector<1024x8xf32>
    %slice3A_452 = vector.extract_strided_slice %transpose3A_451 {offsets = [0, 0], sizes = [1024, 1], strides = [1, 1]} : vector<1024x8xf32> to vector<1024x1xf32>
    %slice3A_453 = vector.extract_strided_slice %transpose3A_451 {offsets = [0, 1], sizes = [1024, 1], strides = [1, 1]} : vector<1024x8xf32> to vector<1024x1xf32>
    %slice3A_454 = vector.extract_strided_slice %transpose3A_451 {offsets = [0, 2], sizes = [1024, 1], strides = [1, 1]} : vector<1024x8xf32> to vector<1024x1xf32>
    %dma_wait3A_455 = arith.constant 2 : i32
    %dma_wait3A_456 = tpu.memref_slice %arg25[%dma_wait3A_455] : memref<4x!tpu.dma_semaphore, #tpu.memory_space<semaphore_mem>> -> memref<1x!tpu.dma_semaphore, #tpu.memory_space<semaphore_mem>>
    %dma_wait3A_457 = tpu.memref_squeeze %dma_wait3A_456 : memref<1x!tpu.dma_semaphore, #tpu.memory_space<semaphore_mem>> -> memref<!tpu.dma_semaphore, #tpu.memory_space<semaphore_mem>>
    %dma_wait3A_458 = arith.constant 2048 : i32
    %dma_wait3A_459 = arith.constant 0 : i32
    %dma_wait3A_460 = tpu.memref_slice %arg18[%dma_wait3A_458, %dma_wait3A_459] : memref<4096x512xf32, #tpu.memory_space<vmem>> -> memref<1024x512xf32, #tpu.memory_space<vmem>>
    %dma_wait3A_461 = arith.constant 2048 : i32
    %dma_wait3A_462 = arith.constant 0 : i32
    %dma_wait3A_463 = tpu.memref_slice %arg11[%dma_wait3A_461, %dma_wait3A_462] : memref<4096x512xf32, #tpu.memory_space<any>> -> memref<1024x512xf32, #tpu.memory_space<any>>
    tpu.wait_dma2 semaphore(%dma_wait3A_457 : memref<!tpu.dma_semaphore, #tpu.memory_space<semaphore_mem>>) src(%dma_wait3A_463 : memref<1024x512xf32, #tpu.memory_space<any>>) dst(%dma_wait3A_460 : memref<1024x512xf32, #tpu.memory_space<vmem>>)
    %get3A_464 = arith.constant 2048 : index
    %get3A_465 = arith.constant 0 : index
    %get3A_466 = vector.load %arg18[%get3A_464, %get3A_465] : memref<4096x512xf32, #tpu.memory_space<vmem>>, vector<1024x512xf32>
    %mul3A_467 = vector.broadcast %slice3A_452 : vector<1024x1xf32> to vector<1024x512xf32>
    %mul3A_468 = arith.mulf %get3A_466, %mul3A_467 : vector<1024x512xf32>
    %reduce_sum3A_469 = arith.constant dense<0.000000e+00> : vector<512xf32>
    %reduce_sum3A_470 = vector.multi_reduction <add>, %mul3A_468, %reduce_sum3A_469 [0] : vector<1024x512xf32> to vector<512xf32>
    %broadcast_in_dim3A_471 = vector.shape_cast %reduce_sum3A_470 : vector<512xf32> to vector<1x512xf32>
    %add3A_472 = arith.addf %add3A_348, %broadcast_in_dim3A_471 : vector<1x512xf32>
    %mul3A_473 = vector.broadcast %slice3A_454 : vector<1024x1xf32> to vector<1024x512xf32>
    %mul3A_474 = arith.mulf %get3A_466, %mul3A_473 : vector<1024x512xf32>
    %reduce_sum3A_475 = arith.constant dense<0.000000e+00> : vector<512xf32>
    %reduce_sum3A_476 = vector.multi_reduction <add>, %mul3A_474, %reduce_sum3A_475 [0] : vector<1024x512xf32> to vector<512xf32>
    %broadcast_in_dim3A_477 = vector.shape_cast %reduce_sum3A_476 : vector<512xf32> to vector<1x512xf32>
    %add3A_478 = arith.addf %add3A_354, %broadcast_in_dim3A_477 : vector<1x512xf32>
    %reduce_sum3A_479 = arith.constant dense<0.000000e+00> : vector<512xf32>
    %reduce_sum3A_480 = vector.multi_reduction <add>, %get3A_466, %reduce_sum3A_479 [0] : vector<1024x512xf32> to vector<512xf32>
    %broadcast_in_dim3A_481 = vector.shape_cast %reduce_sum3A_480 : vector<512xf32> to vector<1x512xf32>
    %add3A_482 = arith.addf %add3A_358, %broadcast_in_dim3A_481 : vector<1x512xf32>
    %convert_element_type3A_483 = arith.truncf %get3A_466 : vector<1024x512xf32> to vector<1024x512xbf16>
    %get3A_484 = arith.constant 0 : index
    %get3A_485 = arith.constant 0 : index
    %get3A_486 = vector.load %arg20[%get3A_484, %get3A_485] : memref<512x512xbf16, #tpu.memory_space<vmem>>, vector<512x512xbf16>
    %dot_general3A_487 = arith.constant dense<0.000000e+00> : vector<1024x512xf32>
    %dot_general3A_488 = tpu.matmul %convert_element_type3A_483, %get3A_486, %dot_general3A_487 {dimension_numbers = #tpu.dot_dimension_numbers<[1], [0], [0], [1], [0, 0, 1, 1], [], []>, transpose_lhs_hint = false} : vector<1024x512xbf16>, vector<512x512xbf16>, vector<1024x512xf32> -> vector<1024x512xf32>
    %get3A_489 = arith.constant 0 : index
    %get3A_490 = arith.constant 0 : index
    %get3A_491 = vector.load %arg3[%get3A_489, %get3A_490] : memref<1x512xf32, #tpu.memory_space<vmem>>, vector<1x512xf32>
    %add3A_492 = vector.broadcast %get3A_491 : vector<1x512xf32> to vector<1024x512xf32>
    %add3A_493 = arith.addf %dot_general3A_488, %add3A_492 : vector<1024x512xf32>
    %tanh3A_494 = math.tanh %add3A_493 : vector<1024x512xf32>
    %mul3A_495 = vector.broadcast %slice3A_453 : vector<1024x1xf32> to vector<1024x512xf32>
    %mul3A_496 = arith.mulf %tanh3A_494, %mul3A_495 : vector<1024x512xf32>
    %reduce_sum3A_497 = arith.constant dense<0.000000e+00> : vector<512xf32>
    %reduce_sum3A_498 = vector.multi_reduction <add>, %mul3A_496, %reduce_sum3A_497 [0] : vector<1024x512xf32> to vector<512xf32>
    %broadcast_in_dim3A_499 = vector.shape_cast %reduce_sum3A_498 : vector<512xf32> to vector<1x512xf32>
    %add3A_500 = arith.addf %add3A_376, %broadcast_in_dim3A_499 : vector<1x512xf32>
    %get3A_501 = arith.constant 3 : index
    %get3A_502 = arith.constant 0 : index
    %get3A_503 = arith.constant 0 : index
    %get3A_504 = vector.load %arg1[%get3A_501, %get3A_502, %get3A_503] : memref<4x1x1024xi32, #tpu.memory_space<vmem>>, vector<1x1x1024xi32>
    %get3A_505 = vector.shape_cast %get3A_504 : vector<1x1x1024xi32> to vector<1x1024xi32>
    %convert_element_type3A_506 = arith.sitofp %get3A_505 : vector<1x1024xi32> to vector<1x1024xf32>
    %mul3A_507 = arith.constant 0.00137174211 : f32
    %mul3A_508 = vector.broadcast %mul3A_507 : f32 to vector<1x1024xf32>
    %mul3A_509 = arith.mulf %convert_element_type3A_506, %mul3A_508 : vector<1x1024xf32>
    %floor3A_510 = math.floor %mul3A_509 : vector<1x1024xf32>
    %mul3A_511 = arith.constant 7.290000e+02 : f32
    %mul3A_512 = vector.broadcast %mul3A_511 : f32 to vector<1x1024xf32>
    %mul3A_513 = arith.mulf %mul3A_512, %floor3A_510 : vector<1x1024xf32>
    %sub3A_514 = arith.subf %convert_element_type3A_506, %mul3A_513 : vector<1x1024xf32>
    %mul3A_515 = arith.constant 0.0370370373 : f32
    %mul3A_516 = vector.broadcast %mul3A_515 : f32 to vector<1x1024xf32>
    %mul3A_517 = arith.mulf %sub3A_514, %mul3A_516 : vector<1x1024xf32>
    %floor3A_518 = math.floor %mul3A_517 : vector<1x1024xf32>
    %mul3A_519 = arith.constant 2.700000e+01 : f32
    %mul3A_520 = vector.broadcast %mul3A_519 : f32 to vector<1x1024xf32>
    %mul3A_521 = arith.mulf %mul3A_520, %floor3A_518 : vector<1x1024xf32>
    %sub3A_522 = arith.subf %sub3A_514, %mul3A_521 : vector<1x1024xf32>
    %sub3A_523 = vector.broadcast %convert_element_type3A : f32 to vector<1x1024xf32>
    %sub3A_524 = arith.subf %floor3A_510, %sub3A_523 : vector<1x1024xf32>
    %integer_pow3A_525 = arith.mulf %sub3A_524, %sub3A_524 : vector<1x1024xf32>
    %sub3A_526 = vector.broadcast %convert_element_type3A_71 : f32 to vector<1x1024xf32>
    %sub3A_527 = arith.subf %floor3A_518, %sub3A_526 : vector<1x1024xf32>
    %integer_pow3A_528 = arith.mulf %sub3A_527, %sub3A_527 : vector<1x1024xf32>
    %add3A_529 = arith.addf %integer_pow3A_525, %integer_pow3A_528 : vector<1x1024xf32>
    %sub3A_530 = vector.broadcast %convert_element_type3A_88 : f32 to vector<1x1024xf32>
    %sub3A_531 = arith.subf %sub3A_522, %sub3A_530 : vector<1x1024xf32>
    %integer_pow3A_532 = arith.mulf %sub3A_531, %sub3A_531 : vector<1x1024xf32>
    %add3A_533 = arith.addf %add3A_529, %integer_pow3A_532 : vector<1x1024xf32>
    %le3A_534 = arith.constant 3.240000e+00 : f32
    %le3A_535 = vector.broadcast %le3A_534 : f32 to vector<1x1024xf32>
    %le3A_536 = arith.cmpf ole, %add3A_533, %le3A_535 : vector<1x1024xf32>
    %jit3A_537 = arith.constant 1.000000e+00 : f32
    %jit3A_538 = arith.constant 0.000000e+00 : f32
    %broadcast_in_dim3A_539 = vector.broadcast %jit3A_537 : f32 to vector<1x1024xf32>
    %broadcast_in_dim3A_540 = vector.broadcast %jit3A_538 : f32 to vector<1x1024xf32>
    %select_n3A_541 = arith.select %le3A_536, %broadcast_in_dim3A_539, %broadcast_in_dim3A_540 : vector<1x1024xi1>, vector<1x1024xf32>
    %gt3A_542 = arith.constant 3.600000e+01 : f32
    %gt3A_543 = vector.broadcast %gt3A_542 : f32 to vector<1x1024xf32>
    %gt3A_544 = arith.cmpf ogt, %add3A_533, %gt3A_543 : vector<1x1024xf32>
    %jit3A_545 = arith.constant 1.000000e+00 : f32
    %jit3A_546 = arith.constant 0.000000e+00 : f32
    %broadcast_in_dim3A_547 = vector.broadcast %jit3A_545 : f32 to vector<1x1024xf32>
    %broadcast_in_dim3A_548 = vector.broadcast %jit3A_546 : f32 to vector<1x1024xf32>
    %select_n3A_549 = arith.select %gt3A_544, %broadcast_in_dim3A_547, %broadcast_in_dim3A_548 : vector<1x1024xi1>, vector<1x1024xf32>
    %sub3A_550 = arith.constant 1.000000e+00 : f32
    %sub3A_551 = vector.broadcast %sub3A_550 : f32 to vector<1x1024xf32>
    %sub3A_552 = arith.subf %sub3A_551, %select_n3A_541 : vector<1x1024xf32>
    %sub3A_553 = arith.subf %sub3A_552, %select_n3A_549 : vector<1x1024xf32>
    %iota3A_554 = tpu.iota {dimensions = array<i32: 0>} : vector<8x1024xi32>
    %eq3A_555 = arith.constant 0 : i32
    %eq3A_556 = vector.broadcast %eq3A_555 : i32 to vector<8x1024xi32>
    %eq3A_557 = arith.cmpi eq, %iota3A_554, %eq3A_556 : vector<8x1024xi32>
    %eq3A_558 = arith.constant 1 : i32
    %eq3A_559 = vector.broadcast %eq3A_558 : i32 to vector<8x1024xi32>
    %eq3A_560 = arith.cmpi eq, %iota3A_554, %eq3A_559 : vector<8x1024xi32>
    %eq3A_561 = arith.constant 2 : i32
    %eq3A_562 = vector.broadcast %eq3A_561 : i32 to vector<8x1024xi32>
    %eq3A_563 = arith.cmpi eq, %iota3A_554, %eq3A_562 : vector<8x1024xi32>
    %jit3A_564 = arith.constant 0.000000e+00 : f32
    %broadcast_in_dim3A_565 = vector.shape_cast %select_n3A_549 : vector<1x1024xf32> to vector<1x1024xf32>
    %broadcast_in_dim3A_566 = vector.broadcast %broadcast_in_dim3A_565 : vector<1x1024xf32> to vector<8x1024xf32>
    %broadcast_in_dim3A_567 = vector.broadcast %jit3A_564 : f32 to vector<8x1024xf32>
    %select_n3A_568 = arith.select %eq3A_563, %broadcast_in_dim3A_566, %broadcast_in_dim3A_567 : vector<8x1024xi1>, vector<8x1024xf32>
    %broadcast_in_dim3A_569 = vector.shape_cast %sub3A_553 : vector<1x1024xf32> to vector<1x1024xf32>
    %broadcast_in_dim3A_570 = vector.broadcast %broadcast_in_dim3A_569 : vector<1x1024xf32> to vector<8x1024xf32>
    %select_n3A_571 = arith.select %eq3A_560, %broadcast_in_dim3A_570, %select_n3A_568 : vector<8x1024xi1>, vector<8x1024xf32>
    %broadcast_in_dim3A_572 = vector.shape_cast %select_n3A_541 : vector<1x1024xf32> to vector<1x1024xf32>
    %broadcast_in_dim3A_573 = vector.broadcast %broadcast_in_dim3A_572 : vector<1x1024xf32> to vector<8x1024xf32>
    %select_n3A_574 = arith.select %eq3A_557, %broadcast_in_dim3A_573, %select_n3A_571 : vector<8x1024xi1>, vector<8x1024xf32>
    %transpose3A_575 = tpu.transpose %select_n3A_574, [1, 0] : vector<8x1024xf32> -> vector<1024x8xf32>
    %slice3A_576 = vector.extract_strided_slice %transpose3A_575 {offsets = [0, 0], sizes = [1024, 1], strides = [1, 1]} : vector<1024x8xf32> to vector<1024x1xf32>
    %slice3A_577 = vector.extract_strided_slice %transpose3A_575 {offsets = [0, 1], sizes = [1024, 1], strides = [1, 1]} : vector<1024x8xf32> to vector<1024x1xf32>
    %slice3A_578 = vector.extract_strided_slice %transpose3A_575 {offsets = [0, 2], sizes = [1024, 1], strides = [1, 1]} : vector<1024x8xf32> to vector<1024x1xf32>
    %dma_wait3A_579 = arith.constant 3 : i32
    %dma_wait3A_580 = tpu.memref_slice %arg25[%dma_wait3A_579] : memref<4x!tpu.dma_semaphore, #tpu.memory_space<semaphore_mem>> -> memref<1x!tpu.dma_semaphore, #tpu.memory_space<semaphore_mem>>
    %dma_wait3A_581 = tpu.memref_squeeze %dma_wait3A_580 : memref<1x!tpu.dma_semaphore, #tpu.memory_space<semaphore_mem>> -> memref<!tpu.dma_semaphore, #tpu.memory_space<semaphore_mem>>
    %dma_wait3A_582 = arith.constant 3072 : i32
    %dma_wait3A_583 = arith.constant 0 : i32
    %dma_wait3A_584 = tpu.memref_slice %arg18[%dma_wait3A_582, %dma_wait3A_583] : memref<4096x512xf32, #tpu.memory_space<vmem>> -> memref<1024x512xf32, #tpu.memory_space<vmem>>
    %dma_wait3A_585 = arith.constant 3072 : i32
    %dma_wait3A_586 = arith.constant 0 : i32
    %dma_wait3A_587 = tpu.memref_slice %arg11[%dma_wait3A_585, %dma_wait3A_586] : memref<4096x512xf32, #tpu.memory_space<any>> -> memref<1024x512xf32, #tpu.memory_space<any>>
    tpu.wait_dma2 semaphore(%dma_wait3A_581 : memref<!tpu.dma_semaphore, #tpu.memory_space<semaphore_mem>>) src(%dma_wait3A_587 : memref<1024x512xf32, #tpu.memory_space<any>>) dst(%dma_wait3A_584 : memref<1024x512xf32, #tpu.memory_space<vmem>>)
    %get3A_588 = arith.constant 3072 : index
    %get3A_589 = arith.constant 0 : index
    %get3A_590 = vector.load %arg18[%get3A_588, %get3A_589] : memref<4096x512xf32, #tpu.memory_space<vmem>>, vector<1024x512xf32>
    %mul3A_591 = vector.broadcast %slice3A_576 : vector<1024x1xf32> to vector<1024x512xf32>
    %mul3A_592 = arith.mulf %get3A_590, %mul3A_591 : vector<1024x512xf32>
    %reduce_sum3A_593 = arith.constant dense<0.000000e+00> : vector<512xf32>
    %reduce_sum3A_594 = vector.multi_reduction <add>, %mul3A_592, %reduce_sum3A_593 [0] : vector<1024x512xf32> to vector<512xf32>
    %broadcast_in_dim3A_595 = vector.shape_cast %reduce_sum3A_594 : vector<512xf32> to vector<1x512xf32>
    %add3A_596 = arith.addf %add3A_472, %broadcast_in_dim3A_595 : vector<1x512xf32>
    %mul3A_597 = vector.broadcast %slice3A_578 : vector<1024x1xf32> to vector<1024x512xf32>
    %mul3A_598 = arith.mulf %get3A_590, %mul3A_597 : vector<1024x512xf32>
    %reduce_sum3A_599 = arith.constant dense<0.000000e+00> : vector<512xf32>
    %reduce_sum3A_600 = vector.multi_reduction <add>, %mul3A_598, %reduce_sum3A_599 [0] : vector<1024x512xf32> to vector<512xf32>
    %broadcast_in_dim3A_601 = vector.shape_cast %reduce_sum3A_600 : vector<512xf32> to vector<1x512xf32>
    %add3A_602 = arith.addf %add3A_478, %broadcast_in_dim3A_601 : vector<1x512xf32>
    %reduce_sum3A_603 = arith.constant dense<0.000000e+00> : vector<512xf32>
    %reduce_sum3A_604 = vector.multi_reduction <add>, %get3A_590, %reduce_sum3A_603 [0] : vector<1024x512xf32> to vector<512xf32>
    %broadcast_in_dim3A_605 = vector.shape_cast %reduce_sum3A_604 : vector<512xf32> to vector<1x512xf32>
    %add3A_606 = arith.addf %add3A_482, %broadcast_in_dim3A_605 : vector<1x512xf32>
    %convert_element_type3A_607 = arith.truncf %get3A_590 : vector<1024x512xf32> to vector<1024x512xbf16>
    %get3A_608 = arith.constant 0 : index
    %get3A_609 = arith.constant 0 : index
    %get3A_610 = vector.load %arg20[%get3A_608, %get3A_609] : memref<512x512xbf16, #tpu.memory_space<vmem>>, vector<512x512xbf16>
    %dot_general3A_611 = arith.constant dense<0.000000e+00> : vector<1024x512xf32>
    %dot_general3A_612 = tpu.matmul %convert_element_type3A_607, %get3A_610, %dot_general3A_611 {dimension_numbers = #tpu.dot_dimension_numbers<[1], [0], [0], [1], [0, 0, 1, 1], [], []>, transpose_lhs_hint = false} : vector<1024x512xbf16>, vector<512x512xbf16>, vector<1024x512xf32> -> vector<1024x512xf32>
    %get3A_613 = arith.constant 0 : index
    %get3A_614 = arith.constant 0 : index
    %get3A_615 = vector.load %arg3[%get3A_613, %get3A_614] : memref<1x512xf32, #tpu.memory_space<vmem>>, vector<1x512xf32>
    %add3A_616 = vector.broadcast %get3A_615 : vector<1x512xf32> to vector<1024x512xf32>
    %add3A_617 = arith.addf %dot_general3A_612, %add3A_616 : vector<1024x512xf32>
    %tanh3A_618 = math.tanh %add3A_617 : vector<1024x512xf32>
    %mul3A_619 = vector.broadcast %slice3A_577 : vector<1024x1xf32> to vector<1024x512xf32>
    %mul3A_620 = arith.mulf %tanh3A_618, %mul3A_619 : vector<1024x512xf32>
    %reduce_sum3A_621 = arith.constant dense<0.000000e+00> : vector<512xf32>
    %reduce_sum3A_622 = vector.multi_reduction <add>, %mul3A_620, %reduce_sum3A_621 [0] : vector<1024x512xf32> to vector<512xf32>
    %broadcast_in_dim3A_623 = vector.shape_cast %reduce_sum3A_622 : vector<512xf32> to vector<1x512xf32>
    %add3A_624 = arith.addf %add3A_500, %broadcast_in_dim3A_623 : vector<1x512xf32>
    %max3A = arith.constant 1.000000e+00 : f32
    %max3A_625 = arith.maximumf %reduce_sum3A_108, %max3A : f32
    %div3A_626 = vector.broadcast %max3A_625 : f32 to vector<1x512xf32>
    %div3A_627 = arith.divf %add3A_596, %div3A_626 : vector<1x512xf32>
    %max3A_628 = arith.constant 1.000000e+00 : f32
    %max3A_629 = arith.maximumf %reduce_sum3A_114, %max3A_628 : f32
    %div3A_630 = vector.broadcast %max3A_629 : f32 to vector<1x512xf32>
    %div3A_631 = arith.divf %add3A_624, %div3A_630 : vector<1x512xf32>
    %max3A_632 = arith.constant 1.000000e+00 : f32
    %max3A_633 = arith.maximumf %reduce_sum3A_120, %max3A_632 : f32
    %div3A_634 = vector.broadcast %max3A_633 : f32 to vector<1x512xf32>
    %div3A_635 = arith.divf %add3A_602, %div3A_634 : vector<1x512xf32>
    %mul3A_636 = arith.constant 2.44140625E-4 : f32
    %mul3A_637 = vector.broadcast %mul3A_636 : f32 to vector<1x512xf32>
    %mul3A_638 = arith.mulf %add3A_606, %mul3A_637 : vector<1x512xf32>
    %get3A_639 = arith.constant 0 : index
    %get3A_640 = arith.constant 0 : index
    %get3A_641 = vector.load %arg2[%get3A_639, %get3A_640] : memref<1x512xf32, #tpu.memory_space<vmem>>, vector<1x512xf32>
    tpu.wait_dma2 semaphore(%arg27 : memref<!tpu.dma_semaphore, #tpu.memory_space<semaphore_mem>>) src(%arg13 : memref<1024x512xf32, #tpu.memory_space<any>>) dst(%arg21 : memref<1024x512xf32, #tpu.memory_space<vmem>>)
    %concatenate3A = tpu.concatenate %get3A_641, %div3A_627 in 1 : vector<1x512xf32>, vector<1x512xf32> -> vector<1x1024xf32>
    %get3A_642 = arith.constant 0 : index
    %get3A_643 = arith.constant 0 : index
    %get3A_644 = vector.load %arg21[%get3A_642, %get3A_643] : memref<1024x512xf32, #tpu.memory_space<vmem>>, vector<1024x512xf32>
    %dot_general3A_645 = arith.constant dense<0.000000e+00> : vector<1x512xf32>
    %dot_general3A_646 = tpu.matmul %concatenate3A, %get3A_644, %dot_general3A_645 {dimension_numbers = #tpu.dot_dimension_numbers<[1], [0], [0], [1], [0, 0, 1, 1], [], []>, transpose_lhs_hint = false} : vector<1x1024xf32>, vector<1024x512xf32>, vector<1x512xf32> -> vector<1x512xf32>
    %get3A_647 = arith.constant 0 : index
    %get3A_648 = arith.constant 0 : index
    %get3A_649 = vector.load %arg4[%get3A_647, %get3A_648] : memref<1x512xf32, #tpu.memory_space<vmem>>, vector<1x512xf32>
    %add3A_650 = arith.addf %dot_general3A_646, %get3A_649 : vector<1x512xf32>
    %tanh3A_651 = math.tanh %add3A_650 : vector<1x512xf32>
    tpu.wait_dma2 semaphore(%arg28 : memref<!tpu.dma_semaphore, #tpu.memory_space<semaphore_mem>>) src(%arg14 : memref<1024x512xf32, #tpu.memory_space<any>>) dst(%arg22 : memref<1024x512xf32, #tpu.memory_space<vmem>>)
    %concatenate3A_652 = tpu.concatenate %get3A_641, %div3A_631 in 1 : vector<1x512xf32>, vector<1x512xf32> -> vector<1x1024xf32>
    %get3A_653 = arith.constant 0 : index
    %get3A_654 = arith.constant 0 : index
    %get3A_655 = vector.load %arg22[%get3A_653, %get3A_654] : memref<1024x512xf32, #tpu.memory_space<vmem>>, vector<1024x512xf32>
    %dot_general3A_656 = arith.constant dense<0.000000e+00> : vector<1x512xf32>
    %dot_general3A_657 = tpu.matmul %concatenate3A_652, %get3A_655, %dot_general3A_656 {dimension_numbers = #tpu.dot_dimension_numbers<[1], [0], [0], [1], [0, 0, 1, 1], [], []>, transpose_lhs_hint = false} : vector<1x1024xf32>, vector<1024x512xf32>, vector<1x512xf32> -> vector<1x512xf32>
    %get3A_658 = arith.constant 0 : index
    %get3A_659 = arith.constant 0 : index
    %get3A_660 = vector.load %arg5[%get3A_658, %get3A_659] : memref<1x512xf32, #tpu.memory_space<vmem>>, vector<1x512xf32>
    %add3A_661 = arith.addf %dot_general3A_657, %get3A_660 : vector<1x512xf32>
    %tanh3A_662 = math.tanh %add3A_661 : vector<1x512xf32>
    tpu.wait_dma2 semaphore(%arg29 : memref<!tpu.dma_semaphore, #tpu.memory_space<semaphore_mem>>) src(%arg15 : memref<1024x1024xf32, #tpu.memory_space<any>>) dst(%arg23 : memref<1024x1024xf32, #tpu.memory_space<vmem>>)
    tpu.wait_dma2 semaphore(%arg30 : memref<!tpu.dma_semaphore, #tpu.memory_space<semaphore_mem>>) src(%arg16 : memref<1024x512xf32, #tpu.memory_space<any>>) dst(%arg24 : memref<1024x512xf32, #tpu.memory_space<vmem>>)
    %concatenate3A_663 = tpu.concatenate %get3A_641, %div3A_635 in 1 : vector<1x512xf32>, vector<1x512xf32> -> vector<1x1024xf32>
    %get3A_664 = arith.constant 0 : index
    %get3A_665 = arith.constant 0 : index
    %get3A_666 = vector.load %arg23[%get3A_664, %get3A_665] : memref<1024x1024xf32, #tpu.memory_space<vmem>>, vector<1024x1024xf32>
    %dot_general3A_667 = arith.constant dense<0.000000e+00> : vector<1x1024xf32>
    %dot_general3A_668 = tpu.matmul %concatenate3A_663, %get3A_666, %dot_general3A_667 {dimension_numbers = #tpu.dot_dimension_numbers<[1], [0], [0], [1], [0, 0, 1, 1], [], []>, transpose_lhs_hint = false} : vector<1x1024xf32>, vector<1024x1024xf32>, vector<1x1024xf32> -> vector<1x1024xf32>
    %get3A_669 = arith.constant 0 : index
    %get3A_670 = arith.constant 0 : index
    %get3A_671 = vector.load %arg6[%get3A_669, %get3A_670] : memref<1x1024xf32, #tpu.memory_space<vmem>>, vector<1x1024xf32>
    %add3A_672 = arith.addf %dot_general3A_668, %get3A_671 : vector<1x1024xf32>
    %tanh3A_673 = math.tanh %add3A_672 : vector<1x1024xf32>
    %get3A_674 = arith.constant 0 : index
    %get3A_675 = arith.constant 0 : index
    %get3A_676 = vector.load %arg24[%get3A_674, %get3A_675] : memref<1024x512xf32, #tpu.memory_space<vmem>>, vector<1024x512xf32>
    %dot_general3A_677 = arith.constant dense<0.000000e+00> : vector<1x512xf32>
    %dot_general3A_678 = tpu.matmul %tanh3A_673, %get3A_676, %dot_general3A_677 {dimension_numbers = #tpu.dot_dimension_numbers<[1], [0], [0], [1], [0, 0, 1, 1], [], []>, transpose_lhs_hint = false} : vector<1x1024xf32>, vector<1024x512xf32>, vector<1x512xf32> -> vector<1x512xf32>
    %get3A_679 = arith.constant 0 : index
    %get3A_680 = arith.constant 0 : index
    %get3A_681 = vector.load %arg7[%get3A_679, %get3A_680] : memref<1x512xf32, #tpu.memory_space<vmem>>, vector<1x512xf32>
    %add3A_682 = arith.addf %dot_general3A_678, %get3A_681 : vector<1x512xf32>
    %mul3A_683 = arith.constant 3.000000e-01 : f32
    %mul3A_684 = vector.broadcast %mul3A_683 : f32 to vector<1x512xf32>
    %mul3A_685 = arith.mulf %mul3A_684, %add3A_682 : vector<1x512xf32>
    %add3A_686 = arith.addf %get3A_641, %mul3A_685 : vector<1x512xf32>
    %concatenate3A_687 = tpu.concatenate %add3A_686, %div3A_635 in 1 : vector<1x512xf32>, vector<1x512xf32> -> vector<1x1024xf32>
    %get3A_688 = arith.constant 0 : index
    %get3A_689 = arith.constant 0 : index
    %get3A_690 = vector.load %arg23[%get3A_688, %get3A_689] : memref<1024x1024xf32, #tpu.memory_space<vmem>>, vector<1024x1024xf32>
    %dot_general3A_691 = arith.constant dense<0.000000e+00> : vector<1x1024xf32>
    %dot_general3A_692 = tpu.matmul %concatenate3A_687, %get3A_690, %dot_general3A_691 {dimension_numbers = #tpu.dot_dimension_numbers<[1], [0], [0], [1], [0, 0, 1, 1], [], []>, transpose_lhs_hint = false} : vector<1x1024xf32>, vector<1024x1024xf32>, vector<1x1024xf32> -> vector<1x1024xf32>
    %get3A_693 = arith.constant 0 : index
    %get3A_694 = arith.constant 0 : index
    %get3A_695 = vector.load %arg6[%get3A_693, %get3A_694] : memref<1x1024xf32, #tpu.memory_space<vmem>>, vector<1x1024xf32>
    %add3A_696 = arith.addf %dot_general3A_692, %get3A_695 : vector<1x1024xf32>
    %tanh3A_697 = math.tanh %add3A_696 : vector<1x1024xf32>
    %get3A_698 = arith.constant 0 : index
    %get3A_699 = arith.constant 0 : index
    %get3A_700 = vector.load %arg24[%get3A_698, %get3A_699] : memref<1024x512xf32, #tpu.memory_space<vmem>>, vector<1024x512xf32>
    %dot_general3A_701 = arith.constant dense<0.000000e+00> : vector<1x512xf32>
    %dot_general3A_702 = tpu.matmul %tanh3A_697, %get3A_700, %dot_general3A_701 {dimension_numbers = #tpu.dot_dimension_numbers<[1], [0], [0], [1], [0, 0, 1, 1], [], []>, transpose_lhs_hint = false} : vector<1x1024xf32>, vector<1024x512xf32>, vector<1x512xf32> -> vector<1x512xf32>
    %get3A_703 = arith.constant 0 : index
    %get3A_704 = arith.constant 0 : index
    %get3A_705 = vector.load %arg7[%get3A_703, %get3A_704] : memref<1x512xf32, #tpu.memory_space<vmem>>, vector<1x512xf32>
    %add3A_706 = arith.addf %dot_general3A_702, %get3A_705 : vector<1x512xf32>
    %mul3A_707 = arith.constant 3.000000e-01 : f32
    %mul3A_708 = vector.broadcast %mul3A_707 : f32 to vector<1x512xf32>
    %mul3A_709 = arith.mulf %mul3A_708, %add3A_706 : vector<1x512xf32>
    %add3A_710 = arith.addf %add3A_686, %mul3A_709 : vector<1x512xf32>
    %concatenate3A_711 = tpu.concatenate %add3A_710, %div3A_635 in 1 : vector<1x512xf32>, vector<1x512xf32> -> vector<1x1024xf32>
    %get3A_712 = arith.constant 0 : index
    %get3A_713 = arith.constant 0 : index
    %get3A_714 = vector.load %arg23[%get3A_712, %get3A_713] : memref<1024x1024xf32, #tpu.memory_space<vmem>>, vector<1024x1024xf32>
    %dot_general3A_715 = arith.constant dense<0.000000e+00> : vector<1x1024xf32>
    %dot_general3A_716 = tpu.matmul %concatenate3A_711, %get3A_714, %dot_general3A_715 {dimension_numbers = #tpu.dot_dimension_numbers<[1], [0], [0], [1], [0, 0, 1, 1], [], []>, transpose_lhs_hint = false} : vector<1x1024xf32>, vector<1024x1024xf32>, vector<1x1024xf32> -> vector<1x1024xf32>
    %get3A_717 = arith.constant 0 : index
    %get3A_718 = arith.constant 0 : index
    %get3A_719 = vector.load %arg6[%get3A_717, %get3A_718] : memref<1x1024xf32, #tpu.memory_space<vmem>>, vector<1x1024xf32>
    %add3A_720 = arith.addf %dot_general3A_716, %get3A_719 : vector<1x1024xf32>
    %tanh3A_721 = math.tanh %add3A_720 : vector<1x1024xf32>
    %get3A_722 = arith.constant 0 : index
    %get3A_723 = arith.constant 0 : index
    %get3A_724 = vector.load %arg24[%get3A_722, %get3A_723] : memref<1024x512xf32, #tpu.memory_space<vmem>>, vector<1024x512xf32>
    %dot_general3A_725 = arith.constant dense<0.000000e+00> : vector<1x512xf32>
    %dot_general3A_726 = tpu.matmul %tanh3A_721, %get3A_724, %dot_general3A_725 {dimension_numbers = #tpu.dot_dimension_numbers<[1], [0], [0], [1], [0, 0, 1, 1], [], []>, transpose_lhs_hint = false} : vector<1x1024xf32>, vector<1024x512xf32>, vector<1x512xf32> -> vector<1x512xf32>
    %get3A_727 = arith.constant 0 : index
    %get3A_728 = arith.constant 0 : index
    %get3A_729 = vector.load %arg7[%get3A_727, %get3A_728] : memref<1x512xf32, #tpu.memory_space<vmem>>, vector<1x512xf32>
    %add3A_730 = arith.addf %dot_general3A_726, %get3A_729 : vector<1x512xf32>
    %mul3A_731 = arith.constant 3.000000e-01 : f32
    %mul3A_732 = vector.broadcast %mul3A_731 : f32 to vector<1x512xf32>
    %mul3A_733 = arith.mulf %mul3A_732, %add3A_730 : vector<1x512xf32>
    %add3A_734 = arith.addf %add3A_710, %mul3A_733 : vector<1x512xf32>
    %concatenate3A_735 = tpu.concatenate %get3A_641, %mul3A_638 in 1 : vector<1x512xf32>, vector<1x512xf32> -> vector<1x1024xf32>
    %get3A_736 = arith.constant 0 : index
    %get3A_737 = arith.constant 0 : index
    %get3A_738 = vector.load %arg8[%get3A_736, %get3A_737] : memref<1024x3xf32, #tpu.memory_space<vmem>>, vector<1024x3xf32>
    %dot_general3A_739 = arith.constant dense<0.000000e+00> : vector<1x3xf32>
    %dot_general3A_740 = tpu.matmul %concatenate3A_735, %get3A_738, %dot_general3A_739 {dimension_numbers = #tpu.dot_dimension_numbers<[1], [0], [0], [1], [0, 0, 1, 1], [], []>, transpose_lhs_hint = false} : vector<1x1024xf32>, vector<1024x3xf32>, vector<1x3xf32> -> vector<1x3xf32>
    %get3A_741 = arith.constant 0 : index
    %get3A_742 = arith.constant 0 : index
    %get3A_743 = vector.load %arg9[%get3A_741, %get3A_742] : memref<1x3xf32, #tpu.memory_space<vmem>>, vector<1x3xf32>
    %add3A_744 = arith.addf %dot_general3A_740, %get3A_743 : vector<1x3xf32>
    %reduce_max3A = arith.constant dense<0xFF800000> : vector<1xf32>
    %reduce_max3A_745 = vector.multi_reduction <maximumf>, %add3A_744, %reduce_max3A [1] : vector<1x3xf32> to vector<1xf32>
    %broadcast_in_dim3A_746 = vector.shape_cast %reduce_max3A_745 : vector<1xf32> to vector<1x1xf32>
    %sub3A_747 = vector.broadcast %broadcast_in_dim3A_746 : vector<1x1xf32> to vector<1x3xf32>
    %sub3A_748 = arith.subf %add3A_744, %sub3A_747 : vector<1x3xf32>
    %exp3A = math.exp %sub3A_748 : vector<1x3xf32>
    %reduce_sum3A_749 = arith.constant dense<0.000000e+00> : vector<1xf32>
    %reduce_sum3A_750 = vector.multi_reduction <add>, %exp3A, %reduce_sum3A_749 [1] : vector<1x3xf32> to vector<1xf32>
    %broadcast_in_dim3A_751 = vector.shape_cast %reduce_sum3A_750 : vector<1xf32> to vector<1x1xf32>
    %div3A_752 = vector.broadcast %broadcast_in_dim3A_751 : vector<1x1xf32> to vector<1x3xf32>
    %div3A_753 = arith.divf %exp3A, %div3A_752 : vector<1x3xf32>
    %slice3A_754 = vector.extract_strided_slice %div3A_753 {offsets = [0, 0], sizes = [1, 1], strides = [1, 1]} : vector<1x3xf32> to vector<1x1xf32>
    %mul3A_755 = vector.broadcast %slice3A_754 : vector<1x1xf32> to vector<1x512xf32>
    %mul3A_756 = arith.mulf %mul3A_755, %tanh3A_651 : vector<1x512xf32>
    %slice3A_757 = vector.extract_strided_slice %div3A_753 {offsets = [0, 1], sizes = [1, 1], strides = [1, 1]} : vector<1x3xf32> to vector<1x1xf32>
    %mul3A_758 = vector.broadcast %slice3A_757 : vector<1x1xf32> to vector<1x512xf32>
    %mul3A_759 = arith.mulf %mul3A_758, %tanh3A_662 : vector<1x512xf32>
    %add3A_760 = arith.addf %mul3A_756, %mul3A_759 : vector<1x512xf32>
    %slice3A_761 = vector.extract_strided_slice %div3A_753 {offsets = [0, 2], sizes = [1, 1], strides = [1, 1]} : vector<1x3xf32> to vector<1x1xf32>
    %mul3A_762 = vector.broadcast %slice3A_761 : vector<1x1xf32> to vector<1x512xf32>
    %mul3A_763 = arith.mulf %mul3A_762, %add3A_734 : vector<1x512xf32>
    %add3A_764 = arith.addf %add3A_760, %mul3A_763 : vector<1x512xf32>
    %swap3A_765 = arith.constant 0 : index
    %swap3A_766 = arith.constant 0 : index
    %swap3A_767 = vector.load %arg17[%swap3A_765, %swap3A_766] : memref<1x512xf32, #tpu.memory_space<vmem>>, vector<1x512xf32>
    tpu.vector_store %arg17[%swap3A_765, %swap3A_766], %add3A_764 {strides = array<i32>} : memref<1x512xf32, #tpu.memory_space<vmem>>, vector<1x512xf32>,
    return
  }
}

</mosaic_0001>

<sc_bundles>
// kernel: kernel.4.cloned.1.call-start
scs
__scs_entry_jumppad:
0x0: {  	(pc) =	sbr.rel $0x88, $3  }
0x1: {  	(tag) =	ssettag $0x0;
	lr =	simm.s32 $0x1  }
0x2: {  	[smem:$0x3F91] =	sst lr;
	_ =	strace $0xD0000000  }
0x3: {  	_ = 	snop  }
0x4: {  	_ = 	snop  }
0x5: {  	_ = 	snop  }
0x6: {  	_ = 	snop  }
0x7: {  	_ = 	snop  }
__scs_overlays_trampoline_lowered:
0x8: {  	[smem:$0x3FA0] =	sst s0  }
0x9: {  	[smem:$0x3FA1] =	sst s1  }
0xa: {  	[smem:$0x3FA2] =	sst s2  }
0xb: {  	[smem:$0x3FA3] =	sst s3  }
0xc: {  	[smem:$0x3FA4] =	sst s4  }
0xd: {  	[smem:$0x3FA5] =	sst s5  }
0xe: {  	[smem:$0x3FA6] =	sst s6  }
0xf: {  	[smem:$0x3FA7] =	sst s7  }
0x10: {  	[smem:$0x3FA8] =	sst s8  }
0x11: {  	[smem:$0x3FA9] =	sst s9;
	s0 =	simm.s32 @!p0 $0x0  }
0x12: {  	s1 =	sld [smem:$0x3F8F];
	s0 =	simm.s32 @p0 $0x1  }
0x13: {  	[smem:$0x3FAA] =	sst s0;
	s0 =	simm.s32 @!p1 $0x0  }
0x14: {  	s2 =	sld [smem:$0x3F8E];
	s0 =	simm.s32 @p1 $0x1  }
0x15: {  	[smem:$0x3FAB] =	sst s0;
	s0 =	simm.s32 @!p2 $0x0  }
0x16: {  	s3 =	sld [smem:$0x3FDB];
	s0 =	simm.s32 @p2 $0x1  }
0x17: {  	s4 =	simm.s32 $0x1BF5;
	[smem:$0x3FAD] =	sst s0  }
0x18: {  	s0 =	sld [smem:$0x3F90];
	_ =	swait.ge [sflag:s4], $0x0  }
0x19: {  	s7 =	sld [smem:$0x3F91]  }
0x1a: {  	s8 =	sadd.s32 $0xFFFFE003, lr  }
0x1b: {  	s9 =	sadd.s32 $0xFFFFFEF7, lr;
	s5 =	simm.s32 $0xFFFFFFFF;
	p2 =	slt.u32 s8, $0xFFFFF086  }
0x1c: {  	p1 =	slt.u32 s9, $0xF7A;
	s5 =	simm.s32 @!p2 $0x0  }
0x1d: {  	s5 =	simm.s32 @p1 $0x1;
	p0 =	seq.s32 s7, s2  }
0x1e: {  	s7 =	smul.u32 @!p0 $0xF7A, s2;
	p2 =	seq.s32 @!p0 s5, $0x0  }
0x1f: {  	s9 =	smul.u32 $0xF7A, s1;
	s8 =	simm.s32 @!p0 $0x1BF5;
	p2 =	por !p2, p0  }
0x20: {  	[sflag:s8] =	ssyncset.s32 @!p0 $0xFFFFF086;
	s6 =	sadd.s32 @!p0 s3, s7;
	s7 =	simm.s32 @!p0 $0x108  }
0x21: {  	s3 =	sadd.s32 s3, s9;
	s6 =	sadd.s32 @!p0 $0x88, s6;
	s7 =	simm.s32 @p2 $0x1082  }
0x22: {  	[simem:s7], [sflag:s8] =	dma.local @!p0 [hbm:s6], $0xF7A  }
0x23: {  	s9 =	sor.u32 $0xD0000000, s2;
	s6 =	simm.s32 $0x108;
	_ =	swait.ge @!p0 [sflag:s8], $0x0  }
0x24: {  	s3 =	sadd.s32 $0x88, s3;
	s6 =	simm.s32 @!p1 $0x1082;
	[sflag:s4] =	ssyncset.s32 $0xFFFFF086  }
0x25: {  	[simem:s6], [sflag:s4] =	dma.local [hbm:s3], $0xF7A  }
0x26: {  	[smem:$0x3F91] =	sst s1;
	(tag) =	ssettag s2;
	_ =	strace s9  }
0x27: {  	s1 =	sld [smem:$0x3FA1]  }
0x28: {  	s2 =	sld [smem:$0x3FA2]  }
0x29: {  	s4 =	sld [smem:$0x3FA4]  }
0x2a: {  	p0 =	seq.s32 s5, $0x0;
	s5 =	sld [smem:$0x3FA5]  }
0x2b: {  	s6 =	sld [smem:$0x3FA6]  }
0x2c: {  	s7 =	sld [smem:$0x3FA7]  }
0x2d: {  	s3 =	simm.s32 $0x108;
	s8 =	sld [smem:$0x3FA8]  }
0x2e: {  	s3 =	simm.s32 @!p0 $0x1082;
	s9 =	sld [smem:$0x3FA9]  }
0x2f: {  	lr =	sadd.s32 s0, s3;
	s0 =	sld [smem:$0x3FA0]  }
0x30: {  	s3 =	sld [smem:$0x3FA3]  }
0x31: {  	[smem:$0x3FAC] =	sst s10  }
0x32: {  	s10 =	sld [smem:$0x3FAA];
	_ =	sdelay $0x3  }
0x33: {  	p0 =	seq.s32 s10, $0x1;
	s10 =	sld [smem:$0x3FAC];
	_ =	sdelay $0x3  }
0x34: {  	[smem:$0x3FAC] =	sst s10  }
0x35: {  	s10 =	sld [smem:$0x3FAB];
	_ =	sdelay $0x3  }
0x36: {  	p1 =	seq.s32 s10, $0x1;
	s10 =	sld [smem:$0x3FAC];
	_ =	sdelay $0x3  }
0x37: {  	[smem:$0x3FAC] =	sst s10  }
0x38: {  	s10 =	sld [smem:$0x3FAD]  }
0x39: {  	_ = 	snop;
	(pc) =	sbr.ind lr, $3  }
0x3a: {  	_ = 	snop  }
0x3b: {  	_ = 	snop  }
0x3c: {  	p2 =	seq.s32 s10, $0x1;
	s10 =	sld [smem:$0x3FAC]  }
0x3d: {  	_ =	shalt  }
0x3e: {  	_ =	shalt  }
0x3f: {  	_ =	shalt  }
0x40: {  	_ =	shalt  }
0x41: {  	_ =	shalt  }
0x42: {  	_ =	shalt  }
0x43: {  	_ =	shalt  }
0x44: {  	_ =	shalt  }
0x45: {  	_ =	shalt  }
0x46: {  	_ =	shalt  }
0x47: {  	_ =	shalt  }
0x48: {  	_ =	shalt  }
0x49: {  	_ =	shalt  }
0x4a: {  	_ =	shalt  }
0x4b: {  	_ =	shalt  }
0x4c: {  	_ =	shalt  }
0x4d: {  	_ =	shalt  }
0x4e: {  	_ =	shalt  }
0x4f: {  	_ =	shalt  }
0x50: {  	_ =	shalt  }
0x51: {  	_ =	shalt  }
0x52: {  	_ =	shalt  }
0x53: {  	_ =	shalt  }
0x54: {  	_ =	shalt  }
0x55: {  	_ =	shalt  }
0x56: {  	_ =	shalt  }
0x57: {  	_ =	shalt  }
0x58: {  	_ =	shalt  }
0x59: {  	_ =	shalt  }
0x5a: {  	_ =	shalt  }
0x5b: {  	_ =	shalt  }
0x5c: {  	_ =	shalt  }
0x5d: {  	_ =	shalt  }
0x5e: {  	_ =	shalt  }
0x5f: {  	_ =	shalt  }
0x60: {  	_ =	shalt  }
0x61: {  	_ =	shalt  }
0x62: {  	_ =	shalt  }
0x63: {  	_ =	shalt  }
0x64: {  	_ =	shalt  }
0x65: {  	_ =	shalt  }
0x66: {  	_ =	shalt  }
0x67: {  	_ =	shalt  }
0x68: {  	_ =	shalt  }
0x69: {  	_ =	shalt  }
0x6a: {  	_ =	shalt  }
0x6b: {  	_ =	shalt  }
0x6c: {  	_ =	shalt  }
0x6d: {  	_ =	shalt  }
0x6e: {  	_ =	shalt  }
0x6f: {  	_ =	shalt  }
0x70: {  	_ =	shalt  }
0x71: {  	_ =	shalt  }
0x72: {  	_ =	shalt  }
0x73: {  	_ =	shalt  }
0x74: {  	_ =	shalt  }
0x75: {  	_ =	shalt  }
0x76: {  	_ =	shalt  }
0x77: {  	_ =	shalt  }
0x78: {  	_ =	shalt  }
0x79: {  	_ =	shalt  }
0x7a: {  	_ =	shalt  }
0x7b: {  	_ =	shalt  }
0x7c: {  	_ =	shalt  }
0x7d: {  	_ =	shalt  }
0x7e: {  	_ =	shalt  }
0x7f: {  	_ =	shalt  }
0x80: {  	_ =	shalt  }
0x81: {  	_ =	shalt  }
0x82: {  	_ =	shalt  }
0x83: {  	_ =	shalt  }
0x84: {  	_ =	shalt  }
0x85: {  	_ =	shalt  }
0x86: {  	_ =	shalt  }
0x87: {  	_ =	shalt  }
.Lfunc_end0:
.L_simem_size_0:
called_computation_lowered:
.L_overlay_start_0:
0x88: {  	s2 =	sld [smem:$0x3FD9]  }
0x89: {  	s3 =	sld [smem:$0x3FFE];
	_ =	sdelay $0x1  }
0x8a: {  	s1 =	srdreg.scid  }
0x8b: {  	s0 =	sand.u32 $0x1, s1  }
0x8c: {  	s17 =	sshll.u32 s0, $0xA;
	s2 =	sadd.s32 s3, s2  }
0x8d: {  	s2 =	sadd.s32 s2, s17  }
0x8e: {  	[smem:$0x3FB8] =	sst s2  }
0x8f: {  	_ = 	snop  }
0x90: {  	s2 =	sld [smem:$0x3FC6]  }
0x91: {  	s18 =	sld [smem:$0x3FD0];
	(tm) =	ssettm $0x1  }
0x92: {  	s4 =	sld [smem:$0x3FFB];
	_ =	sdelay $0x3  }
0x93: {  	_ =	strace s4  }
0x94: {  	s4 =	sld [smem:$0x3FFC];
	_ =	sdelay $0x3  }
0x95: {  	_ =	strace s4  }
0x96: {  	s4 =	sld [smem:$0x3FFD];
	_ =	sdelay $0x3  }
0x97: {  	_ =	strace s4  }
0x98: {  	_ =	strace $0x8FFFFFFF  }
0x99: {  	s19 =	sld [smem:$0x3FDB];
	_ =	sdelay $0x1  }
0x9a: {  	s5 =	simm.s32 $_scs_section_size  }
0x9b: {  	s6 =	simm.s32 $_size__tile_overlayer_lowered;
	s7 =	simm.s32 $_tile_overlayer_lowered  }
0x9c: {  	s22 =	simm.s32 $0x1BFF;
	s21 =	sshll.u32 s7, $0x1;
	s4 =	sadd.s32 s5, s19  }
0x9d: {  	s8 =	simm.s32 $0x0;
	s20 =	sshll.u32 s6, $0x1;
	s6 =	sadd.s32 s21, s4  }
0x9e: {  	[timem:s8], [sflag:s22] =	dma.local [hbm:s6], s20  }
0x9f: {  	_ =	swait.ge [sflag:s22], s20  }
0xa0: {  	s5 =	ssub.s32 $0x0, s20;
	[sflag:s22] =	ssyncset.done $0x0  }
0xa1: {  	[sflag:s22] =	ssyncadd.s32 s5;
	_ =	sdelay $0x1  }
0xa2: {  	s23 =	simm.s32 $0x1B8B  }
0xa3: {  	_ =	swait.ge [sflag:s23], $0x1  }
0xa4: {  	[sflag:s23] =	ssyncset.done $0x0  }
0xa5: {  	s25 =	simm.s32 $0x1B8E;
	s24 =	sld [smem:$0x3FFE];
	[sflag:s23] =	ssyncadd.s32 $0xFFFFFFFF  }
0xa6: {  	s26 =	simm.s32 $execute0_lowered;
	[smem:$0x3FD2] =	sst s25  }
0xa7: {  	s6 =	sshll.u32 s26, $0x1;
	_ =	strace $0x80000046;
	[dreg:$0x1] =	wrdreg $0xFFFFFFFF  }
0xa8: {  	s28 =	simm.s32 $_size_execute0_lowered;
	s4 =	sadd.s32 s4, s6;
	[dreg:$0x0] =	wrdreg $0x0  }
0xa9: {  	s6 =	sshll.u32 s28, $0x1;
	[dreg:$0x2] =	wrdreg s4  }
0xaa: {  	[dreg:$0x3] =	wrdreg s6  }
0xab: {  	[dreg:$0x4] =	wrdreg $0xC0  }
0xac: {  	_ =	task [dreg:s8], $0x5FFFF  }
0xad: {  	[dreg:$0x1] =	wrdreg $0xFFFFFFFF  }
0xae: {  	[dreg:$0x0] =	wrdreg $0x60  }
0xaf: {  	[dreg:$0x2] =	wrdreg s2  }
0xb0: {  	[dreg:$0x3] =	wrdreg s18  }
0xb1: {  	[dreg:$0x4] =	wrdreg s24  }
0xb2: {  	[dreg:$0x5] =	wrdreg $0x9  }
0xb3: {  	_ =	task.clear_ibuf [dreg:s8], $0x6FFFF;
	_ =	strace $0x90000046  }
0xb4: {  	s29 =	simm.s32 $0x9;
	_ =	strace $0x80000048  }
0xb5: {  	_ =	swait.ge [sflag:s29], $0x1  }
0xb6: {  	[sflag:s29] =	ssyncadd.s32 $0xFFFFFFFF  }
0xb7: {  	_ =	strace $0x90000048  }
0xb8: {  	_ =	sfence  }
0xb9: {  	s30 =	sld [smem:$0x0];
	_ =	sdelay $0x2  }
0xba: {  	s31 =	sshll.u32 s1, $0xD;
	s1 =	sshrl.u32 s1, $0x2  }
0xbb: {  	s3 =	sand.u32 $0x4000, s31;
	s1 =	sadd.s32 s1, s30  }
0xbc: {  	s0 =	sor.u32 s3, s0;
	s1 =	sshll.u32 s1, $0x11  }
0xbd: {  	s0 =	sor.u32 s1, s0  }
0xbe: {  	s0 =	sadd.s32 $0x8F2B, s0  }
0xbf: {  	[sflag:s0] =	ssyncadd.remote.s32 $0x1  }
0xc0: {  	_ =	sfence.sel $0xFFFF  }
0xc1: {  	[dreg:$0x0] =	wrdreg $0xFFFFFFFF;
	(pc) =	sbr.abs _section_cstart, $3  }
0xc2: {  	[dreg:$0x1] =	wrdreg $0xFFFFFFFF  }
0xc3: {  	_ =	task.clear_ibuf [dreg:s8], $0x2FFFF;
	_ =	strace $0x9FFFFFFF  }
0xc4: {  	(tm) =	ssettm $0x7FFFFFFF  }
0xc5: {  	_ =	shalt  }
tec
execute0_lowered:
.L_overlay_start_1:
0x0: {  	(tag) =	ssettag $0x1  }
0x1: {  	s0 =	rddreg [dreg:$0x0]  }
0x2: {  	s1 =	rddreg [dreg:$0x1]  }
0x3: {  	s26 =	rddreg [dreg:$0x2]  }
0x4: {  	s2 =	srdreg.scid;
	s3 =	stileid.u32;
	s5 =	simm.s32 $0x0  }
0x5: {  	s30 =	simm.s32 $0x80;
	s31 =	simm.s32 $0x100;
	[dreg:$0x6] =	wrdreg s1  }
0x6: {  	s2 =	sand.u32 $0x1, s2;
	s3 =	sshll.u32 s3, $0x5;
	[smem:$0x7FF] =	sst s5  }
0x7: {  	v0 =	vimm.s32 $0xECA86420;
	s4 =	sshll.u32 s2, $0x4;
	_ =	strace $0x80000047;
	[dreg:$0x5] =	wrdreg s30  }
0x8: {  	vm0 =	vcmask $0xB08;
	vm1 =	vcmask $0x1310;
	vm2 =	vcmask $0x1B18;
	s2 =	ssub.s32 $0x2, s2;
	[dreg:$0x8] =	wrdreg s31;
	s3 =	sor.u32 s4, s3  }
0x9: {  	vm3 =	vmmov $0xff;
	v2 =	vimm.s32 $0x0;
	v0 =	vunpack.c.l.s4.s8 v0;
	s29 =	sshrl.u32 s2, $0x1;
	s1 =	sadd.s32 s3, s26;
	s0 =	sadd.s32 s0, s3  }
0xa: {  	v1 =	vlaneseq.u32;
	v40 =	vimm.s32 $0x0;
	v2 =	vsel vm3, $0xFFFFFFFF, v2;
	[dreg:$0x4] =	wrdreg s0;
	s28 =	sadd.s32 $0x2400, s1;
	s1 =	ssub.s32 s2, s29  }
0xb: {  	vm12 =	vcmask $0x1714;
	v1 =	vmul.u32 $0x2, v1;
	[tilespmem:$0x1FFF0] =	vst v2;
	v0 =	vunpack.c.0.s8.s32 v0;
	[dreg:$0x7] =	wrdreg s28;
	s1 =	smax.u32 s1, $0x1  }
.LBB2_1:
0xc: {  	[dreg:$0x9] =	wrdreg s1  }
0xd: {  	s0 =	rddreg [dreg:$0x4];
	s3 =	simm.s32 $0x0;
	s2 =	simm.s32 $0x1  }
0xe: {  	[tilespmem:s3], [sflag:$0x1] =	stream.linear.gather [hbm4b:s0+s3], $0x80, $0x38;
	[tilespmem:$0x180] =	vst v63  }
0xf: {  	_ =	swait.ge [sflag:s2], $0x80  }
0x10: {  	s15 =	rddreg [dreg:$0x5];
	[sflag:s2] =	ssyncset.done $0x0  }
0x11: {  	s16 =	rddreg [dreg:$0x6];
	[sflag:s2] =	ssyncadd.s32 $0xFFFFFF80  }
0x12: {  	[tilespmem:s15], [sflag:$0x1] =	stream.linear.gather [hbm4b:s16+s3], $0x80, $0x38;
	[tilespmem:$0x180] =	vst v63  }
0x13: {  	_ =	swait.ge [sflag:s2], $0x80  }
0x14: {  	[sflag:s2] =	ssyncset.done $0x0  }
0x15: {  	[sflag:s2] =	ssyncadd.s32 $0xFFFFFF80  }
0x16: {  	v4 =	vld [tilespmem:$0x80];
	_ =	sdelay $0x4  }
0x17: {  	(v2sf) =	vpush v4, $0xD;
	_ =	sdelay $0x1  }
0x18: {  	(v2sf) =	vpush v4, $0xC;
	_ =	sdelay $0x1  }
0x19: {  	(v2sf) =	vpush v4, $0xE;
	_ =	sdelay $0x1  }
0x1a: {  	(v2sf) =	vpush v4, $0xF;
	_ =	sdelay $0x1  }
0x1b: {  	(v2sf) =	vpush v4, $0x9;
	_ =	sdelay $0x1  }
0x1c: {  	(v2sf) =	vpush v4, $0x8;
	_ =	sdelay $0x1  }
0x1d: {  	(v2sf) =	vpush v4, $0xA;
	_ =	sdelay $0x1  }
0x1e: {  	(v2sf) =	vpush v4, $0xB  }
0x1f: {  	s17 =	spop (v2sf)  }
0x20: {  	(v2sf) =	vpush v4, $0x0;
	s18 =	smulhi.u32 $0x59E60383, s17;
	s0 =	sshra.s32 s17, $0x1F  }
0x21: {  	(v2sf) =	vpush v4, $0x1;
	s19 =	spop (v2sf);
	s0 =	smul.u32 $0x59E60383, s0  }
0x22: {  	(v2sf) =	vpush v4, $0x2;
	s20 =	smulhi.u32 $0x59E60383, s19;
	s2 =	sshra.s32 s19, $0x1F  }
0x23: {  	(v2sf) =	vpush v4, $0x3;
	s4 =	spop (v2sf);
	s2 =	smul.u32 $0x59E60383, s2  }
0x24: {  	(v2sf) =	vpush v4, $0x4;
	s5 =	smulhi.u32 $0x59E60383, s4;
	s4 =	sshra.s32 s4, $0x1F  }
0x25: {  	(v2sf) =	vpush v4, $0x5;
	s6 =	spop (v2sf);
	s4 =	smul.u32 $0x59E60383, s4  }
0x26: {  	(v2sf) =	vpush v4, $0x6;
	s0 =	sadd.s32 s0, s18;
	s7 =	smulhi.u32 $0x59E60383, s6;
	s21 =	sshra.s32 s6, $0x1F  }
0x27: {  	(v2sf) =	vpush v4, $0x7;
	s22 =	spop (v2sf);
	s9 =	sshrl.u32 s0, $0x1F;
	s6 =	smul.u32 $0x59E60383, s21  }
0x28: {  	s3 =	sadd.s32 s2, s20;
	s8 =	smulhi.u32 $0x59E60383, s22;
	s1 =	sshra.s32 s22, $0x1F  }
0x29: {  	s23 =	spop (v2sf);
	s0 =	sshra.s32 s0, $0x8;
	s10 =	smul.u32 $0x59E60383, s1  }
0x2a: {  	s13 =	sshrl.u32 s3, $0x1F;
	s24 =	smulhi.u32 $0x59E60383, s23;
	s2 =	sshra.s32 s23, $0x1F  }
0x2b: {  	s1 =	sadd.s32 s4, s5;
	s29 =	spop (v2sf);
	s14 =	smul.u32 $0x59E60383, s2  }
0x2c: {  	s3 =	sshra.s32 s3, $0x8;
	s30 =	smulhi.u32 $0x59E60383, s29;
	s4 =	sshra.s32 s29, $0x1F  }
0x2d: {  	s11 =	sshrl.u32 s1, $0x1F;
	s25 =	spop (v2sf);
	s15 =	smul.u32 $0x59E60383, s4  }
0x2e: {  	s2 =	sadd.s32 s6, s7;
	s16 =	smulhi.u32 $0x59E60383, s25;
	s7 =	sshra.s32 s25, $0x1F  }
0x2f: {  	s12 =	sshrl.u32 s2, $0x1F;
	s26 =	spop (v2sf);
	s17 =	smul.u32 $0x59E60383, s7  }
0x30: {  	s18 =	smulhi.u32 $0x59E60383, s26;
	s28 =	sshra.s32 s26, $0x1F;
	s19 =	spop (v2sf)  }
0x31: {  	s4 =	sadd.s32 s10, s8;
	s29 =	smul.u32 $0x59E60383, s28;
	s31 =	spop (v2sf)  }
0x32: {  	s20 =	smulhi.u32 $0x59E60383, s19;
	s25 =	sshra.s32 s19, $0x1F;
	s26 =	spop (v2sf)  }
0x33: {  	s7 =	sadd.s32 s14, s24;
	s22 =	smul.u32 $0x59E60383, s25;
	s23 =	spop (v2sf)  }
0x34: {  	s24 =	smulhi.u32 $0x59E60383, s31;
	s5 =	sshra.s32 s31, $0x1F;
	s25 =	spop (v2sf)  }
0x35: {  	s8 =	sadd.s32 s15, s30;
	s30 =	smul.u32 $0x59E60383, s5;
	s15 =	spop (v2sf)  }
0x36: {  	s5 =	sadd.s32 s17, s16;
	s31 =	smulhi.u32 $0x59E60383, s26;
	s28 =	spop (v2sf)  }
0x37: {  	s14 =	sadd.s32 s29, s18;
	s29 =	smulhi.u32 $0x59E60383, s28;
	s17 =	sshra.s32 s28, $0x1F  }
0x38: {  	s10 =	sshrl.u32 s4, $0x1F;
	s19 =	sshra.s32 s26, $0x1F;
	s17 =	smul.u32 $0x59E60383, s17  }
0x39: {  	vm3 =	vcmask $0x300;
	vm10 =	vcmask $0x704;
	s21 =	sshrl.u32 s7, $0x1F;
	s7 =	sshra.s32 s7, $0x8;
	s19 =	smul.u32 $0x59E60383, s19  }
0x3a: {  	vm11 =	vcmask $0xF0C;
	vm5 =	vcmask $0x2320;
	vm6 =	vcmask $0x2B28;
	s20 =	sadd.s32 s22, s20;
	s22 =	sshrl.u32 s8, $0x1F;
	s6 =	sadd.s32 s17, s29  }
0x3b: {  	vm13 =	vcmask $0x1F1C;
	vm14 =	vcmask $0x2724;
	vm15 =	vcmask $0x2F2C;
	s18 =	smulhi.u32 $0x59E60383, s23;
	s16 =	sadd.s32 s19, s31;
	s31 =	sshra.s32 s6, $0x1F  }
0x3c: {  	vm9 =	vcmask $0x3B38;
	vm7 =	vcmask $0x3734;
	s23 =	sshra.s32 s23, $0x1F;
	s24 =	sadd.s32 s30, s24;
	s28 =	sshra.s32 s14, $0x8;
	v3 =	vmov s31  }
0x3d: {  	v5 =	vmov s13;
	v7 =	vmov s21;
	s30 =	sshrl.u32 s14, $0x1F;
	s13 =	smul.u32 $0x59E60383, s23;
	s14 =	sshra.s32 s14, $0x1F;
	v3 =	vsel vm3, s28, v3  }
0x3e: {  	v5 =	vsel vm0, s9, v5;
	v7 =	vsel vm0, s10, v7;
	s26 =	sshrl.u32 s5, $0x1F;
	s9 =	smulhi.u32 $0x59E60383, s25;
	s31 =	sshra.s32 s20, $0x8;
	v3 =	vsel vm10, s14, v3  }
0x3f: {  	v7 =	vsel vm1, s22, v7;
	s22 =	sshra.s32 s4, $0x8;
	v6 =	vmov s30;
	s30 =	sshra.s32 s25, $0x1F;
	s28 =	sshra.s32 s20, $0x1F;
	v3 =	vsel vm0, s31, v3  }
0x40: {  	v21 =	vmov s3;
	v5 =	vsel vm1, s11, v5;
	s19 =	sshrl.u32 s24, $0x1F;
	s17 =	smul.u32 $0x59E60383, s30;
	s30 =	sshra.s32 s24, $0x8;
	v3 =	vsel vm11, s28, v3  }
0x41: {  	v5 =	vsel vm2, s12, v5;
	v8 =	vmov s7;
	s25 =	sshrl.u32 s16, $0x1F;
	s13 =	sadd.s32 s13, s18;
	s31 =	sshra.s32 s24, $0x1F;
	v3 =	vsel vm1, s30, v3  }
0x42: {  	v7 =	vsel vm2, s26, v7;
	v6 =	vnsel vm3, $0x0, v6;
	s18 =	sshra.s32 s16, $0x1F;
	s29 =	sshrl.u32 s20, $0x1F;
	s14 =	sshra.s32 s16, $0x8;
	v3 =	vsel vm12, s31, v3  }
0x43: {  	v8 =	vsel vm0, s22, v8;
	s11 =	sshrl.u32 s13, $0x1F;
	v6 =	vsel vm0, s29, v6;
	s29 =	smulhi.u32 $0x59E60383, s15;
	s15 =	sshra.s32 s15, $0x1F;
	v3 =	vsel vm2, s14, v3  }
0x44: {  	v5 =	vcombine.low v7, v5;
	v6 =	vsel vm1, s19, v6;
	s15 =	smul.u32 $0x59E60383, s15;
	s9 =	sadd.s32 s17, s9;
	s20 =	sshra.s32 s13, $0x8;
	v3 =	vsel vm13, s18, v3  }
0x45: {  	v7 =	vsel vm0, s0, v21;
	s21 =	sshra.s32 s13, $0x1F;
	v6 =	vsel vm2, s25, v6;
	s17 =	sshrl.u32 s9, $0x1F;
	s25 =	sshra.s32 s8, $0x8;
	v3 =	vsel vm5, s20, v3  }
0x46: {  	s23 =	sshra.s32 s9, $0x8;
	v6 =	vsel vm5, s11, v6;
	s12 =	sadd.s32 s15, s29;
	v8 =	vsel vm1, s25, v8;
	s29 =	sshra.s32 s5, $0x8;
	v3 =	vsel vm14, s21, v3  }
0x47: {  	s26 =	sshra.s32 s9, $0x1F;
	v6 =	vsel vm6, s17, v6;
	s24 =	sshra.s32 s1, $0x8;
	v8 =	vsel vm2, s29, v8;
	v3 =	vsel vm6, s23, v3  }
0x48: {  	v2 =	vld [tilespmem:$0x1FFF0];
	s19 =	sshrl.u32 s12, $0x1F;
	vm11 =	vcmask $0x3330;
	v7 =	vsel vm1, s24, v7;
	s28 =	sshra.s32 s2, $0x8;
	s30 =	sshra.s32 s12, $0x8;
	v3 =	vsel vm15, s26, v3  }
0x49: {  	s1 =	sshra.s32 s12, $0x1F;
	v6 =	vsel vm11, s19, v6;
	v7 =	vsel vm2, s28, v7;
	s31 =	sshrl.u32 s6, $0x1F;
	v3 =	vsel vm11, s30, v3  }
0x4a: {  	s2 =	sshra.s32 s6, $0x8;
	v7 =	vcombine.low v8, v7;
	v6 =	vsel vm9, s31, v6;
	v3 =	vsel vm7, s1, v3  }
0x4b: {  	v5 =	vperm.xlane v5, v0;
	v6 =	vperm.xlane v6, v1;
	v3 =	vsel vm9, s2, v3  }
0x4c: {  	v7 =	vperm.xlane v7, v0;
	v3 =	vperm.xlane v3, v1  }
0x4d: {  	vm8 =	vnez.u8 v2  }
0x4e: {  	v5 =	vsel vm8, v6, v5;
	v3 =	vsel vm8, v3, v7  }
0x4f: {  	v2 =	vadd.s32 v5, v3  }
0x50: {  	v5 =	vmul.u32 $0xFFFFFD27, v2;
	_ =	sdelay $0x1  }
0x51: {  	v4 =	vadd.s32 v4, v5  }
0x52: {  	(v2sf) =	vpush v4, $0xD  }
0x53: {  	(v2sf) =	vpush v4, $0xC  }
0x54: {  	(v2sf) =	vpush v4, $0xE  }
0x55: {  	(v2sf) =	vpush v4, $0xF  }
0x56: {  	(v2sf) =	vpush v4, $0x9  }
0x57: {  	(v2sf) =	vpush v4, $0x8  }
0x58: {  	(v2sf) =	vpush v4, $0xA  }
0x59: {  	(v2sf) =	vpush v4, $0xB  }
0x5a: {  	(v2sf) =	vpush v4, $0x0  }
0x5b: {  	(v2sf) =	vpush v4, $0x1  }
0x5c: {  	(v2sf) =	vpush v4, $0x2  }
0x5d: {  	v22 =	vld [tilespmem:$0x0];
	(v2sf) =	vpush v4, $0x3  }
0x5e: {  	(v2sf) =	vpush v4, $0x4  }
0x5f: {  	(v2sf) =	vpush v4, $0x5  }
0x60: {  	(v2sf) =	vpush v4, $0x6  }
0x61: {  	s31 =	spop (v2sf);
	(v2sf) =	vpush v4, $0x7  }
0x62: {  	s3 =	spop (v2sf);
	(v2sf) =	vpush v22, $0xD  }
0x63: {  	[smem:$0x67A] =	sst s3;
	s4 =	spop (v2sf);
	(v2sf) =	vpush v22, $0xC  }
0x64: {  	[smem:$0x67B] =	sst s4;
	s5 =	spop (v2sf);
	(v2sf) =	vpush v22, $0xE  }
0x65: {  	[smem:$0x67C] =	sst s5;
	s6 =	spop (v2sf);
	(v2sf) =	vpush v22, $0xF  }
0x66: {  	[smem:$0x67D] =	sst s6;
	s7 =	spop (v2sf);
	(v2sf) =	vpush v22, $0x9  }
0x67: {  	[smem:$0x67E] =	sst s7;
	s8 =	spop (v2sf);
	(v2sf) =	vpush v22, $0x8  }
0x68: {  	[smem:$0x67F] =	sst s8;
	s9 =	spop (v2sf);
	(v2sf) =	vpush v22, $0xA  }
0x69: {  	[smem:$0x680] =	sst s9;
	s10 =	spop (v2sf);
	(v2sf) =	vpush v22, $0xB  }
0x6a: {  	[smem:$0x681] =	sst s10;
	s11 =	spop (v2sf);
	(v2sf) =	vpush v22, $0x0  }
0x6b: {  	[smem:$0x682] =	sst s11;
	s12 =	spop (v2sf);
	(v2sf) =	vpush v22, $0x1  }
0x6c: {  	[smem:$0x683] =	sst s12;
	s13 =	spop (v2sf);
	(v2sf) =	vpush v22, $0x2  }
0x6d: {  	[smem:$0x684] =	sst s13;
	s14 =	spop (v2sf);
	(v2sf) =	vpush v22, $0x3  }
0x6e: {  	[smem:$0x685] =	sst s14;
	s15 =	spop (v2sf);
	(v2sf) =	vpush v22, $0x4  }
0x6f: {  	[smem:$0x686] =	sst s15;
	s16 =	spop (v2sf);
	(v2sf) =	vpush v22, $0x5  }
0x70: {  	[smem:$0x687] =	sst s16;
	s17 =	spop (v2sf)  }
0x71: {  	[smem:$0x688] =	sst s17;
	s18 =	spop (v2sf)  }
0x72: {  	s19 =	spop (v2sf);
	s21 =	smulhi.u32 $0x59E60383, s18;
	s0 =	sshra.s32 s18, $0x1F  }
0x73: {  	s20 =	spop (v2sf);
	s18 =	smul.u32 $0x59E60383, s0  }
0x74: {  	s6 =	smulhi.u32 $0x59E60383, s19;
	s1 =	sshra.s32 s19, $0x1F;
	s17 =	spop (v2sf)  }
0x75: {  	s9 =	smul.u32 $0x59E60383, s1;
	s3 =	spop (v2sf)  }
0x76: {  	s11 =	smulhi.u32 $0x59E60383, s20;
	s2 =	sshra.s32 s20, $0x1F;
	s8 =	spop (v2sf)  }
0x77: {  	s30 =	smul.u32 $0x59E60383, s2;
	s10 =	spop (v2sf)  }
0x78: {  	s12 =	smulhi.u32 $0x59E60383, s17;
	s4 =	sshra.s32 s17, $0x1F;
	s29 =	spop (v2sf)  }
0x79: {  	s4 =	smul.u32 $0x59E60383, s4;
	s13 =	spop (v2sf)  }
0x7a: {  	s15 =	smulhi.u32 $0x59E60383, s3;
	s5 =	sshra.s32 s3, $0x1F;
	s14 =	spop (v2sf)  }
0x7b: {  	s5 =	smul.u32 $0x59E60383, s5;
	s16 =	spop (v2sf)  }
0x7c: {  	s19 =	smulhi.u32 $0x59E60383, s8;
	s7 =	sshra.s32 s8, $0x1F;
	s17 =	spop (v2sf)  }
0x7d: {  	(v2sf) =	vpush v22, $0x6;
	s25 =	smul.u32 $0x59E60383, s7;
	s20 =	spop (v2sf)  }
0x7e: {  	s23 =	smulhi.u32 $0x59E60383, s10;
	s28 =	sshra.s32 s10, $0x1F;
	s22 =	spop (v2sf);
	(v2sf) =	vpush v22, $0x7  }
0x7f: {  	s26 =	smul.u32 $0x59E60383, s28  }
0x80: {  	s3 =	smulhi.u32 $0x59E60383, s29;
	s29 =	sshra.s32 s29, $0x1F  }
0x81: {  	s10 =	smul.u32 $0x59E60383, s29  }
0x82: {  	s7 =	smulhi.u32 $0x59E60383, s13;
	s2 =	sshra.s32 s13, $0x1F  }
0x83: {  	s2 =	smul.u32 $0x59E60383, s2  }
0x84: {  	s8 =	smulhi.u32 $0x59E60383, s14;
	s13 =	sshra.s32 s14, $0x1F  }
0x85: {  	s13 =	smul.u32 $0x59E60383, s13  }
0x86: {  	s1 =	smulhi.u32 $0x59E60383, s16;
	s14 =	sshra.s32 s16, $0x1F  }
0x87: {  	s14 =	smul.u32 $0x59E60383, s14  }
0x88: {  	s0 =	smulhi.u32 $0x59E60383, s17;
	s16 =	sshra.s32 s17, $0x1F  }
0x89: {  	s21 =	sadd.s32 s18, s21;
	s24 =	sadd.s32 s9, s6;
	s16 =	smul.u32 $0x59E60383, s16  }
0x8a: {  	s18 =	sadd.s32 s30, s11;
	s9 =	smulhi.u32 $0x59E60383, s20;
	s30 =	sshra.s32 s20, $0x1F  }
0x8b: {  	s11 =	sadd.s32 s4, s12;
	s5 =	sadd.s32 s5, s15;
	s15 =	smul.u32 $0x59E60383, s30  }
0x8c: {  	s17 =	smulhi.u32 $0x59E60383, s22;
	s6 =	sshra.s32 s22, $0x1F;
	s20 =	spop (v2sf)  }
0x8d: {  	s12 =	sadd.s32 s25, s19;
	s25 =	smul.u32 $0x59E60383, s6;
	s28 =	spop (v2sf)  }
0x8e: {  	s4 =	sadd.s32 s10, s3;
	s29 =	smulhi.u32 $0x59E60383, s28;
	s30 =	sshra.s32 s28, $0x1F  }
0x8f: {  	s2 =	sadd.s32 s2, s7;
	s1 =	sadd.s32 s14, s1;
	s10 =	smul.u32 $0x59E60383, s30  }
0x90: {  	s6 =	sadd.s32 s26, s23;
	s23 =	sadd.s32 s13, s8;
	s0 =	sadd.s32 s16, s0  }
0x91: {  	s26 =	sshra.s32 s20, $0x1F;
	s16 =	sshrl.u32 s2, $0x1F;
	s3 =	sadd.s32 s10, s29  }
0x92: {  	s8 =	sadd.s32 s15, s9;
	s13 =	smul.u32 $0x59E60383, s26;
	s28 =	sshra.s32 s3, $0x1F  }
0x93: {  	v25 =	vmov s16;
	s22 =	sshrl.u32 s23, $0x1F;
	s7 =	sshra.s32 s23, $0x1F;
	s30 =	sshra.s32 s2, $0x8;
	v23 =	vmov s28  }
0x94: {  	s9 =	sadd.s32 s25, s17;
	s25 =	smulhi.u32 $0x59E60383, s20;
	v8 =	vnsel vm3, $0x0, v25;
	s2 =	sshra.s32 s2, $0x1F;
	v5 =	vsel vm3, s30, v23  }
0x95: {  	vm4 =	vcmask $0xF0C;
	s26 =	sshrl.u32 s1, $0x1F;
	s20 =	sshra.s32 s23, $0x8;
	v8 =	vsel vm0, s22, v8;
	s29 =	sshrl.u32 s24, $0x1F;
	v5 =	vsel vm10, s2, v5  }
0x96: {  	s17 =	sshrl.u32 s21, $0x1F;
	v8 =	vsel vm1, s26, v8;
	s10 =	sadd.s32 s13, s25;
	s25 =	sshrl.u32 s12, $0x1F;
	v24 =	vmov s29;
	v5 =	vsel vm0, s20, v5  }
0x97: {  	s19 =	sshrl.u32 s18, $0x1F;
	v9 =	vmov s25;
	s29 =	sshrl.u32 s5, $0x1F;
	v7 =	vsel vm0, s17, v24;
	s28 =	sshra.s32 s1, $0x8;
	v5 =	vsel vm4, s7, v5  }
0x98: {  	s23 =	sshrl.u32 s11, $0x1F;
	s13 =	sshrl.u32 s6, $0x1F;
	s1 =	sshra.s32 s1, $0x1F;
	v9 =	vsel vm0, s29, v9;
	v7 =	vsel vm1, s19, v7;
	v5 =	vsel vm1, s28, v5  }
0x99: {  	s15 =	sshra.s32 s0, $0x8;
	s16 =	sshrl.u32 s4, $0x1F;
	s30 =	sshrl.u32 s0, $0x1F;
	v9 =	vsel vm1, s13, v9;
	v7 =	vsel vm2, s23, v7;
	v5 =	vsel vm12, s1, v5  }
0x9a: {  	s14 =	sshrl.u32 s8, $0x1F;
	s0 =	sshra.s32 s0, $0x1F;
	s19 =	sshra.s32 s24, $0x8;
	v8 =	vsel vm2, s30, v8;
	v9 =	vsel vm2, s16, v9;
	v5 =	vsel vm2, s15, v5  }
0x9b: {  	s22 =	sshra.s32 s8, $0x8;
	v10 =	vmov s19;
	s23 =	sshra.s32 s12, $0x8;
	v8 =	vsel vm5, s14, v8;
	v5 =	vsel vm13, s0, v5  }
0x9c: {  	s25 =	sshra.s32 s21, $0x8;
	s17 =	sshrl.u32 s9, $0x1F;
	s24 =	sshra.s32 s8, $0x1F;
	v11 =	vmov s23;
	v7 =	vcombine.low v9, v7;
	v5 =	vsel vm5, s22, v5  }
0x9d: {  	s26 =	sshra.s32 s5, $0x8;
	s29 =	sshra.s32 s18, $0x8;
	v26 =	vsel vm0, s25, v10;
	v8 =	vsel vm6, s17, v8;
	s28 =	sshra.s32 s9, $0x8;
	v5 =	vsel vm14, s24, v5  }
0x9e: {  	s5 =	sshra.s32 s9, $0x1F;
	s30 =	sshra.s32 s6, $0x8;
	s20 =	sshrl.u32 s10, $0x1F;
	v27 =	vsel vm0, s26, v11;
	v9 =	vsel vm1, s29, v26;
	v5 =	vsel vm6, s28, v5  }
0x9f: {  	s8 =	sshra.s32 s10, $0x8;
	s6 =	sshra.s32 s11, $0x8;
	s7 =	sshra.s32 s4, $0x8;
	v8 =	vsel vm11, s20, v8;
	v10 =	vsel vm1, s30, v27;
	v5 =	vsel vm15, s5, v5  }
0xa0: {  	s11 =	sshra.s32 s10, $0x1F;
	s9 =	sshrl.u32 s3, $0x1F;
	v9 =	vsel vm2, s6, v9;
	v10 =	vsel vm2, s7, v10;
	v5 =	vsel vm11, s8, v5  }
0xa1: {  	s12 =	sshra.s32 s3, $0x8;
	v8 =	vsel vm9, s9, v8;
	v9 =	vcombine.low v10, v9;
	v5 =	vsel vm7, s11, v5  }
0xa2: {  	v7 =	vperm.xlane v7, v0;
	v8 =	vperm.xlane v8, v1;
	v5 =	vsel vm9, s12, v5  }
0xa3: {  	v9 =	vperm.xlane v9, v0;
	v5 =	vperm.xlane v5, v1;
	_ =	sdelay $0x1  }
0xa4: {  	v7 =	vsel vm8, v8, v7;
	v5 =	vsel vm8, v5, v9  }
0xa5: {  	[tilespmem:$0x1FFB0] =	vst v2;
	v2 =	vadd.s32 v7, v5  }
0xa6: {  	v7 =	vmul.u32 $0xFFFFFD27, v2;
	_ =	sdelay $0x1  }
0xa7: {  	v6 =	vadd.s32 v22, v7  }
0xa8: {  	(v2sf) =	vpush v6, $0xD  }
0xa9: {  	(v2sf) =	vpush v6, $0xC  }
0xaa: {  	(v2sf) =	vpush v6, $0xE  }
0xab: {  	(v2sf) =	vpush v6, $0xF  }
0xac: {  	(v2sf) =	vpush v6, $0x9  }
0xad: {  	(v2sf) =	vpush v6, $0x8  }
0xae: {  	(v2sf) =	vpush v6, $0xA  }
0xaf: {  	(v2sf) =	vpush v6, $0xB  }
0xb0: {  	(v2sf) =	vpush v6, $0x0  }
0xb1: {  	(v2sf) =	vpush v6, $0x1  }
0xb2: {  	(v2sf) =	vpush v6, $0x2  }
0xb3: {  	v28 =	vld [tilespmem:$0x10];
	(v2sf) =	vpush v6, $0x3  }
0xb4: {  	(v2sf) =	vpush v6, $0x4  }
0xb5: {  	(v2sf) =	vpush v6, $0x5  }
0xb6: {  	(v2sf) =	vpush v6, $0x6  }
0xb7: {  	s25 =	spop (v2sf);
	(v2sf) =	vpush v6, $0x7  }
0xb8: {  	s28 =	spop (v2sf);
	(v2sf) =	vpush v28, $0xD  }
0xb9: {  	s29 =	spop (v2sf)  }
0xba: {  	(v2sf) =	vpush v28, $0xC;
	s30 =	spop (v2sf)  }
0xbb: {  	s13 =	spop (v2sf)  }
0xbc: {  	(v2sf) =	vpush v28, $0xE;
	s14 =	spop (v2sf)  }
0xbd: {  	s15 =	spop (v2sf)  }
0xbe: {  	(v2sf) =	vpush v28, $0xF;
	s16 =	spop (v2sf)  }
0xbf: {  	s17 =	spop (v2sf)  }
0xc0: {  	(v2sf) =	vpush v28, $0x9;
	s18 =	spop (v2sf)  }
0xc1: {  	s19 =	spop (v2sf)  }
0xc2: {  	(v2sf) =	vpush v28, $0x8;
	s20 =	spop (v2sf)  }
0xc3: {  	[smem:$0x689] =	sst s13;
	s21 =	spop (v2sf)  }
0xc4: {  	[smem:$0x68A] =	sst s14;
	(v2sf) =	vpush v28, $0xA;
	s22 =	spop (v2sf)  }
0xc5: {  	[smem:$0x68B] =	sst s15;
	s23 =	spop (v2sf)  }
0xc6: {  	[smem:$0x68C] =	sst s16;
	(v2sf) =	vpush v28, $0xB;
	s24 =	spop (v2sf)  }
0xc7: {  	[smem:$0x68D] =	sst s17;
	s26 =	spop (v2sf)  }
0xc8: {  	[smem:$0x690] =	sst s20;
	(v2sf) =	vpush v28, $0x0;
	s1 =	smulhi.u32 $0x59E60383, s26;
	s0 =	sshra.s32 s26, $0x1F  }
0xc9: {  	s20 =	spop (v2sf);
	s15 =	smul.u32 $0x59E60383, s0  }
0xca: {  	[smem:$0x691] =	sst s21;
	(v2sf) =	vpush v28, $0x1;
	s5 =	smulhi.u32 $0x59E60383, s20;
	s2 =	sshra.s32 s20, $0x1F  }
0xcb: {  	s21 =	spop (v2sf);
	s0 =	smul.u32 $0x59E60383, s2  }
0xcc: {  	[smem:$0x692] =	sst s22;
	(v2sf) =	vpush v28, $0x2;
	s9 =	smulhi.u32 $0x59E60383, s21;
	s4 =	sshra.s32 s21, $0x1F  }
0xcd: {  	s22 =	spop (v2sf);
	s6 =	smul.u32 $0x59E60383, s4  }
0xce: {  	[smem:$0x693] =	sst s23;
	(v2sf) =	vpush v28, $0x3;
	s7 =	smulhi.u32 $0x59E60383, s22;
	s4 =	sshra.s32 s22, $0x1F  }
0xcf: {  	s23 =	spop (v2sf);
	s10 =	smul.u32 $0x59E60383, s4  }
0xd0: {  	[smem:$0x694] =	sst s24;
	(v2sf) =	vpush v28, $0x4;
	s13 =	smulhi.u32 $0x59E60383, s23;
	s4 =	sshra.s32 s23, $0x1F  }
0xd1: {  	s24 =	spop (v2sf);
	s14 =	smul.u32 $0x59E60383, s4  }
0xd2: {  	[smem:$0x68E] =	sst s18;
	(v2sf) =	vpush v28, $0x5;
	s16 =	smulhi.u32 $0x59E60383, s24;
	s4 =	sshra.s32 s24, $0x1F  }
0xd3: {  	(v2sf) =	vpush v28, $0x6;
	s17 =	smul.u32 $0x59E60383, s4;
	s26 =	spop (v2sf)  }
0xd4: {  	[smem:$0x68F] =	sst s19;
	(v2sf) =	vpush v28, $0x7;
	s18 =	smulhi.u32 $0x59E60383, s26;
	s4 =	sshra.s32 s26, $0x1F  }
0xd5: {  	s2 =	spop (v2sf);
	s19 =	smul.u32 $0x59E60383, s4  }
0xd6: {  	s20 =	smulhi.u32 $0x59E60383, s2;
	s4 =	sshra.s32 s2, $0x1F  }
0xd7: {  	s21 =	smul.u32 $0x59E60383, s4;
	s3 =	spop (v2sf)  }
0xd8: {  	s22 =	smulhi.u32 $0x59E60383, s3;
	s4 =	sshra.s32 s3, $0x1F  }
0xd9: {  	s11 =	spop (v2sf);
	s23 =	smul.u32 $0x59E60383, s4  }
0xda: {  	s24 =	smulhi.u32 $0x59E60383, s11;
	s4 =	sshra.s32 s11, $0x1F  }
0xdb: {  	s12 =	spop (v2sf);
	s26 =	smul.u32 $0x59E60383, s4  }
0xdc: {  	s3 =	smulhi.u32 $0x59E60383, s12;
	s4 =	sshra.s32 s12, $0x1F  }
0xdd: {  	s8 =	sadd.s32 s15, s1;
	s15 =	spop (v2sf);
	s4 =	smul.u32 $0x59E60383, s4  }
0xde: {  	s5 =	sadd.s32 s0, s5;
	s2 =	smulhi.u32 $0x59E60383, s15;
	s1 =	sshra.s32 s15, $0x1F  }
0xdf: {  	s9 =	sadd.s32 s6, s9;
	s0 =	spop (v2sf);
	s6 =	smul.u32 $0x59E60383, s1  }
0xe0: {  	s11 =	sadd.s32 s10, s7;
	s10 =	smulhi.u32 $0x59E60383, s0;
	s1 =	sshra.s32 s0, $0x1F  }
0xe1: {  	s7 =	sadd.s32 s14, s13;
	s12 =	spop (v2sf);
	s14 =	smul.u32 $0x59E60383, s1  }
0xe2: {  	s13 =	smulhi.u32 $0x59E60383, s12;
	s1 =	sshra.s32 s12, $0x1F;
	s0 =	spop (v2sf)  }
0xe3: {  	s17 =	sadd.s32 s17, s16;
	s16 =	smul.u32 $0x59E60383, s1;
	s15 =	spop (v2sf)  }
0xe4: {  	s19 =	sadd.s32 s19, s18;
	s12 =	smulhi.u32 $0x59E60383, s15;
	s1 =	sshra.s32 s15, $0x1F  }
0xe5: {  	s20 =	sadd.s32 s21, s20;
	s3 =	sadd.s32 s4, s3;
	s1 =	smul.u32 $0x59E60383, s1  }
0xe6: {  	s4 =	sadd.s32 s6, s2;
	s10 =	sadd.s32 s14, s10;
	s14 =	sadd.s32 s16, s13  }
0xe7: {  	s13 =	sshrl.u32 s3, $0x1F;
	s16 =	sshra.s32 s3, $0x1F;
	s2 =	sadd.s32 s1, s12  }
0xe8: {  	s15 =	sadd.s32 s23, s22;
	s22 =	sadd.s32 s26, s24;
	s18 =	sshra.s32 s2, $0x1F  }
0xe9: {  	vm5 =	vmmov vm4;
	s23 =	sshrl.u32 s5, $0x1F;
	s24 =	sshra.s32 s15, $0x8;
	s26 =	sshrl.u32 s15, $0x1F;
	v29 =	vmov s18  }
0xea: {  	s5 =	sshra.s32 s5, $0x8;
	v30 =	vmov s23;
	s21 =	sshra.s32 s22, $0x8;
	v31 =	vmov s26;
	s12 =	sshra.s32 s15, $0x1F;
	v7 =	vsel vm3, s24, v29  }
0xeb: {  	s23 =	sshrl.u32 s22, $0x1F;
	v12 =	vmov s5;
	s26 =	sshrl.u32 s11, $0x1F;
	s15 =	sshrl.u32 s8, $0x1F;
	v10 =	vnsel vm3, $0x0, v31;
	v7 =	vsel vm10, s12, v7  }
0xec: {  	s1 =	smulhi.u32 $0x59E60383, s0;
	v9 =	vsel vm0, s15, v30;
	v10 =	vsel vm0, s23, v10;
	s18 =	sshrl.u32 s9, $0x1F;
	s24 =	sshra.s32 s22, $0x1F;
	v7 =	vsel vm0, s21, v7  }
0xed: {  	s0 =	sshra.s32 s0, $0x1F;
	s15 =	sshra.s32 s3, $0x8;
	v10 =	vsel vm1, s13, v10;
	v9 =	vsel vm1, s18, v9;
	s12 =	sshrl.u32 s17, $0x1F;
	v7 =	vsel vm4, s24, v7  }
0xee: {  	s0 =	smul.u32 $0x59E60383, s0;
	s18 =	sshrl.u32 s7, $0x1F;
	v9 =	vsel vm2, s26, v9;
	v32 =	vmov s12;
	s21 =	sshrl.u32 s4, $0x1F;
	v7 =	vsel vm1, s15, v7  }
0xef: {  	s23 =	sshrl.u32 s10, $0x1F;
	s22 =	sshrl.u32 s19, $0x1F;
	v11 =	vsel vm0, s18, v32;
	v10 =	vsel vm2, s21, v10;
	s24 =	sshra.s32 s4, $0x8;
	v7 =	vsel vm12, s16, v7  }
0xf0: {  	s3 =	sshrl.u32 s20, $0x1F;
	s13 =	sshra.s32 s10, $0x8;
	s26 =	sshra.s32 s4, $0x1F;
	vm4 =	vcmask $0x2320;
	v11 =	vsel vm1, s22, v11;
	v7 =	vsel vm2, s24, v7  }
0xf1: {  	s6 =	sadd.s32 s0, s1;
	s4 =	sshrl.u32 s14, $0x1F;
	v10 =	vsel vm4, s23, v10;
	s15 =	sshra.s32 s8, $0x8;
	v11 =	vsel vm2, s3, v11;
	v7 =	vsel vm13, s26, v7  }
0xf2: {  	s12 =	sshrl.u32 s6, $0x1F;
	v10 =	vsel vm6, s4, v10;
	s16 =	sshra.s32 s17, $0x8;
	s17 =	sshra.s32 s10, $0x1F;
	v12 =	vsel vm0, s15, v12;
	v7 =	vsel vm4, s13, v7  }
0xf3: {  	s18 =	sshra.s32 s9, $0x8;
	s21 =	sshra.s32 s7, $0x8;
	s22 =	sshra.s32 s14, $0x8;
	v10 =	vsel vm11, s12, v10;
	v13 =	vmov s16;
	v7 =	vsel vm14, s17, v7  }
0xf4: {  	v12 =	vsel vm1, s18, v12;
	s24 =	sshra.s32 s19, $0x8;
	v13 =	vsel vm0, s21, v13;
	s26 =	sshra.s32 s14, $0x1F;
	v7 =	vsel vm6, s22, v7  }
0xf5: {  	s5 =	sshra.s32 s6, $0x8;
	s23 =	sshra.s32 s11, $0x8;
	s4 =	sshra.s32 s20, $0x8;
	v9 =	vcombine.low v11, v9;
	v13 =	vsel vm1, s24, v13;
	v7 =	vsel vm15, s26, v7  }
0xf6: {  	s6 =	sshra.s32 s6, $0x1F;
	s7 =	sshrl.u32 s2, $0x1F;
	v12 =	vsel vm2, s23, v12;
	v13 =	vsel vm2, s4, v13;
	v7 =	vsel vm11, s5, v7  }
0xf7: {  	s8 =	sshra.s32 s2, $0x8;
	v10 =	vsel vm9, s7, v10;
	v33 =	vcombine.low v13, v12;
	v7 =	vsel vm7, s6, v7  }
0xf8: {  	v9 =	vperm.xlane v9, v0;
	v10 =	vperm.xlane v10, v1;
	v7 =	vsel vm9, s8, v7  }
0xf9: {  	v11 =	vperm.xlane v33, v0;
	v7 =	vperm.xlane v7, v1;
	_ =	sdelay $0x1  }
0xfa: {  	v9 =	vsel vm8, v10, v9;
	v7 =	vsel vm8, v7, v11  }
0xfb: {  	v7 =	vadd.s32 v9, v7  }
0xfc: {  	v9 =	vmul.u32 $0xFFFFFD27, v7;
	_ =	sdelay $0x1  }
0xfd: {  	v8 =	vadd.s32 v28, v9  }
0xfe: {  	(v2sf) =	vpush v8, $0xD  }
0xff: {  	(v2sf) =	vpush v8, $0xC  }
0x100: {  	(v2sf) =	vpush v8, $0xE  }
0x101: {  	(v2sf) =	vpush v8, $0xF  }
0x102: {  	(v2sf) =	vpush v8, $0x9  }
0x103: {  	(v2sf) =	vpush v8, $0x8  }
0x104: {  	(v2sf) =	vpush v8, $0xA  }
0x105: {  	(v2sf) =	vpush v8, $0xB  }
0x106: {  	(v2sf) =	vpush v8, $0x0  }
0x107: {  	(v2sf) =	vpush v8, $0x1  }
0x108: {  	(v2sf) =	vpush v8, $0x2  }
0x109: {  	v34 =	vld [tilespmem:$0x20];
	(v2sf) =	vpush v8, $0x3  }
0x10a: {  	(v2sf) =	vpush v8, $0x4  }
0x10b: {  	(v2sf) =	vpush v8, $0x5  }
0x10c: {  	(v2sf) =	vpush v8, $0x6  }
0x10d: {  	(v2sf) =	vpush v8, $0x7;
	s26 =	spop (v2sf)  }
0x10e: {  	(v2sf) =	vpush v34, $0xD;
	s23 =	spop (v2sf)  }
0x10f: {  	s9 =	spop (v2sf)  }
0x110: {  	(v2sf) =	vpush v34, $0xC;
	s10 =	spop (v2sf)  }
0x111: {  	s11 =	spop (v2sf)  }
0x112: {  	(v2sf) =	vpush v34, $0xE;
	s12 =	spop (v2sf)  }
0x113: {  	s13 =	spop (v2sf)  }
0x114: {  	(v2sf) =	vpush v34, $0xF;
	s14 =	spop (v2sf)  }
0x115: {  	s15 =	spop (v2sf)  }
0x116: {  	(v2sf) =	vpush v34, $0x9;
	s16 =	spop (v2sf)  }
0x117: {  	[smem:$0x695] =	sst s9;
	s17 =	spop (v2sf)  }
0x118: {  	[smem:$0x696] =	sst s10;
	(v2sf) =	vpush v34, $0x8;
	s18 =	spop (v2sf)  }
0x119: {  	[smem:$0x697] =	sst s11;
	s19 =	spop (v2sf)  }
0x11a: {  	[smem:$0x698] =	sst s12;
	(v2sf) =	vpush v34, $0xA;
	s20 =	spop (v2sf)  }
0x11b: {  	[smem:$0x699] =	sst s13;
	s21 =	spop (v2sf)  }
0x11c: {  	[smem:$0x69A] =	sst s14;
	(v2sf) =	vpush v34, $0xB;
	s22 =	spop (v2sf)  }
0x11d: {  	[smem:$0x69B] =	sst s15;
	s24 =	spop (v2sf)  }
0x11e: {  	(v2sf) =	vpush v34, $0x0;
	[smem:$0x6A2] =	sst s22;
	s22 =	smulhi.u32 $0x59E60383, s24;
	s0 =	sshra.s32 s24, $0x1F  }
0x11f: {  	s1 =	spop (v2sf);
	s15 =	smul.u32 $0x59E60383, s0  }
0x120: {  	(v2sf) =	vpush v34, $0x1;
	[smem:$0x69D] =	sst s17;
	s17 =	smulhi.u32 $0x59E60383, s1;
	s2 =	sshra.s32 s1, $0x1F  }
0x121: {  	s3 =	spop (v2sf);
	s13 =	smul.u32 $0x59E60383, s2  }
0x122: {  	(v2sf) =	vpush v34, $0x2;
	[smem:$0x69E] =	sst s18;
	s18 =	smulhi.u32 $0x59E60383, s3;
	s4 =	sshra.s32 s3, $0x1F  }
0x123: {  	s10 =	smul.u32 $0x59E60383, s4;
	s4 =	spop (v2sf)  }
0x124: {  	(v2sf) =	vpush v34, $0x3;
	[smem:$0x6A0] =	sst s20;
	s12 =	smulhi.u32 $0x59E60383, s4;
	s6 =	sshra.s32 s4, $0x1F  }
0x125: {  	s5 =	spop (v2sf);
	s20 =	smul.u32 $0x59E60383, s6  }
0x126: {  	[smem:$0x69C] =	sst s16;
	(v2sf) =	vpush v34, $0x4;
	s9 =	smulhi.u32 $0x59E60383, s5;
	s7 =	sshra.s32 s5, $0x1F  }
0x127: {  	s6 =	spop (v2sf);
	s11 =	smul.u32 $0x59E60383, s7  }
0x128: {  	(v2sf) =	vpush v34, $0x5;
	[smem:$0x6A1] =	sst s21;
	s16 =	smulhi.u32 $0x59E60383, s6;
	s7 =	sshra.s32 s6, $0x1F  }
0x129: {  	s8 =	spop (v2sf);
	s21 =	smul.u32 $0x59E60383, s7  }
0x12a: {  	[smem:$0x69F] =	sst s19;
	(v2sf) =	vpush v34, $0x6;
	s24 =	smulhi.u32 $0x59E60383, s8;
	s7 =	sshra.s32 s8, $0x1F  }
0x12b: {  	(v2sf) =	vpush v34, $0x7;
	s14 =	spop (v2sf);
	s19 =	smul.u32 $0x59E60383, s7  }
0x12c: {  	s8 =	smulhi.u32 $0x59E60383, s14;
	s7 =	sshra.s32 s14, $0x1F  }
0x12d: {  	s0 =	spop (v2sf);
	s14 =	smul.u32 $0x59E60383, s7  }
0x12e: {  	s6 =	smulhi.u32 $0x59E60383, s0;
	s7 =	sshra.s32 s0, $0x1F  }
0x12f: {  	s22 =	sadd.s32 s15, s22;
	s1 =	spop (v2sf);
	s7 =	smul.u32 $0x59E60383, s7  }
0x130: {  	s13 =	sadd.s32 s13, s17;
	s5 =	smulhi.u32 $0x59E60383, s1;
	s0 =	sshra.s32 s1, $0x1F  }
0x131: {  	s15 =	sadd.s32 s10, s18;
	s2 =	spop (v2sf);
	s4 =	smul.u32 $0x59E60383, s0  }
0x132: {  	s20 =	sadd.s32 s20, s12;
	s3 =	smulhi.u32 $0x59E60383, s2;
	s0 =	sshra.s32 s2, $0x1F  }
0x133: {  	s9 =	sadd.s32 s11, s9;
	s2 =	smul.u32 $0x59E60383, s0;
	s0 =	spop (v2sf)  }
0x134: {  	s16 =	sadd.s32 s21, s16;
	s17 =	smulhi.u32 $0x59E60383, s0;
	s1 =	sshra.s32 s0, $0x1F  }
0x135: {  	s19 =	sadd.s32 s19, s24;
	s18 =	spop (v2sf);
	s1 =	smul.u32 $0x59E60383, s1  }
0x136: {  	s14 =	sadd.s32 s14, s8;
	s12 =	smulhi.u32 $0x59E60383, s18;
	s10 =	sshra.s32 s18, $0x1F  }
0x137: {  	s6 =	sadd.s32 s7, s6;
	s0 =	spop (v2sf);
	s18 =	smul.u32 $0x59E60383, s10  }
0x138: {  	s4 =	sadd.s32 s4, s5;
	s11 =	smulhi.u32 $0x59E60383, s0;
	s10 =	sshra.s32 s0, $0x1F  }
0x139: {  	s2 =	sadd.s32 s2, s3;
	s0 =	spop (v2sf);
	s21 =	smul.u32 $0x59E60383, s10  }
0x13a: {  	s10 =	spop (v2sf);
	s3 =	sadd.s32 s1, s17;
	s17 =	sshrl.u32 s6, $0x1F  }
0x13b: {  	s24 =	smulhi.u32 $0x59E60383, s10;
	s10 =	sshra.s32 s10, $0x1F;
	s8 =	sadd.s32 s18, s12  }
0x13c: {  	s12 =	sshra.s32 s6, $0x8;
	s6 =	sshra.s32 s6, $0x1F;
	s18 =	sshrl.u32 s22, $0x1F  }
0x13d: {  	v37 =	vmov s17;
	s17 =	sshrl.u32 s2, $0x1F;
	s10 =	smul.u32 $0x59E60383, s10;
	s1 =	sadd.s32 s21, s11  }
0x13e: {  	s21 =	smulhi.u32 $0x59E60383, s0;
	s0 =	sshra.s32 s0, $0x1F;
	s11 =	sshrl.u32 s13, $0x1F  }
0x13f: {  	s7 =	sshrl.u32 s8, $0x1F;
	s0 =	smul.u32 $0x59E60383, s0;
	s5 =	sadd.s32 s10, s24  }
0x140: {  	v36 =	vmov s11;
	s11 =	sshrl.u32 s20, $0x1F;
	s10 =	sshrl.u32 s4, $0x1F;
	s24 =	sshra.s32 s5, $0x1F  }
0x141: {  	v12 =	vnsel vm3, $0x0, v37;
	v11 =	vsel vm0, s18, v36;
	s18 =	sshra.s32 s2, $0x8;
	s2 =	sshra.s32 s2, $0x1F;
	s0 =	sadd.s32 s0, s21;
	v35 =	vmov s24  }
0x142: {  	s21 =	sshrl.u32 s15, $0x1F;
	v12 =	vsel vm0, s10, v12;
	s10 =	sshra.s32 s3, $0x8;
	v9 =	vsel vm3, s12, v35;
	s12 =	sshrl.u32 s16, $0x1F  }
0x143: {  	s24 =	sshra.s32 s4, $0x8;
	v11 =	vsel vm1, s21, v11;
	s4 =	sshra.s32 s4, $0x1F;
	s21 =	sshrl.u32 s9, $0x1F;
	v9 =	vsel vm10, s6, v9;
	v38 =	vmov s12  }
0x144: {  	v12 =	vsel vm1, s17, v12;
	s17 =	sshrl.u32 s1, $0x1F;
	s6 =	sshrl.u32 s19, $0x1F;
	v9 =	vsel vm0, s24, v9;
	s24 =	sshrl.u32 s3, $0x1F;
	v13 =	vsel vm0, s21, v38  }
0x145: {  	s12 =	sshrl.u32 s14, $0x1F;
	v9 =	vsel vm5, s4, v9;
	v12 =	vsel vm2, s24, v12;
	v13 =	vsel vm1, s6, v13;
	s24 =	sshra.s32 s8, $0x8;
	s4 =	sshra.s32 s22, $0x8  }
0x146: {  	v9 =	vsel vm1, s18, v9;
	v13 =	vsel vm2, s12, v13;
	s18 =	sshra.s32 s13, $0x8;
	s12 =	sshra.s32 s20, $0x8;
	s20 =	sld [smem:$0x67A]  }
0x147: {  	s6 =	sshra.s32 s16, $0x8;
	v12 =	vsel vm4, s7, v12;
	v9 =	vsel vm12, s2, v9;
	v14 =	vmov s18;
	s18 =	smulhi.u32 $0x4BDA12F7, s31;
	s2 =	sld [smem:$0x67C]  }
0x148: {  	s16 =	sshrl.u32 s5, $0x1F;
	v12 =	vsel vm6, s17, v12;
	s17 =	sshra.s32 s5, $0x8;
	s5 =	sld [smem:$0x67D]  }
0x149: {  	s7 =	sshra.s32 s8, $0x1F;
	s8 =	sshra.s32 s15, $0x8;
	v14 =	vsel vm0, s4, v14;
	[dreg:$0x11] =	wrdreg s18  }
0x14a: {  	v11 =	vsel vm2, s11, v11;
	s11 =	sshra.s32 s3, $0x1F;
	s21 =	sshrl.u32 s0, $0x1F;
	v9 =	vsel vm2, s10, v9;
	v14 =	vsel vm1, s8, v14;
	s8 =	sld [smem:$0x67E]  }
0x14b: {  	v12 =	vsel vm11, s21, v12;
	v9 =	vsel vm13, s11, v9;
	s21 =	smulhi.u32 $0x4BDA12F7, s20;
	s22 =	sshra.s32 s20, $0x1F;
	s20 =	sld [smem:$0x682]  }
0x14c: {  	v15 =	vmov s6;
	s13 =	sshra.s32 s19, $0x8;
	s10 =	sshra.s32 s9, $0x8;
	v9 =	vsel vm4, s24, v9;
	s24 =	sld [smem:$0x67B]  }
0x14d: {  	v15 =	vsel vm0, s10, v15;
	s3 =	smulhi.u32 $0x4BDA12F7, s2;
	s4 =	sshra.s32 s2, $0x1F;
	s2 =	sld [smem:$0x684]  }
0x14e: {  	s14 =	sshra.s32 s14, $0x8;
	v15 =	vsel vm1, s13, v15;
	[dreg:$0x14] =	wrdreg s21  }
0x14f: {  	v15 =	vsel vm2, s14, v15;
	s14 =	sld [smem:$0x680]  }
0x150: {  	s6 =	smulhi.u32 $0x4BDA12F7, s5;
	v9 =	vsel vm14, s7, v9;
	s7 =	sshra.s32 s5, $0x1F;
	s5 =	sld [smem:$0x685]  }
0x151: {  	s19 =	sshra.s32 s31, $0x1F;
	[dreg:$0x17] =	wrdreg s3  }
0x152: {  	s11 =	sshra.s32 s1, $0x8;
	[dreg:$0x1b] =	wrdreg s6;
	s9 =	smulhi.u32 $0x4BDA12F7, s8  }
0x153: {  	s1 =	sshra.s32 s1, $0x1F;
	v9 =	vsel vm6, s11, v9;
	s11 =	sld [smem:$0x67F];
	s21 =	smulhi.u32 $0x4BDA12F7, s20  }
0x154: {  	v9 =	vsel vm15, s1, v9;
	s31 =	smulhi.u32 $0x4BDA12F7, s24;
	s1 =	sshra.s32 s24, $0x1F;
	s24 =	sld [smem:$0x683]  }
0x155: {  	[dreg:$0x1c] =	wrdreg s9  }
0x156: {  	[smem:$0x6C0] =	sst s21  }
0x157: {  	s15 =	sshra.s32 s0, $0x8;
	s3 =	smulhi.u32 $0x4BDA12F7, s2;
	s9 =	sld [smem:$0x686]  }
0x158: {  	v12 =	vsel vm9, s16, v12;
	v9 =	vsel vm11, s15, v9;
	s15 =	smulhi.u32 $0x4BDA12F7, s14;
	s16 =	sshra.s32 s14, $0x1F;
	s14 =	sld [smem:$0x687]  }
0x159: {  	s0 =	sshra.s32 s0, $0x1F;
	[dreg:$0x16] =	wrdreg s31  }
0x15a: {  	v11 =	vcombine.low v13, v11;
	v14 =	vsel vm2, s12, v14;
	v9 =	vsel vm7, s0, v9;
	s0 =	smul.u32 $0x4BDA12F7, s19;
	[smem:$0x6C4] =	sst s3  }
0x15b: {  	v39 =	vcombine.low v15, v14;
	[smem:$0x6BB] =	sst s15  }
0x15c: {  	v11 =	vperm.xlane v11, v0;
	v12 =	vperm.xlane v12, v1;
	v9 =	vsel vm9, s17, v9;
	[dreg:$0x13] =	wrdreg s0;
	s0 =	smul.u32 $0x4BDA12F7, s22  }
0x15d: {  	v13 =	vperm.xlane v39, v0;
	s6 =	smulhi.u32 $0x4BDA12F7, s5;
	s17 =	sld [smem:$0x681];
	v9 =	vperm.xlane v9, v1  }
0x15e: {  	[dreg:$0x15] =	wrdreg s0;
	s0 =	smul.u32 $0x4BDA12F7, s1  }
0x15f: {  	v11 =	vsel vm8, v12, v11;
	s12 =	smulhi.u32 $0x4BDA12F7, s11;
	[smem:$0x6C7] =	sst s6;
	v9 =	vsel vm8, v9, v13  }
0x160: {  	v9 =	vadd.s32 v11, v9;
	[dreg:$0x18] =	wrdreg s0;
	s0 =	smul.u32 $0x4BDA12F7, s4  }
0x161: {  	s3 =	smulhi.u32 $0x4BDA12F7, s25;
	[dreg:$0x1e] =	wrdreg s12;
	v11 =	vmul.u32 $0xFFFFFD27, v9  }
0x162: {  	[dreg:$0x19] =	wrdreg s0;
	s0 =	smul.u32 $0x4BDA12F7, s7  }
0x163: {  	s10 =	sshra.s32 s8, $0x1F;
	s31 =	smulhi.u32 $0x4BDA12F7, s24;
	[smem:$0x6D0] =	sst s3;
	v10 =	vadd.s32 v34, v11  }
0x164: {  	(v2sf) =	vpush v10, $0xD;
	[dreg:$0x1d] =	wrdreg s0;
	s0 =	smul.u32 $0x4BDA12F7, s10  }
0x165: {  	s13 =	sshra.s32 s11, $0x1F;
	s15 =	smulhi.u32 $0x4BDA12F7, s14;
	[smem:$0x6C2] =	sst s31;
	(v2sf) =	vpush v10, $0xC  }
0x166: {  	(v2sf) =	vpush v10, $0xE;
	[dreg:$0x1f] =	wrdreg s0;
	s0 =	smul.u32 $0x4BDA12F7, s13  }
0x167: {  	s18 =	smulhi.u32 $0x4BDA12F7, s17;
	[smem:$0x6CB] =	sst s15  }
0x168: {  	(v2sf) =	vpush v10, $0xF;
	[smem:$0x6BA] =	sst s0;
	s0 =	smul.u32 $0x4BDA12F7, s16  }
0x169: {  	s19 =	sshra.s32 s17, $0x1F;
	[smem:$0x6BD] =	sst s18  }
0x16a: {  	[smem:$0x6BC] =	sst s0;
	s0 =	smul.u32 $0x4BDA12F7, s19  }
0x16b: {  	s22 =	sshra.s32 s20, $0x1F;
	s15 =	smulhi.u32 $0x4BDA12F7, s30;
	(v2sf) =	vpush v10, $0x9;
	s19 =	sld [smem:$0x688]  }
0x16c: {  	(v2sf) =	vpush v10, $0x8;
	[smem:$0x6BE] =	sst s0;
	s0 =	smul.u32 $0x4BDA12F7, s22  }
0x16d: {  	s1 =	sshra.s32 s24, $0x1F;
	[smem:$0x6D7] =	sst s15;
	s10 =	smulhi.u32 $0x4BDA12F7, s9  }
0x16e: {  	(v2sf) =	vpush v10, $0xA;
	[smem:$0x6C1] =	sst s0;
	s0 =	smul.u32 $0x4BDA12F7, s1  }
0x16f: {  	s4 =	sshra.s32 s2, $0x1F;
	[smem:$0x6C9] =	sst s10;
	(v2sf) =	vpush v10, $0xB;
	s20 =	smulhi.u32 $0x4BDA12F7, s19  }
0x170: {  	(v2sf) =	vpush v10, $0x0;
	[smem:$0x6C3] =	sst s0;
	s0 =	smul.u32 $0x4BDA12F7, s4  }
0x171: {  	(v2sf) =	vpush v10, $0x1;
	[smem:$0x6CE] =	sst s20  }
0x172: {  	s7 =	sshra.s32 s5, $0x1F;
	[smem:$0x6C5] =	sst s0  }
0x173: {  	(v2sf) =	vpush v10, $0x2;
	s24 =	spop (v2sf);
	s0 =	smul.u32 $0x4BDA12F7, s7  }
0x174: {  	v41 =	vld [tilespmem:$0x30];
	(v2sf) =	vpush v10, $0x3;
	s7 =	smulhi.u32 $0x4BDA12F7, s28;
	s31 =	spop (v2sf)  }
0x175: {  	s11 =	sshra.s32 s9, $0x1F;
	(v2sf) =	vpush v10, $0x4;
	[smem:$0x6C8] =	sst s0;
	s8 =	spop (v2sf)  }
0x176: {  	(v2sf) =	vpush v10, $0x5;
	s0 =	smul.u32 $0x4BDA12F7, s11;
	[smem:$0x6D2] =	sst s7  }
0x177: {  	(v2sf) =	vpush v10, $0x6;
	[smem:$0x6A3] =	sst s8;
	s12 =	spop (v2sf)  }
0x178: {  	(v2sf) =	vpush v10, $0x7;
	[smem:$0x6A4] =	sst s12  }
0x179: {  	s16 =	sshra.s32 s14, $0x1F;
	(v2sf) =	vpush v41, $0xD;
	s11 =	smulhi.u32 $0x4BDA12F7, s29;
	[smem:$0x6CA] =	sst s0  }
0x17a: {  	s13 =	spop (v2sf);
	s0 =	smul.u32 $0x4BDA12F7, s16  }
0x17b: {  	s21 =	sshra.s32 s19, $0x1F;
	(v2sf) =	vpush v41, $0xC;
	[smem:$0x6D5] =	sst s11;
	s17 =	spop (v2sf)  }
0x17c: {  	[smem:$0x6CC] =	sst s0;
	s0 =	smul.u32 $0x4BDA12F7, s21  }
0x17d: {  	(v2sf) =	vpush v41, $0xE;
	[smem:$0x6A5] =	sst s13;
	s18 =	spop (v2sf)  }
0x17e: {  	s4 =	sshra.s32 s25, $0x1F;
	s22 =	spop (v2sf);
	[smem:$0x6CF] =	sst s0  }
0x17f: {  	(v2sf) =	vpush v41, $0xF;
	s2 =	spop (v2sf);
	s0 =	smul.u32 $0x4BDA12F7, s4  }
0x180: {  	s8 =	sshra.s32 s28, $0x1F;
	[smem:$0x6A6] =	sst s17;
	s5 =	spop (v2sf)  }
0x181: {  	(v2sf) =	vpush v41, $0x9;
	[smem:$0x6D1] =	sst s0;
	s0 =	smul.u32 $0x4BDA12F7, s8  }
0x182: {  	[smem:$0x6A7] =	sst s18;
	s6 =	spop (v2sf)  }
0x183: {  	s12 =	sshra.s32 s29, $0x1F;
	(v2sf) =	vpush v41, $0x8;
	s9 =	spop (v2sf);
	[smem:$0x6D3] =	sst s0  }
0x184: {  	s10 =	spop (v2sf);
	s0 =	smul.u32 $0x4BDA12F7, s12  }
0x185: {  	(v2sf) =	vpush v41, $0xA;
	[smem:$0x6A8] =	sst s22;
	s13 =	spop (v2sf)  }
0x186: {  	s16 =	sshra.s32 s30, $0x1F;
	[smem:$0x6D6] =	sst s0;
	s14 =	spop (v2sf)  }
0x187: {  	(v2sf) =	vpush v41, $0xB;
	s0 =	smul.u32 $0x4BDA12F7, s16;
	s17 =	spop (v2sf)  }
0x188: {  	[smem:$0x6A9] =	sst s2;
	s18 =	spop (v2sf)  }
0x189: {  	(v2sf) =	vpush v41, $0x0;
	[smem:$0x6D8] =	sst s0;
	s1 =	smulhi.u32 $0x59E60383, s18;
	s0 =	sshra.s32 s18, $0x1F  }
0x18a: {  	s19 =	spop (v2sf);
	s0 =	smul.u32 $0x59E60383, s0  }
0x18b: {  	[smem:$0x6AA] =	sst s5;
	(v2sf) =	vpush v41, $0x1;
	s3 =	smulhi.u32 $0x59E60383, s19;
	s2 =	sshra.s32 s19, $0x1F  }
0x18c: {  	s20 =	spop (v2sf);
	s2 =	smul.u32 $0x59E60383, s2  }
0x18d: {  	[smem:$0x6AB] =	sst s6;
	(v2sf) =	vpush v41, $0x2;
	s5 =	smulhi.u32 $0x59E60383, s20;
	s4 =	sshra.s32 s20, $0x1F  }
0x18e: {  	s21 =	spop (v2sf);
	s4 =	smul.u32 $0x59E60383, s4  }
0x18f: {  	[smem:$0x6AC] =	sst s9;
	(v2sf) =	vpush v41, $0x3;
	s7 =	smulhi.u32 $0x59E60383, s21;
	s6 =	sshra.s32 s21, $0x1F  }
0x190: {  	s22 =	spop (v2sf);
	s6 =	smul.u32 $0x59E60383, s6  }
0x191: {  	[smem:$0x6AD] =	sst s10;
	(v2sf) =	vpush v41, $0x4;
	s9 =	smulhi.u32 $0x59E60383, s22;
	s8 =	sshra.s32 s22, $0x1F  }
0x192: {  	s25 =	spop (v2sf);
	s8 =	smul.u32 $0x59E60383, s8  }
0x193: {  	[smem:$0x6AE] =	sst s13;
	(v2sf) =	vpush v41, $0x5;
	s11 =	smulhi.u32 $0x59E60383, s25;
	s10 =	sshra.s32 s25, $0x1F  }
0x194: {  	s28 =	spop (v2sf);
	s10 =	smul.u32 $0x59E60383, s10  }
0x195: {  	[smem:$0x6AF] =	sst s14;
	(v2sf) =	vpush v41, $0x6;
	s13 =	smulhi.u32 $0x59E60383, s28;
	s12 =	sshra.s32 s28, $0x1F  }
0x196: {  	s29 =	spop (v2sf);
	s12 =	smul.u32 $0x59E60383, s12  }
0x197: {  	[smem:$0x6B0] =	sst s17;
	(v2sf) =	vpush v41, $0x7;
	s15 =	smulhi.u32 $0x59E60383, s29;
	s14 =	sshra.s32 s29, $0x1F  }
0x198: {  	s30 =	spop (v2sf);
	s17 =	smul.u32 $0x59E60383, s14  }
0x199: {  	s18 =	smulhi.u32 $0x59E60383, s30;
	s14 =	sshra.s32 s30, $0x1F  }
0x19a: {  	s16 =	spop (v2sf);
	s20 =	smul.u32 $0x59E60383, s14  }
0x19b: {  	s22 =	smulhi.u32 $0x59E60383, s16;
	s14 =	sshra.s32 s16, $0x1F  }
0x19c: {  	s19 =	spop (v2sf);
	s25 =	smul.u32 $0x59E60383, s14  }
0x19d: {  	s28 =	smulhi.u32 $0x59E60383, s19;
	s14 =	sshra.s32 s19, $0x1F  }
0x19e: {  	s1 =	sadd.s32 s0, s1;
	s21 =	spop (v2sf);
	s29 =	smul.u32 $0x59E60383, s14  }
0x19f: {  	s14 =	sadd.s32 s2, s3;
	s30 =	smulhi.u32 $0x59E60383, s21;
	s0 =	sshra.s32 s21, $0x1F  }
0x1a0: {  	s2 =	sadd.s32 s4, s5;
	s5 =	spop (v2sf);
	s4 =	smul.u32 $0x59E60383, s0  }
0x1a1: {  	s16 =	sadd.s32 s6, s7;
	s7 =	smulhi.u32 $0x59E60383, s5;
	s3 =	sshra.s32 s5, $0x1F  }
0x1a2: {  	s8 =	sadd.s32 s8, s9;
	s19 =	spop (v2sf);
	s9 =	smul.u32 $0x59E60383, s3  }
0x1a3: {  	s5 =	sadd.s32 s12, s13;
	s0 =	smulhi.u32 $0x59E60383, s19  }
0x1a4: {  	s21 =	sshra.s32 s19, $0x1F;
	s6 =	spop (v2sf);
	s3 =	sadd.s32 s10, s11  }
0x1a5: {  	s10 =	sadd.s32 s17, s15;
	s17 =	sadd.s32 s20, s18;
	s11 =	smul.u32 $0x59E60383, s21  }
0x1a6: {  	s20 =	sadd.s32 s29, s28;
	s19 =	spop (v2sf);
	s28 =	smulhi.u32 $0x59E60383, s6  }
0x1a7: {  	s29 =	sld [smem:$0x689];
	s6 =	sshra.s32 s6, $0x1F;
	s12 =	smulhi.u32 $0x59E60383, s19  }
0x1a8: {  	s21 =	sshra.s32 s19, $0x1F;
	s6 =	smul.u32 $0x59E60383, s6  }
0x1a9: {  	s18 =	sadd.s32 s25, s22;
	s22 =	sld [smem:$0x68A];
	s13 =	smul.u32 $0x59E60383, s21  }
0x1aa: {  	s25 =	sadd.s32 s4, s30;
	s30 =	smulhi.u32 $0x4BDA12F7, s29;
	s19 =	sshra.s32 s29, $0x1F  }
0x1ab: {  	s4 =	sadd.s32 s9, s7;
	s21 =	smul.u32 $0x4BDA12F7, s19  }
0x1ac: {  	s15 =	sadd.s32 s11, s0;
	s11 =	sadd.s32 s6, s28;
	s28 =	smulhi.u32 $0x4BDA12F7, s22  }
0x1ad: {  	s19 =	sshra.s32 s17, $0x8;
	s6 =	sshrl.u32 s18, $0x1F;
	[smem:$0x6D9] =	sst s30  }
0x1ae: {  	s9 =	sadd.s32 s13, s12;
	s30 =	sshra.s32 s22, $0x1F;
	s13 =	sshrl.u32 s14, $0x1F  }
0x1af: {  	s22 =	sshra.s32 s17, $0x1F;
	s12 =	sshra.s32 s18, $0x1F;
	[smem:$0x6DA] =	sst s21  }
0x1b0: {  	s7 =	sshra.s32 s11, $0x8;
	[smem:$0x6DB] =	sst s28;
	s29 =	sshra.s32 s9, $0x1F  }
0x1b1: {  	s21 =	sshrl.u32 s17, $0x1F;
	s28 =	sshrl.u32 s1, $0x1F;
	s0 =	smul.u32 $0x4BDA12F7, s30  }
0x1b2: {  	v43 =	vmov s13;
	s30 =	sshra.s32 s18, $0x8;
	s13 =	sshrl.u32 s16, $0x1F;
	s17 =	sshrl.u32 s3, $0x1F;
	v42 =	vmov s29  }
0x1b3: {  	s18 =	sshrl.u32 s20, $0x1F;
	v44 =	vmov s21;
	s29 =	sshrl.u32 s2, $0x1F;
	s21 =	sshrl.u32 s8, $0x1F;
	v12 =	vsel vm3, s19, v42  }
0x1b4: {  	v13 =	vsel vm0, s28, v43;
	v45 =	vmov s17;
	s28 =	sshrl.u32 s5, $0x1F;
	s17 =	sshrl.u32 s15, $0x1F;
	[smem:$0x6DC] =	sst s0;
	v12 =	vsel vm10, s22, v12  }
0x1b5: {  	v13 =	vsel vm1, s29, v13;
	s19 =	sshra.s32 s20, $0x8;
	s20 =	sshra.s32 s20, $0x1F;
	s29 =	sshrl.u32 s4, $0x1F;
	v12 =	vsel vm0, s30, v12  }
0x1b6: {  	v14 =	vnsel vm3, $0x0, v44;
	v15 =	vsel vm0, s21, v45;
	s21 =	sshra.s32 s1, $0x8;
	s1 =	sshra.s32 s16, $0x8;
	s22 =	sshrl.u32 s25, $0x1F;
	v12 =	vsel vm5, s12, v12  }
0x1b7: {  	v14 =	vsel vm0, s6, v14;
	v15 =	vsel vm1, s28, v15;
	s28 =	sshra.s32 s2, $0x8;
	s2 =	sshra.s32 s5, $0x8;
	s5 =	sld [smem:$0x68B];
	v12 =	vsel vm1, s19, v12  }
0x1b8: {  	v13 =	vsel vm2, s13, v13;
	s13 =	sshrl.u32 s10, $0x1F;
	v14 =	vsel vm1, s18, v14;
	s30 =	sshra.s32 s25, $0x8;
	s18 =	sshra.s32 s14, $0x8;
	v12 =	vsel vm12, s20, v12  }
0x1b9: {  	v15 =	vsel vm2, s13, v15;
	s13 =	sld [smem:$0x68C];
	v14 =	vsel vm2, s22, v14;
	s12 =	sshra.s32 s25, $0x1F;
	s22 =	sshra.s32 s3, $0x8;
	v12 =	vsel vm2, s30, v12  }
0x1ba: {  	v16 =	vmov s18;
	v14 =	vsel vm4, s29, v14;
	s29 =	sshra.s32 s8, $0x8;
	s8 =	sshra.s32 s5, $0x1F;
	s20 =	sshra.s32 s4, $0x8;
	v12 =	vsel vm13, s12, v12  }
0x1bb: {  	s25 =	sshra.s32 s4, $0x1F;
	s3 =	sshra.s32 s15, $0x1F;
	v13 =	vcombine.low v15, v13;
	v16 =	vsel vm0, s21, v16;
	s0 =	smul.u32 $0x4BDA12F7, s8;
	v12 =	vsel vm4, s20, v12  }
0x1bc: {  	s19 =	sshrl.u32 s11, $0x1F;
	v17 =	vmov s22;
	v14 =	vsel vm6, s17, v14;
	s30 =	sshra.s32 s15, $0x8;
	s15 =	sld [smem:$0x68D];
	v12 =	vsel vm14, s25, v12  }
0x1bd: {  	s6 =	smulhi.u32 $0x4BDA12F7, s5;
	v16 =	vsel vm1, s28, v16;
	v17 =	vsel vm0, s29, v17;
	[smem:$0x6DE] =	sst s0;
	s0 =	sshra.s32 s13, $0x1F;
	v12 =	vsel vm6, s30, v12  }
0x1be: {  	s4 =	sshra.s32 s10, $0x8;
	s10 =	sshra.s32 s11, $0x1F;
	v14 =	vsel vm11, s19, v14;
	v17 =	vsel vm1, s2, v17;
	s0 =	smul.u32 $0x4BDA12F7, s0;
	v12 =	vsel vm15, s3, v12  }
0x1bf: {  	s11 =	sshrl.u32 s9, $0x1F;
	s14 =	smulhi.u32 $0x4BDA12F7, s13;
	s17 =	sld [smem:$0x68E];
	v16 =	vsel vm2, s1, v16;
	v17 =	vsel vm2, s4, v17;
	v12 =	vsel vm11, s7, v12  }
0x1c0: {  	v14 =	vsel vm9, s11, v14;
	s12 =	sshra.s32 s9, $0x8;
	v46 =	vcombine.low v17, v16;
	[smem:$0x6E0] =	sst s0;
	s0 =	sshra.s32 s15, $0x1F;
	v12 =	vsel vm7, s10, v12  }
0x1c1: {  	v13 =	vperm.xlane v13, v0;
	[smem:$0x6DD] =	sst s6;
	v14 =	vperm.xlane v14, v1;
	s0 =	smul.u32 $0x4BDA12F7, s0;
	v12 =	vsel vm9, s12, v12  }
0x1c2: {  	[smem:$0x6DF] =	sst s14;
	s18 =	smulhi.u32 $0x4BDA12F7, s17;
	v15 =	vperm.xlane v46, v0;
	v12 =	vperm.xlane v12, v1  }
0x1c3: {  	s16 =	smulhi.u32 $0x4BDA12F7, s15;
	[smem:$0x6E2] =	sst s0;
	s0 =	sshra.s32 s17, $0x1F  }
0x1c4: {  	v13 =	vsel vm8, v14, v13;
	[smem:$0x6E3] =	sst s18;
	s0 =	smul.u32 $0x4BDA12F7, s0;
	v12 =	vsel vm8, v12, v15  }
0x1c5: {  	[tilespmem:$0x1FFC0] =	vst v2;
	s5 =	smulhi.u32 $0x4BDA12F7, s26;
	[smem:$0x6E1] =	sst s16;
	v2 =	vadd.s32 v13, v12  }
0x1c6: {  	s7 =	smulhi.u32 $0x4BDA12F7, s23;
	[tilespmem:$0x1FFD0] =	vst v2;
	[smem:$0x6E4] =	sst s0  }
0x1c7: {  	[smem:$0x6F5] =	sst s5  }
0x1c8: {  	[smem:$0x6F7] =	sst s7  }
0x1c9: {  	s0 =	sld [smem:$0x68F]  }
0x1ca: {  	s20 =	sld [smem:$0x690]  }
0x1cb: {  	s22 =	sld [smem:$0x691]  }
0x1cc: {  	s28 =	sld [smem:$0x692]  }
0x1cd: {  	s30 =	sld [smem:$0x693]  }
0x1ce: {  	s3 =	sld [smem:$0x694]  }
0x1cf: {  	s9 =	sld [smem:$0x695]  }
0x1d0: {  	s12 =	sld [smem:$0x696];
	s19 =	smulhi.u32 $0x4BDA12F7, s0  }
0x1d1: {  	v13 =	vmul.u32 $0xFFFFFD27, v2;
	s15 =	sld [smem:$0x697];
	s21 =	smulhi.u32 $0x4BDA12F7, s20  }
0x1d2: {  	s25 =	smulhi.u32 $0x4BDA12F7, s22;
	[smem:$0x6E6] =	sst s19  }
0x1d3: {  	v11 =	vadd.s32 v41, v13;
	s29 =	smulhi.u32 $0x4BDA12F7, s28;
	[smem:$0x6E9] =	sst s21  }
0x1d4: {  	(v2sf) =	vpush v11, $0xD;
	s0 =	sshra.s32 s0, $0x1F;
	s2 =	smulhi.u32 $0x4BDA12F7, s30;
	[smem:$0x6EC] =	sst s25  }
0x1d5: {  	s0 =	smul.u32 $0x4BDA12F7, s0;
	[smem:$0x6EF] =	sst s29  }
0x1d6: {  	(v2sf) =	vpush v11, $0xC;
	s4 =	smulhi.u32 $0x4BDA12F7, s3;
	[smem:$0x6F1] =	sst s2  }
0x1d7: {  	s10 =	smulhi.u32 $0x4BDA12F7, s9;
	(v2sf) =	vpush v11, $0xE;
	[smem:$0x6E7] =	sst s0;
	s0 =	sshra.s32 s20, $0x1F  }
0x1d8: {  	(v2sf) =	vpush v11, $0xF;
	[smem:$0x6F3] =	sst s4;
	s0 =	smul.u32 $0x4BDA12F7, s0  }
0x1d9: {  	s13 =	smulhi.u32 $0x4BDA12F7, s12;
	[smem:$0x6F9] =	sst s10  }
0x1da: {  	(v2sf) =	vpush v11, $0x9;
	[smem:$0x6EA] =	sst s0;
	s0 =	sshra.s32 s22, $0x1F  }
0x1db: {  	[smem:$0x6FB] =	sst s13;
	(v2sf) =	vpush v11, $0x8;
	s0 =	smul.u32 $0x4BDA12F7, s0  }
0x1dc: {  	s16 =	smulhi.u32 $0x4BDA12F7, s15;
	s22 =	sld [smem:$0x698]  }
0x1dd: {  	(v2sf) =	vpush v11, $0xA;
	[smem:$0x6ED] =	sst s0;
	s0 =	sshra.s32 s28, $0x1F  }
0x1de: {  	[smem:$0x6FD] =	sst s16;
	(v2sf) =	vpush v11, $0xB;
	s0 =	smul.u32 $0x4BDA12F7, s0  }
0x1df: {  	s16 =	sld [smem:$0x69C]  }
0x1e0: {  	s8 =	sshra.s32 s23, $0x1F;
	s23 =	smulhi.u32 $0x4BDA12F7, s22;
	[smem:$0x6F0] =	sst s0  }
0x1e1: {  	(v2sf) =	vpush v11, $0x0;
	s0 =	sshra.s32 s30, $0x1F;
	s30 =	sld [smem:$0x699]  }
0x1e2: {  	[smem:$0x6FF] =	sst s23;
	s0 =	smul.u32 $0x4BDA12F7, s0  }
0x1e3: {  	(v2sf) =	vpush v11, $0x1;
	s23 =	sld [smem:$0x69D];
	s19 =	spop (v2sf)  }
0x1e4: {  	[smem:$0x6F2] =	sst s0;
	s0 =	sshra.s32 s3, $0x1F;
	s2 =	smulhi.u32 $0x4BDA12F7, s30  }
0x1e5: {  	(v2sf) =	vpush v11, $0x2;
	s21 =	spop (v2sf);
	s0 =	smul.u32 $0x4BDA12F7, s0  }
0x1e6: {  	s6 =	sshra.s32 s26, $0x1F;
	s26 =	spop (v2sf);
	[smem:$0x701] =	sst s2  }
0x1e7: {  	(v2sf) =	vpush v11, $0x3;
	s18 =	spop (v2sf);
	[smem:$0x6F4] =	sst s0  }
0x1e8: {  	s0 =	smul.u32 $0x4BDA12F7, s6;
	[smem:$0x6B1] =	sst s18  }
0x1e9: {  	(v2sf) =	vpush v11, $0x4;
	s20 =	spop (v2sf);
	s6 =	sld [smem:$0x69A]  }
0x1ea: {  	[smem:$0x6B2] =	sst s20;
	s28 =	spop (v2sf)  }
0x1eb: {  	(v2sf) =	vpush v11, $0x5;
	[smem:$0x6F6] =	sst s0;
	s0 =	smul.u32 $0x4BDA12F7, s8  }
0x1ec: {  	v47 =	vld [tilespmem:$0x40];
	[smem:$0x6B3] =	sst s28;
	s29 =	spop (v2sf)  }
0x1ed: {  	(v2sf) =	vpush v11, $0x6;
	[smem:$0x6B4] =	sst s29;
	s4 =	spop (v2sf)  }
0x1ee: {  	s11 =	sshra.s32 s9, $0x1F;
	s7 =	smulhi.u32 $0x4BDA12F7, s6;
	[smem:$0x6F8] =	sst s0  }
0x1ef: {  	(v2sf) =	vpush v11, $0x7;
	s0 =	smul.u32 $0x4BDA12F7, s11;
	[smem:$0x6B5] =	sst s4  }
0x1f0: {  	s14 =	sshra.s32 s12, $0x1F;
	s5 =	spop (v2sf);
	s11 =	sld [smem:$0x69B]  }
0x1f1: {  	(v2sf) =	vpush v47, $0xD;
	[smem:$0x6FA] =	sst s0;
	s0 =	smul.u32 $0x4BDA12F7, s14  }
0x1f2: {  	s17 =	sshra.s32 s15, $0x1F;
	[smem:$0x6B6] =	sst s5;
	s9 =	spop (v2sf)  }
0x1f3: {  	(v2sf) =	vpush v47, $0xC;
	[smem:$0x6FC] =	sst s0;
	s0 =	smul.u32 $0x4BDA12F7, s17  }
0x1f4: {  	s25 =	sshra.s32 s22, $0x1F;
	[smem:$0x703] =	sst s7;
	s10 =	spop (v2sf)  }
0x1f5: {  	(v2sf) =	vpush v47, $0xE;
	[smem:$0x6FE] =	sst s0;
	s0 =	smul.u32 $0x4BDA12F7, s25  }
0x1f6: {  	s3 =	sshra.s32 s30, $0x1F;
	[smem:$0x6B7] =	sst s9;
	s14 =	spop (v2sf)  }
0x1f7: {  	(v2sf) =	vpush v47, $0xF;
	[smem:$0x700] =	sst s0;
	s0 =	smul.u32 $0x4BDA12F7, s3  }
0x1f8: {  	s8 =	sshra.s32 s6, $0x1F;
	s12 =	smulhi.u32 $0x4BDA12F7, s11;
	s15 =	spop (v2sf)  }
0x1f9: {  	(v2sf) =	vpush v47, $0x9;
	[smem:$0x702] =	sst s0;
	s0 =	smul.u32 $0x4BDA12F7, s8  }
0x1fa: {  	s13 =	sshra.s32 s11, $0x1F;
	s17 =	smulhi.u32 $0x4BDA12F7, s16;
	s20 =	spop (v2sf)  }
0x1fb: {  	(v2sf) =	vpush v47, $0x8;
	[smem:$0x704] =	sst s0;
	s0 =	smul.u32 $0x4BDA12F7, s13  }
0x1fc: {  	s18 =	sshra.s32 s16, $0x1F;
	[smem:$0x6BF] =	sst s15;
	s22 =	spop (v2sf)  }
0x1fd: {  	(v2sf) =	vpush v47, $0xA;
	[smem:$0x706] =	sst s0;
	s0 =	smul.u32 $0x4BDA12F7, s18  }
0x1fe: {  	s28 =	sshra.s32 s23, $0x1F;
	[smem:$0x6C6] =	sst s20;
	s29 =	spop (v2sf)  }
0x1ff: {  	(v2sf) =	vpush v47, $0xB;
	[smem:$0x708] =	sst s0;
	s0 =	smul.u32 $0x4BDA12F7, s28  }
0x200: {  	s25 =	smulhi.u32 $0x4BDA12F7, s23;
	s30 =	spop (v2sf)  }
0x201: {  	(v2sf) =	vpush v47, $0x0;
	s20 =	smulhi.u32 $0x59E60383, s30;
	[smem:$0x70A] =	sst s0;
	s0 =	sshra.s32 s30, $0x1F  }
0x202: {  	s15 =	smul.u32 $0x59E60383, s0;
	s0 =	spop (v2sf)  }
0x203: {  	(v2sf) =	vpush v47, $0x1;
	[smem:$0x6B8] =	sst s10;
	s1 =	smulhi.u32 $0x59E60383, s0;
	s2 =	sshra.s32 s0, $0x1F  }
0x204: {  	s3 =	spop (v2sf);
	s9 =	smul.u32 $0x59E60383, s2  }
0x205: {  	(v2sf) =	vpush v47, $0x2;
	[smem:$0x707] =	sst s17;
	s11 =	smulhi.u32 $0x59E60383, s3;
	s4 =	sshra.s32 s3, $0x1F  }
0x206: {  	s17 =	smul.u32 $0x59E60383, s4;
	s4 =	spop (v2sf)  }
0x207: {  	[smem:$0x6B9] =	sst s14;
	(v2sf) =	vpush v47, $0x3;
	s8 =	smulhi.u32 $0x59E60383, s4;
	s5 =	sshra.s32 s4, $0x1F  }
0x208: {  	s6 =	spop (v2sf);
	s10 =	smul.u32 $0x59E60383, s5  }
0x209: {  	[smem:$0x705] =	sst s12;
	(v2sf) =	vpush v47, $0x4;
	s12 =	smulhi.u32 $0x59E60383, s6;
	s5 =	sshra.s32 s6, $0x1F  }
0x20a: {  	s7 =	spop (v2sf);
	s13 =	smul.u32 $0x59E60383, s5  }
0x20b: {  	(v2sf) =	vpush v47, $0x5;
	[smem:$0x709] =	sst s25;
	s16 =	smulhi.u32 $0x59E60383, s7;
	s5 =	sshra.s32 s7, $0x1F  }
0x20c: {  	s14 =	spop (v2sf);
	s25 =	smul.u32 $0x59E60383, s5  }
0x20d: {  	(v2sf) =	vpush v47, $0x6;
	[smem:$0x6D4] =	sst s29;
	s28 =	smulhi.u32 $0x59E60383, s14;
	s5 =	sshra.s32 s14, $0x1F  }
0x20e: {  	(v2sf) =	vpush v47, $0x7;
	s18 =	spop (v2sf);
	s29 =	smul.u32 $0x59E60383, s5  }
0x20f: {  	[smem:$0x6CD] =	sst s22;
	s30 =	smulhi.u32 $0x59E60383, s18;
	s5 =	sshra.s32 s18, $0x1F  }
0x210: {  	s22 =	spop (v2sf);
	s14 =	smul.u32 $0x59E60383, s5  }
0x211: {  	s7 =	smulhi.u32 $0x59E60383, s22;
	s5 =	sshra.s32 s22, $0x1F  }
0x212: {  	s23 =	spop (v2sf);
	s4 =	smul.u32 $0x59E60383, s5  }
0x213: {  	s6 =	smulhi.u32 $0x59E60383, s23;
	s5 =	sshra.s32 s23, $0x1F  }
0x214: {  	s0 =	spop (v2sf);
	s3 =	smul.u32 $0x59E60383, s5  }
0x215: {  	s15 =	sadd.s32 s15, s20;
	s2 =	smulhi.u32 $0x59E60383, s0;
	s5 =	sshra.s32 s0, $0x1F  }
0x216: {  	s17 =	sadd.s32 s17, s11;
	s18 =	spop (v2sf);
	s20 =	smul.u32 $0x59E60383, s5  }
0x217: {  	s5 =	sadd.s32 s9, s1;
	s9 =	smulhi.u32 $0x59E60383, s18;
	s0 =	sshra.s32 s18, $0x1F  }
0x218: {  	s11 =	sadd.s32 s13, s12;
	s22 =	spop (v2sf);
	s1 =	smul.u32 $0x59E60383, s0  }
0x219: {  	s18 =	sadd.s32 s10, s8;
	s10 =	smulhi.u32 $0x59E60383, s22;
	s23 =	sshra.s32 s22, $0x1F  }
0x21a: {  	s25 =	sadd.s32 s25, s16;
	s0 =	spop (v2sf);
	s12 =	smul.u32 $0x59E60383, s23  }
0x21b: {  	s28 =	sadd.s32 s29, s28;
	s13 =	smulhi.u32 $0x59E60383, s0;
	s8 =	sshra.s32 s0, $0x1F  }
0x21c: {  	s3 =	sadd.s32 s3, s6;
	s22 =	spop (v2sf);
	s8 =	smul.u32 $0x59E60383, s8  }
0x21d: {  	s2 =	sadd.s32 s20, s2;
	s23 =	spop (v2sf);
	s6 =	smulhi.u32 $0x59E60383, s22  }
0x21e: {  	s20 =	sld [smem:$0x69E];
	s0 =	sshra.s32 s22, $0x1F;
	s29 =	smulhi.u32 $0x59E60383, s23  }
0x21f: {  	s14 =	sadd.s32 s14, s30;
	s16 =	sshra.s32 s23, $0x1F;
	s30 =	smul.u32 $0x59E60383, s0  }
0x220: {  	s4 =	sadd.s32 s4, s7;
	s9 =	sadd.s32 s1, s9;
	s7 =	smul.u32 $0x59E60383, s16  }
0x221: {  	s12 =	sadd.s32 s12, s10;
	s10 =	sshrl.u32 s4, $0x1F;
	s22 =	smulhi.u32 $0x4BDA12F7, s20  }
0x222: {  	s23 =	sshra.s32 s20, $0x1F;
	s0 =	sadd.s32 s8, s13;
	s16 =	sld [smem:$0x69F]  }
0x223: {  	v50 =	vmov s10;
	s8 =	sshrl.u32 s11, $0x1F;
	s10 =	sshrl.u32 s9, $0x1F;
	s13 =	smul.u32 $0x4BDA12F7, s23  }
0x224: {  	[smem:$0x70B] =	sst s22;
	s1 =	sadd.s32 s7, s29;
	s29 =	sshrl.u32 s5, $0x1F  }
0x225: {  	s7 =	sshra.s32 s2, $0x8;
	s5 =	sshra.s32 s5, $0x8;
	[smem:$0x70C] =	sst s13  }
0x226: {  	s13 =	sadd.s32 s30, s6;
	s20 =	smulhi.u32 $0x4BDA12F7, s16;
	s22 =	sshra.s32 s1, $0x1F  }
0x227: {  	s23 =	sshra.s32 s16, $0x1F;
	s30 =	sshra.s32 s4, $0x8;
	s4 =	sshra.s32 s4, $0x1F  }
0x228: {  	v16 =	vnsel vm3, $0x0, v50;
	v49 =	vmov s29;
	s16 =	sshrl.u32 s15, $0x1F;
	s29 =	sshrl.u32 s3, $0x1F;
	s6 =	sshrl.u32 s2, $0x1F  }
0x229: {  	s2 =	sshra.s32 s2, $0x1F;
	v48 =	vmov s22;
	s22 =	sshrl.u32 s17, $0x1F;
	v16 =	vsel vm0, s29, v16;
	s29 =	sshrl.u32 s14, $0x1F  }
0x22a: {  	v18 =	vmov s5;
	v15 =	vsel vm0, s16, v49;
	[smem:$0x70D] =	sst s20;
	s20 =	smul.u32 $0x4BDA12F7, s23;
	s23 =	sshra.s32 s3, $0x8  }
0x22b: {  	v13 =	vsel vm3, s30, v48;
	v15 =	vsel vm1, s22, v15;
	s3 =	sshra.s32 s3, $0x1F;
	s30 =	sshrl.u32 s18, $0x1F;
	v16 =	vsel vm1, s6, v16;
	s6 =	sshrl.u32 s13, $0x1F  }
0x22c: {  	v13 =	vsel vm10, s4, v13;
	v15 =	vsel vm2, s30, v15;
	s4 =	sshrl.u32 s25, $0x1F;
	v16 =	vsel vm2, s10, v16;
	[smem:$0x70E] =	sst s20;
	s20 =	sshrl.u32 s12, $0x1F  }
0x22d: {  	s30 =	sshrl.u32 s0, $0x1F;
	s10 =	sshra.s32 s12, $0x1F;
	v13 =	vsel vm0, s23, v13;
	v51 =	vmov s4;
	s4 =	sld [smem:$0x6A1];
	v16 =	vsel vm4, s20, v16  }
0x22e: {  	v13 =	vsel vm5, s3, v13;
	v17 =	vsel vm0, s8, v51;
	s8 =	sshra.s32 s15, $0x8;
	s20 =	sshra.s32 s14, $0x8;
	s14 =	sld [smem:$0x6A4];
	v16 =	vsel vm6, s30, v16  }
0x22f: {  	v13 =	vsel vm1, s7, v13;
	s7 =	sshra.s32 s12, $0x8;
	v18 =	vsel vm0, s8, v18;
	s12 =	sshra.s32 s17, $0x8;
	v16 =	vsel vm11, s6, v16;
	s6 =	sld [smem:$0x6A2]  }
0x230: {  	s22 =	sshra.s32 s9, $0x8;
	s8 =	smulhi.u32 $0x4BDA12F7, s24;
	v13 =	vsel vm12, s2, v13;
	v18 =	vsel vm1, s12, v18;
	s12 =	sld [smem:$0x6A3]  }
0x231: {  	s23 =	sshra.s32 s9, $0x1F;
	s9 =	sshra.s32 s25, $0x8;
	v13 =	vsel vm2, s22, v13;
	s22 =	sld [smem:$0x6A0]  }
0x232: {  	s15 =	sshra.s32 s11, $0x8;
	s17 =	sshra.s32 s18, $0x8;
	[smem:$0x715] =	sst s8  }
0x233: {  	v19 =	vmov s9;
	s30 =	sshrl.u32 s1, $0x1F;
	s5 =	smulhi.u32 $0x4BDA12F7, s4;
	v18 =	vsel vm2, s17, v18;
	s17 =	sld [smem:$0x6A5]  }
0x234: {  	v19 =	vsel vm0, s15, v19;
	v16 =	vsel vm9, s30, v16;
	s15 =	smulhi.u32 $0x4BDA12F7, s14;
	s30 =	sld [smem:$0x6A8]  }
0x235: {  	s16 =	sshrl.u32 s28, $0x1F;
	s25 =	sshra.s32 s13, $0x8;
	v13 =	vsel vm13, s23, v13;
	[smem:$0x711] =	sst s5  }
0x236: {  	v17 =	vsel vm1, s16, v17;
	s18 =	sshra.s32 s28, $0x8;
	v13 =	vsel vm4, s7, v13;
	s7 =	smulhi.u32 $0x4BDA12F7, s6;
	[smem:$0x71E] =	sst s15  }
0x237: {  	v17 =	vsel vm2, s29, v17;
	s29 =	sshra.s32 s13, $0x1F;
	s13 =	smulhi.u32 $0x4BDA12F7, s12;
	s15 =	sld [smem:$0x6AD]  }
0x238: {  	s23 =	smulhi.u32 $0x4BDA12F7, s22;
	s28 =	sshra.s32 s22, $0x1F;
	s22 =	sld [smem:$0x6A6]  }
0x239: {  	[smem:$0x713] =	sst s7  }
0x23a: {  	v13 =	vsel vm14, s10, v13;
	s10 =	smulhi.u32 $0x4BDA12F7, s31;
	[smem:$0x719] =	sst s13  }
0x23b: {  	s11 =	sshra.s32 s31, $0x1F;
	v19 =	vsel vm1, s18, v19;
	s18 =	smulhi.u32 $0x4BDA12F7, s17;
	[smem:$0x70F] =	sst s23  }
0x23c: {  	s16 =	sshra.s32 s0, $0x8;
	s31 =	smulhi.u32 $0x4BDA12F7, s30;
	[smem:$0x717] =	sst s10  }
0x23d: {  	s0 =	sshra.s32 s0, $0x1F;
	v13 =	vsel vm6, s16, v13;
	[smem:$0x720] =	sst s18  }
0x23e: {  	v13 =	vsel vm15, s0, v13;
	[smem:$0x727] =	sst s31  }
0x23f: {  	s9 =	sshra.s32 s24, $0x1F;
	s0 =	smul.u32 $0x4BDA12F7, s28;
	v13 =	vsel vm11, s25, v13;
	s25 =	sld [smem:$0x6A7]  }
0x240: {  	v19 =	vsel vm2, s20, v19;
	v15 =	vcombine.low v17, v15;
	s23 =	smulhi.u32 $0x4BDA12F7, s22;
	s24 =	sshra.s32 s22, $0x1F;
	s22 =	sld [smem:$0x6AE]  }
0x241: {  	s3 =	sshra.s32 s1, $0x8;
	v52 =	vcombine.low v19, v18;
	v13 =	vsel vm7, s29, v13;
	[smem:$0x710] =	sst s0;
	s0 =	sshra.s32 s4, $0x1F  }
0x242: {  	v16 =	vperm.xlane v16, v1;
	v15 =	vperm.xlane v15, v0;
	v13 =	vsel vm9, s3, v13;
	s0 =	smul.u32 $0x4BDA12F7, s0;
	[smem:$0x723] =	sst s23  }
0x243: {  	v17 =	vperm.xlane v52, v0;
	s3 =	sld [smem:$0x6A9];
	v13 =	vperm.xlane v13, v1  }
0x244: {  	s28 =	smulhi.u32 $0x4BDA12F7, s25;
	[smem:$0x712] =	sst s0;
	s0 =	sshra.s32 s6, $0x1F  }
0x245: {  	v15 =	vsel vm8, v16, v15;
	s6 =	sld [smem:$0x6AA];
	s0 =	smul.u32 $0x4BDA12F7, s0;
	v13 =	vsel vm8, v13, v17  }
0x246: {  	s29 =	sshra.s32 s25, $0x1F;
	s25 =	smulhi.u32 $0x4BDA12F7, s22;
	[smem:$0x725] =	sst s28;
	v2 =	vadd.s32 v15, v13  }
0x247: {  	[smem:$0x714] =	sst s0;
	s0 =	smul.u32 $0x4BDA12F7, s9;
	v15 =	vmul.u32 $0xFFFFFD27, v2  }
0x248: {  	s4 =	smulhi.u32 $0x4BDA12F7, s3;
	[smem:$0x735] =	sst s25  }
0x249: {  	[smem:$0x716] =	sst s0;
	s0 =	smul.u32 $0x4BDA12F7, s11;
	v14 =	vadd.s32 v47, v15  }
0x24a: {  	[smem:$0x72A] =	sst s4;
	(v2sf) =	vpush v14, $0xD  }
0x24b: {  	[smem:$0x718] =	sst s0;
	s0 =	sshra.s32 s12, $0x1F  }
0x24c: {  	s9 =	sld [smem:$0x6AB];
	(v2sf) =	vpush v14, $0xC;
	s0 =	smul.u32 $0x4BDA12F7, s0  }
0x24d: {  	s16 =	sshra.s32 s14, $0x1F;
	s4 =	sld [smem:$0x6AF];
	(v2sf) =	vpush v14, $0xE  }
0x24e: {  	s20 =	sshra.s32 s17, $0x1F;
	(v2sf) =	vpush v14, $0xF;
	[smem:$0x71A] =	sst s0;
	s0 =	smul.u32 $0x4BDA12F7, s16  }
0x24f: {  	s10 =	smulhi.u32 $0x4BDA12F7, s9;
	s11 =	sshra.s32 s9, $0x1F;
	s9 =	sld [smem:$0x6B0];
	(v2sf) =	vpush v14, $0x9  }
0x250: {  	[smem:$0x71F] =	sst s0;
	s0 =	smul.u32 $0x4BDA12F7, s20  }
0x251: {  	s7 =	smulhi.u32 $0x4BDA12F7, s6;
	s12 =	sld [smem:$0x6AC];
	(v2sf) =	vpush v14, $0x8  }
0x252: {  	(v2sf) =	vpush v14, $0xA;
	[smem:$0x721] =	sst s0;
	s0 =	smul.u32 $0x4BDA12F7, s24  }
0x253: {  	[smem:$0x72E] =	sst s10;
	s10 =	smulhi.u32 $0x4BDA12F7, s9  }
0x254: {  	(v2sf) =	vpush v14, $0xB;
	[smem:$0x724] =	sst s0;
	s0 =	smul.u32 $0x4BDA12F7, s29  }
0x255: {  	s2 =	sshra.s32 s30, $0x1F;
	[smem:$0x72C] =	sst s7;
	s13 =	smulhi.u32 $0x4BDA12F7, s12;
	(v2sf) =	vpush v14, $0x0  }
0x256: {  	[smem:$0x726] =	sst s0;
	s0 =	smul.u32 $0x4BDA12F7, s2  }
0x257: {  	s5 =	sshra.s32 s3, $0x1F;
	s16 =	smulhi.u32 $0x4BDA12F7, s15;
	[smem:$0x731] =	sst s13;
	(v2sf) =	vpush v14, $0x1  }
0x258: {  	(v2sf) =	vpush v14, $0x2;
	[smem:$0x728] =	sst s0;
	s0 =	smul.u32 $0x4BDA12F7, s5  }
0x259: {  	s8 =	sshra.s32 s6, $0x1F;
	[smem:$0x733] =	sst s16;
	(v2sf) =	vpush v14, $0x3;
	s31 =	spop (v2sf)  }
0x25a: {  	v53 =	vld [tilespmem:$0x50];
	(v2sf) =	vpush v14, $0x4;
	[smem:$0x72B] =	sst s0;
	s0 =	smul.u32 $0x4BDA12F7, s8  }
0x25b: {  	s5 =	smulhi.u32 $0x4BDA12F7, s4;
	s23 =	spop (v2sf)  }
0x25c: {  	(v2sf) =	vpush v14, $0x5;
	s28 =	spop (v2sf);
	[smem:$0x72D] =	sst s0  }
0x25d: {  	(v2sf) =	vpush v14, $0x6;
	s0 =	smul.u32 $0x4BDA12F7, s11;
	s24 =	spop (v2sf)  }
0x25e: {  	s14 =	sshra.s32 s12, $0x1F;
	(v2sf) =	vpush v14, $0x7;
	[smem:$0x738] =	sst s5;
	s30 =	spop (v2sf)  }
0x25f: {  	(v2sf) =	vpush v53, $0xD;
	[smem:$0x72F] =	sst s0;
	s0 =	smul.u32 $0x4BDA12F7, s14  }
0x260: {  	s18 =	spop (v2sf);
	s14 =	smulhi.u32 $0x4BDA12F7, s19  }
0x261: {  	(v2sf) =	vpush v53, $0xC;
	[smem:$0x6E5] =	sst s18;
	s20 =	spop (v2sf)  }
0x262: {  	s17 =	sshra.s32 s15, $0x1F;
	s18 =	smulhi.u32 $0x4BDA12F7, s21;
	[smem:$0x732] =	sst s0  }
0x263: {  	(v2sf) =	vpush v53, $0xE;
	s0 =	smul.u32 $0x4BDA12F7, s17;
	s2 =	spop (v2sf)  }
0x264: {  	s29 =	sshra.s32 s22, $0x1F;
	[smem:$0x6E8] =	sst s20;
	s3 =	spop (v2sf)  }
0x265: {  	[smem:$0x734] =	sst s0;
	s0 =	smul.u32 $0x4BDA12F7, s29  }
0x266: {  	(v2sf) =	vpush v53, $0xF;
	[smem:$0x73C] =	sst s14;
	s7 =	spop (v2sf)  }
0x267: {  	s6 =	sshra.s32 s4, $0x1F;
	s8 =	spop (v2sf);
	[smem:$0x736] =	sst s0  }
0x268: {  	(v2sf) =	vpush v53, $0x9;
	s0 =	smul.u32 $0x4BDA12F7, s6;
	s12 =	spop (v2sf)  }
0x269: {  	s11 =	sshra.s32 s9, $0x1F;
	[smem:$0x6EB] =	sst s2;
	s13 =	spop (v2sf)  }
0x26a: {  	(v2sf) =	vpush v53, $0x8;
	[smem:$0x739] =	sst s0;
	s0 =	smul.u32 $0x4BDA12F7, s11  }
0x26b: {  	[smem:$0x71D] =	sst s12;
	s16 =	spop (v2sf)  }
0x26c: {  	s15 =	sshra.s32 s19, $0x1F;
	(v2sf) =	vpush v53, $0xA;
	s17 =	spop (v2sf);
	[smem:$0x73B] =	sst s0  }
0x26d: {  	s0 =	smul.u32 $0x4BDA12F7, s15;
	s20 =	spop (v2sf)  }
0x26e: {  	s19 =	sshra.s32 s21, $0x1F;
	(v2sf) =	vpush v53, $0xB;
	[smem:$0x729] =	sst s16;
	s21 =	spop (v2sf)  }
0x26f: {  	[smem:$0x73D] =	sst s0;
	s0 =	smul.u32 $0x4BDA12F7, s19  }
0x270: {  	(v2sf) =	vpush v53, $0x0;
	s16 =	smulhi.u32 $0x59E60383, s21;
	s22 =	spop (v2sf)  }
0x271: {  	[smem:$0x722] =	sst s13;
	s19 =	smulhi.u32 $0x59E60383, s22;
	s2 =	sshra.s32 s22, $0x1F  }
0x272: {  	(v2sf) =	vpush v53, $0x1;
	s25 =	spop (v2sf);
	s12 =	smul.u32 $0x59E60383, s2  }
0x273: {  	[smem:$0x73F] =	sst s0;
	s0 =	sshra.s32 s21, $0x1F;
	s13 =	smulhi.u32 $0x59E60383, s25  }
0x274: {  	[smem:$0x71C] =	sst s8;
	(v2sf) =	vpush v53, $0x2;
	s5 =	sshra.s32 s25, $0x1F;
	s1 =	smul.u32 $0x59E60383, s0  }
0x275: {  	s29 =	spop (v2sf);
	s8 =	smul.u32 $0x59E60383, s5  }
0x276: {  	[smem:$0x71B] =	sst s7;
	(v2sf) =	vpush v53, $0x3;
	s22 =	smulhi.u32 $0x59E60383, s29;
	s7 =	sshra.s32 s29, $0x1F  }
0x277: {  	s0 =	spop (v2sf);
	s9 =	smul.u32 $0x59E60383, s7  }
0x278: {  	[smem:$0x6EE] =	sst s3;
	(v2sf) =	vpush v53, $0x4;
	s11 =	smulhi.u32 $0x59E60383, s0;
	s7 =	sshra.s32 s0, $0x1F  }
0x279: {  	s2 =	spop (v2sf);
	s14 =	smul.u32 $0x59E60383, s7  }
0x27a: {  	(v2sf) =	vpush v53, $0x5;
	[smem:$0x730] =	sst s17;
	s15 =	smulhi.u32 $0x59E60383, s2;
	s7 =	sshra.s32 s2, $0x1F  }
0x27b: {  	s3 =	spop (v2sf);
	s17 =	smul.u32 $0x59E60383, s7  }
0x27c: {  	[smem:$0x73E] =	sst s18;
	(v2sf) =	vpush v53, $0x6;
	s18 =	smulhi.u32 $0x59E60383, s3;
	s7 =	sshra.s32 s3, $0x1F  }
0x27d: {  	(v2sf) =	vpush v53, $0x7;
	s4 =	spop (v2sf);
	s25 =	smul.u32 $0x59E60383, s7  }
0x27e: {  	[smem:$0x73A] =	sst s10;
	s21 =	smulhi.u32 $0x59E60383, s4;
	s7 =	sshra.s32 s4, $0x1F  }
0x27f: {  	s5 =	spop (v2sf);
	s10 =	smul.u32 $0x59E60383, s7  }
0x280: {  	[smem:$0x737] =	sst s20;
	s6 =	smulhi.u32 $0x59E60383, s5;
	s7 =	sshra.s32 s5, $0x1F  }
0x281: {  	s20 =	spop (v2sf);
	s7 =	smul.u32 $0x59E60383, s7  }
0x282: {  	s5 =	smulhi.u32 $0x59E60383, s20;
	s0 =	sshra.s32 s20, $0x1F  }
0x283: {  	s29 =	spop (v2sf);
	s4 =	smul.u32 $0x59E60383, s0  }
0x284: {  	s12 =	sadd.s32 s12, s19;
	s3 =	smulhi.u32 $0x59E60383, s29;
	s0 =	sshra.s32 s29, $0x1F  }
0x285: {  	s22 =	sadd.s32 s9, s22;
	s2 =	smul.u32 $0x59E60383, s0;
	s0 =	spop (v2sf)  }
0x286: {  	s20 =	sadd.s32 s1, s16;
	s19 =	smulhi.u32 $0x59E60383, s0;
	s1 =	sshra.s32 s0, $0x1F  }
0x287: {  	s11 =	sadd.s32 s14, s11;
	s29 =	spop (v2sf);
	s1 =	smul.u32 $0x59E60383, s1  }
0x288: {  	s16 =	sadd.s32 s8, s13;
	s9 =	smulhi.u32 $0x59E60383, s29;
	s8 =	sshra.s32 s29, $0x1F  }
0x289: {  	s17 =	sadd.s32 s17, s15;
	s0 =	spop (v2sf);
	s13 =	smul.u32 $0x59E60383, s8  }
0x28a: {  	s25 =	sadd.s32 s25, s18;
	s14 =	smulhi.u32 $0x59E60383, s0;
	s8 =	sshra.s32 s0, $0x1F  }
0x28b: {  	s10 =	sadd.s32 s10, s21;
	s0 =	spop (v2sf);
	s8 =	smul.u32 $0x59E60383, s8  }
0x28c: {  	s2 =	sadd.s32 s2, s3;
	s29 =	spop (v2sf);
	s3 =	smulhi.u32 $0x59E60383, s0  }
0x28d: {  	s7 =	sadd.s32 s7, s6;
	s5 =	sadd.s32 s4, s5;
	s18 =	smulhi.u32 $0x59E60383, s29  }
0x28e: {  	s21 =	sshra.s32 s0, $0x1F;
	s15 =	sshra.s32 s29, $0x1F;
	s29 =	smulhi.u32 $0x4BDA12F7, s26  }
0x28f: {  	s1 =	sadd.s32 s1, s19;
	s19 =	sld [smem:$0x6B1];
	s4 =	smul.u32 $0x59E60383, s21  }
0x290: {  	s0 =	sadd.s32 s13, s9;
	s13 =	sshrl.u32 s17, $0x1F;
	s6 =	smul.u32 $0x59E60383, s15  }
0x291: {  	s15 =	sshra.s32 s26, $0x1F;
	s9 =	sadd.s32 s8, s14;
	s14 =	sshrl.u32 s12, $0x1F  }
0x292: {  	s8 =	sshrl.u32 s22, $0x1F;
	[smem:$0x740] =	sst s29;
	s4 =	sadd.s32 s4, s3  }
0x293: {  	s21 =	smulhi.u32 $0x4BDA12F7, s19;
	s29 =	sshra.s32 s19, $0x1F;
	s19 =	sshrl.u32 s20, $0x1F  }
0x294: {  	v55 =	vmov s14;
	s14 =	sshrl.u32 s2, $0x1F;
	s6 =	sadd.s32 s6, s18;
	s18 =	smul.u32 $0x4BDA12F7, s15  }
0x295: {  	s15 =	sshra.s32 s7, $0x8;
	s3 =	smul.u32 $0x4BDA12F7, s29;
	s29 =	sshrl.u32 s5, $0x1F  }
0x296: {  	v17 =	vsel vm0, s19, v55;
	s19 =	sshrl.u32 s1, $0x1F;
	[smem:$0x742] =	sst s21;
	s26 =	sshra.s32 s6, $0x1F  }
0x297: {  	s21 =	sshrl.u32 s16, $0x1F;
	s16 =	sshra.s32 s16, $0x8;
	[smem:$0x741] =	sst s18  }
0x298: {  	vm3 =	vmmov vm13;
	vm13 =	vmmov vm4;
	vm4 =	vcmask $0x300;
	s18 =	sshrl.u32 s7, $0x1F;
	s7 =	sshra.s32 s7, $0x1F;
	[smem:$0x743] =	sst s3  }
0x299: {  	v57 =	vmov s13;
	v54 =	vmov s26;
	s26 =	sshra.s32 s5, $0x8;
	v17 =	vsel vm1, s21, v17;
	s5 =	sshra.s32 s5, $0x1F;
	s21 =	sshrl.u32 s25, $0x1F  }
0x29a: {  	v16 =	vsel vm4, s15, v54;
	v56 =	vmov s18;
	v17 =	vsel vm2, s8, v17;
	s15 =	sshra.s32 s2, $0x8;
	s2 =	sshra.s32 s2, $0x1F;
	s18 =	sshrl.u32 s11, $0x1F  }
0x29b: {  	s8 =	sshra.s32 s12, $0x8;
	s12 =	sshrl.u32 s4, $0x1F;
	v16 =	vsel vm10, s7, v16;
	v18 =	vnsel vm4, $0x0, v56;
	v19 =	vsel vm0, s18, v57;
	s7 =	sshrl.u32 s9, $0x1F  }
0x29c: {  	s18 =	sshra.s32 s9, $0x8;
	v16 =	vsel vm0, s26, v16;
	v18 =	vsel vm0, s29, v18;
	v19 =	vsel vm1, s21, v19;
	s21 =	sshra.s32 s9, $0x1F;
	s9 =	sld [smem:$0x6B3]  }
0x29d: {  	v16 =	vsel vm5, s5, v16;
	v18 =	vsel vm1, s14, v18;
	s14 =	sshra.s32 s20, $0x8;
	s20 =	sshra.s32 s25, $0x8;
	s25 =	sld [smem:$0x6B2]  }
0x29e: {  	v20 =	vmov s8;
	v16 =	vsel vm1, s15, v16;
	s15 =	sshra.s32 s17, $0x8;
	s17 =	sshra.s32 s11, $0x8;
	s11 =	sld [smem:$0x6B4]  }
0x29f: {  	s26 =	sshrl.u32 s0, $0x1F;
	s29 =	sshra.s32 s1, $0x8;
	v20 =	vsel vm0, s14, v20;
	v21 =	vmov s15;
	s15 =	sld [smem:$0x6B6]  }
0x2a0: {  	s5 =	sshrl.u32 s10, $0x1F;
	v18 =	vsel vm2, s19, v18;
	s19 =	sshra.s32 s22, $0x8;
	v20 =	vsel vm1, s16, v20;
	v21 =	vsel vm0, s17, v21;
	s17 =	sld [smem:$0x6B7]  }
0x2a1: {  	v19 =	vsel vm2, s5, v19;
	s22 =	sshra.s32 s10, $0x8;
	s5 =	sshra.s32 s4, $0x1F;
	v20 =	vsel vm2, s19, v20;
	s19 =	rddreg [dreg:$0x11]  }
0x2a2: {  	v16 =	vsel vm12, s2, v16;
	v18 =	vsel vm13, s26, v18;
	s26 =	smulhi.u32 $0x4BDA12F7, s25;
	s3 =	sshra.s32 s25, $0x1F;
	s25 =	rddreg [dreg:$0x16]  }
0x2a3: {  	s10 =	smulhi.u32 $0x4BDA12F7, s9;
	v16 =	vsel vm2, s29, v16;
	s29 =	sshra.s32 s4, $0x8;
	s4 =	rddreg [dreg:$0x19]  }
0x2a4: {  	s8 =	sshra.s32 s6, $0x8;
	v18 =	vsel vm6, s7, v18;
	s7 =	sshrl.u32 s6, $0x1F;
	s6 =	rddreg [dreg:$0x1d]  }
0x2a5: {  	[smem:$0x746] =	sst s10  }
0x2a6: {  	s1 =	sshra.s32 s1, $0x1F;
	v21 =	vsel vm1, s20, v21;
	s20 =	rddreg [dreg:$0x13]  }
0x2a7: {  	s13 =	sshra.s32 s0, $0x8;
	v16 =	vsel vm3, s1, v16;
	[smem:$0x744] =	sst s26  }
0x2a8: {  	v16 =	vsel vm13, s13, v16;
	s13 =	sld [smem:$0x6B5]  }
0x2a9: {  	v21 =	vsel vm2, s22, v21;
	s22 =	rddreg [dreg:$0x15]  }
0x2aa: {  	v18 =	vsel vm11, s12, v18;
	s26 =	rddreg [dreg:$0x18]  }
0x2ab: {  	v18 =	vsel vm9, s7, v18;
	s7 =	rddreg [dreg:$0x1c]  }
0x2ac: {  	s12 =	smulhi.u32 $0x4BDA12F7, s11;
	s1 =	sadd.s32 s20, s19;
	s19 =	sld [smem:$0x6C0]  }
0x2ad: {  	s20 =	sld [smem:$0x6C1]  }
0x2ae: {  	[smem:$0x748] =	sst s12  }
0x2af: {  	s0 =	sshra.s32 s0, $0x1F;
	s16 =	smulhi.u32 $0x4BDA12F7, s15;
	[smem:$0x78B] =	sst s1  }
0x2b0: {  	v16 =	vsel vm14, s0, v16;
	s0 =	smul.u32 $0x4BDA12F7, s3;
	s3 =	rddreg [dreg:$0x17]  }
0x2b1: {  	s12 =	sld [smem:$0x6BA]  }
0x2b2: {  	[smem:$0x74C] =	sst s16  }
0x2b3: {  	s16 =	sld [smem:$0x6BE]  }
0x2b4: {  	v16 =	vsel vm6, s18, v16;
	[smem:$0x745] =	sst s0  }
0x2b5: {  	s18 =	smulhi.u32 $0x4BDA12F7, s17;
	v16 =	vsel vm15, s21, v16;
	s21 =	rddreg [dreg:$0x14]  }
0x2b6: {  	s0 =	sshra.s32 s9, $0x1F;
	s9 =	sld [smem:$0x6B9]  }
0x2b7: {  	[smem:$0x74E] =	sst s18  }
0x2b8: {  	v16 =	vsel vm11, s29, v16;
	s29 =	sld [smem:$0x6B8]  }
0x2b9: {  	s14 =	smulhi.u32 $0x4BDA12F7, s13;
	s1 =	sadd.s32 s22, s21;
	s21 =	sld [smem:$0x6C2]  }
0x2ba: {  	s22 =	sld [smem:$0x6C3]  }
0x2bb: {  	[smem:$0x74A] =	sst s14  }
0x2bc: {  	[smem:$0x78A] =	sst s1  }
0x2bd: {  	v16 =	vsel vm7, s5, v16;
	s5 =	rddreg [dreg:$0x1b]  }
0x2be: {  	s14 =	sld [smem:$0x6BC]  }
0x2bf: {  	s0 =	smul.u32 $0x4BDA12F7, s0;
	s1 =	sadd.s32 s4, s3;
	s3 =	sld [smem:$0x6C7]  }
0x2c0: {  	s4 =	sld [smem:$0x6C8]  }
0x2c1: {  	[smem:$0x747] =	sst s0  }
0x2c2: {  	[smem:$0x78E] =	sst s1  }
0x2c3: {  	v16 =	vsel vm9, s8, v16;
	s8 =	rddreg [dreg:$0x1f]  }
0x2c4: {  	s0 =	sshra.s32 s11, $0x1F;
	s11 =	rddreg [dreg:$0x1e]  }
0x2c5: {  	s1 =	sadd.s32 s6, s5;
	s5 =	sld [smem:$0x6C9]  }
0x2c6: {  	s6 =	sld [smem:$0x6CA]  }
0x2c7: {  	[smem:$0x791] =	sst s1  }
0x2c8: {  	s10 =	smulhi.u32 $0x4BDA12F7, s9;
	s1 =	sadd.s32 s12, s11;
	s11 =	sld [smem:$0x6CE]  }
0x2c9: {  	s12 =	sld [smem:$0x6CF]  }
0x2ca: {  	s0 =	smul.u32 $0x4BDA12F7, s0;
	[smem:$0x752] =	sst s10  }
0x2cb: {  	s2 =	smulhi.u32 $0x4BDA12F7, s29;
	[smem:$0x793] =	sst s1  }
0x2cc: {  	[smem:$0x749] =	sst s0;
	s0 =	sshra.s32 s13, $0x1F  }
0x2cd: {  	[smem:$0x750] =	sst s2;
	s0 =	smul.u32 $0x4BDA12F7, s0  }
0x2ce: {  	s13 =	sld [smem:$0x6BB]  }
0x2cf: {  	[smem:$0x74B] =	sst s0  }
0x2d0: {  	s0 =	sshra.s32 s15, $0x1F;
	s15 =	sld [smem:$0x6BD]  }
0x2d1: {  	s1 =	sadd.s32 s14, s13;
	s13 =	sld [smem:$0x6D0]  }
0x2d2: {  	s14 =	sld [smem:$0x6D1]  }
0x2d3: {  	[smem:$0x795] =	sst s1  }
0x2d4: {  	s1 =	sadd.s32 s20, s19;
	s19 =	sld [smem:$0x6D5]  }
0x2d5: {  	s20 =	sld [smem:$0x6D6]  }
0x2d6: {  	[smem:$0x78C] =	sst s1  }
0x2d7: {  	s0 =	smul.u32 $0x4BDA12F7, s0;
	s1 =	sadd.s32 s22, s21;
	s21 =	sld [smem:$0x6D7]  }
0x2d8: {  	s22 =	sld [smem:$0x6D8]  }
0x2d9: {  	[smem:$0x74D] =	sst s0  }
0x2da: {  	s0 =	sshra.s32 s17, $0x1F;
	s17 =	sld [smem:$0x6BF]  }
0x2db: {  	[smem:$0x78F] =	sst s1  }
0x2dc: {  	s1 =	sadd.s32 s4, s3;
	s3 =	sld [smem:$0x6DB]  }
0x2dd: {  	s4 =	sld [smem:$0x6DC]  }
0x2de: {  	s0 =	smul.u32 $0x4BDA12F7, s0;
	[smem:$0x794] =	sst s1;
	s1 =	sadd.s32 s6, s5  }
0x2df: {  	[smem:$0x796] =	sst s1  }
0x2e0: {  	[smem:$0x74F] =	sst s0  }
0x2e1: {  	s0 =	sadd.s32 s26, s25;
	s25 =	sld [smem:$0x6C4]  }
0x2e2: {  	s5 =	smulhi.u32 $0x4BDA12F7, s23;
	s1 =	sadd.s32 s12, s11;
	s26 =	sld [smem:$0x6C5]  }
0x2e3: {  	[smem:$0x788] =	sst s1  }
0x2e4: {  	[smem:$0x75E] =	sst s5  }
0x2e5: {  	s1 =	sadd.s32 s14, s13;
	s13 =	sld [smem:$0x6DF]  }
0x2e6: {  	s14 =	sld [smem:$0x6E0]  }
0x2e7: {  	[smem:$0x78D] =	sst s0  }
0x2e8: {  	s11 =	smulhi.u32 $0x4BDA12F7, s28;
	s0 =	sshra.s32 s29, $0x1F;
	s29 =	sld [smem:$0x6C6]  }
0x2e9: {  	[smem:$0x79A] =	sst s1  }
0x2ea: {  	s18 =	smulhi.u32 $0x4BDA12F7, s17;
	[smem:$0x760] =	sst s11  }
0x2eb: {  	s1 =	sadd.s32 s20, s19;
	s20 =	sld [smem:$0x6E2]  }
0x2ec: {  	[smem:$0x754] =	sst s18  }
0x2ed: {  	[smem:$0x79D] =	sst s1;
	s1 =	sadd.s32 s22, s21  }
0x2ee: {  	s0 =	smul.u32 $0x4BDA12F7, s0;
	[smem:$0x79E] =	sst s1  }
0x2ef: {  	s1 =	sadd.s32 s4, s3;
	s3 =	sld [smem:$0x6E5]  }
0x2f0: {  	[smem:$0x751] =	sst s0  }
0x2f1: {  	s0 =	sadd.s32 s8, s7;
	s7 =	sld [smem:$0x6CB]  }
0x2f2: {  	s8 =	sld [smem:$0x6CC]  }
0x2f3: {  	[smem:$0x7A0] =	sst s1  }
0x2f4: {  	v17 =	vcombine.low v19, v17;
	s2 =	smulhi.u32 $0x4BDA12F7, s29;
	[smem:$0x790] =	sst s0;
	s0 =	sshra.s32 s9, $0x1F  }
0x2f5: {  	v58 =	vcombine.low v21, v20;
	s9 =	sld [smem:$0x6CD];
	s0 =	smul.u32 $0x4BDA12F7, s0  }
0x2f6: {  	v17 =	vperm.xlane v17, v0;
	v18 =	vperm.xlane v18, v1;
	[smem:$0x756] =	sst s2  }
0x2f7: {  	v19 =	vperm.xlane v58, v0;
	v16 =	vperm.xlane v16, v1;
	[smem:$0x753] =	sst s0  }
0x2f8: {  	s5 =	smulhi.u32 $0x4BDA12F7, s3;
	s0 =	sadd.s32 s16, s15;
	s15 =	sld [smem:$0x6D2]  }
0x2f9: {  	v17 =	vsel vm8, v18, v17;
	v16 =	vsel vm8, v16, v19;
	s16 =	sld [smem:$0x6D3]  }
0x2fa: {  	v16 =	vadd.s32 v17, v16;
	[smem:$0x767] =	sst s5  }
0x2fb: {  	v17 =	vmul.u32 $0xFFFFFD27, v16;
	s10 =	smulhi.u32 $0x4BDA12F7, s9;
	[smem:$0x789] =	sst s0;
	s0 =	sshra.s32 s17, $0x1F  }
0x2fc: {  	s6 =	sshra.s32 s23, $0x1F;
	s17 =	sld [smem:$0x6D4];
	s0 =	smul.u32 $0x4BDA12F7, s0  }
0x2fd: {  	v15 =	vadd.s32 v53, v17;
	[smem:$0x758] =	sst s10;
	s10 =	smul.u32 $0x4BDA12F7, s6;
	s6 =	sshra.s32 s3, $0x1F  }
0x2fe: {  	(v2sf) =	vpush v15, $0xD;
	s11 =	smul.u32 $0x4BDA12F7, s6;
	s6 =	sld [smem:$0x6EE]  }
0x2ff: {  	[smem:$0x755] =	sst s0  }
0x300: {  	s0 =	sadd.s32 s26, s25;
	s25 =	sld [smem:$0x6D9]  }
0x301: {  	s26 =	sld [smem:$0x6DA]  }
0x302: {  	[smem:$0x75F] =	sst s10  }
0x303: {  	s10 =	sld [smem:$0x6E7]  }
0x304: {  	(v2sf) =	vpush v15, $0xC;
	[smem:$0x792] =	sst s0  }
0x305: {  	(v2sf) =	vpush v15, $0xE;
	s18 =	smulhi.u32 $0x4BDA12F7, s17;
	[smem:$0x768] =	sst s11  }
0x306: {  	(v2sf) =	vpush v15, $0xF;
	s11 =	sld [smem:$0x6EF]  }
0x307: {  	s0 =	sshra.s32 s29, $0x1F;
	s29 =	smulhi.u32 $0x4BDA12F7, s31;
	[smem:$0x75A] =	sst s18  }
0x308: {  	(v2sf) =	vpush v15, $0x9;
	s0 =	smul.u32 $0x4BDA12F7, s0;
	s18 =	sld [smem:$0x6E1]  }
0x309: {  	(v2sf) =	vpush v15, $0x8;
	[smem:$0x75C] =	sst s29  }
0x30a: {  	[smem:$0x757] =	sst s0;
	s0 =	sadd.s32 s8, s7  }
0x30b: {  	(v2sf) =	vpush v15, $0xA;
	[smem:$0x797] =	sst s0;
	s0 =	sshra.s32 s9, $0x1F  }
0x30c: {  	s8 =	sld [smem:$0x6DD];
	s0 =	smul.u32 $0x4BDA12F7, s0  }
0x30d: {  	s12 =	sshra.s32 s28, $0x1F;
	s7 =	spop (v2sf);
	s9 =	sld [smem:$0x6DE]  }
0x30e: {  	[smem:$0x759] =	sst s0;
	s0 =	sadd.s32 s16, s15;
	s15 =	smul.u32 $0x4BDA12F7, s12  }
0x30f: {  	s16 =	smulhi.u32 $0x4BDA12F7, s24;
	[smem:$0x79B] =	sst s0;
	s0 =	sshra.s32 s17, $0x1F  }
0x310: {  	s17 =	sshra.s32 s24, $0x1F;
	s24 =	smulhi.u32 $0x4BDA12F7, s30;
	[smem:$0x761] =	sst s15  }
0x311: {  	(v2sf) =	vpush v15, $0xB;
	s0 =	smul.u32 $0x4BDA12F7, s0;
	[smem:$0x763] =	sst s16  }
0x312: {  	s21 =	smul.u32 $0x4BDA12F7, s17;
	s17 =	sld [smem:$0x6E9]  }
0x313: {  	s4 =	spop (v2sf);
	[smem:$0x765] =	sst s24  }
0x314: {  	(v2sf) =	vpush v15, $0x0;
	s19 =	spop (v2sf);
	[smem:$0x75B] =	sst s0  }
0x315: {  	s22 =	spop (v2sf);
	[smem:$0x764] =	sst s21  }
0x316: {  	s0 =	sadd.s32 s26, s25;
	s25 =	sshra.s32 s30, $0x1F;
	s30 =	sld [smem:$0x6E3]  }
0x317: {  	(v2sf) =	vpush v15, $0x1;
	s31 =	sshra.s32 s31, $0x1F;
	s26 =	spop (v2sf);
	[smem:$0x7A2] =	sst s0  }
0x318: {  	s0 =	smul.u32 $0x4BDA12F7, s31;
	s29 =	spop (v2sf)  }
0x319: {  	s31 =	sld [smem:$0x6E4];
	s1 =	smul.u32 $0x4BDA12F7, s25  }
0x31a: {  	s23 =	spop (v2sf);
	[smem:$0x75D] =	sst s0  }
0x31b: {  	[smem:$0x762] =	sst s23  }
0x31c: {  	(v2sf) =	vpush v15, $0x2;
	[smem:$0x766] =	sst s1  }
0x31d: {  	s0 =	sadd.s32 s9, s8;
	s9 =	sld [smem:$0x6E6]  }
0x31e: {  	s23 =	sld [smem:$0x6EB]  }
0x31f: {  	s1 =	sld [smem:$0x6FB]  }
0x320: {  	(v2sf) =	vpush v15, $0x3;
	s28 =	spop (v2sf);
	[smem:$0x7A4] =	sst s0  }
0x321: {  	[smem:$0x769] =	sst s28  }
0x322: {  	s0 =	sadd.s32 s14, s13;
	s13 =	sld [smem:$0x6E8]  }
0x323: {  	s2 =	spop (v2sf);
	[smem:$0x7A6] =	sst s0  }
0x324: {  	[smem:$0x76C] =	sst s2  }
0x325: {  	s0 =	sadd.s32 s20, s18;
	s18 =	sld [smem:$0x6EA]  }
0x326: {  	s8 =	spop (v2sf);
	[smem:$0x799] =	sst s0  }
0x327: {  	[smem:$0x76F] =	sst s8  }
0x328: {  	s0 =	sadd.s32 s31, s30;
	s30 =	sld [smem:$0x6EC]  }
0x329: {  	s31 =	sld [smem:$0x6ED]  }
0x32a: {  	(v2sf) =	vpush v15, $0x4;
	s24 =	smulhi.u32 $0x4BDA12F7, s23;
	s25 =	sshra.s32 s23, $0x1F;
	s23 =	sld [smem:$0x6F6]  }
0x32b: {  	s12 =	spop (v2sf);
	[smem:$0x79C] =	sst s0  }
0x32c: {  	[smem:$0x772] =	sst s12  }
0x32d: {  	s12 =	sld [smem:$0x6F0]  }
0x32e: {  	s0 =	sadd.s32 s10, s9;
	s3 =	smul.u32 $0x4BDA12F7, s25;
	s25 =	sld [smem:$0x6F8]  }
0x32f: {  	s16 =	spop (v2sf);
	[smem:$0x79F] =	sst s0  }
0x330: {  	(v2sf) =	vpush v15, $0x5;
	s8 =	smulhi.u32 $0x4BDA12F7, s6;
	[smem:$0x775] =	sst s16  }
0x331: {  	[smem:$0x76D] =	sst s24  }
0x332: {  	s15 =	sshra.s32 s13, $0x1F;
	[smem:$0x770] =	sst s8  }
0x333: {  	s20 =	smul.u32 $0x4BDA12F7, s15;
	s15 =	sld [smem:$0x6F1]  }
0x334: {  	(v2sf) =	vpush v15, $0x6;
	s16 =	sld [smem:$0x6F2]  }
0x335: {  	s0 =	sadd.s32 s18, s17;
	s17 =	sld [smem:$0x6F3]  }
0x336: {  	v59 =	vld [tilespmem:$0x60];
	(v2sf) =	vpush v15, $0x7;
	s14 =	smulhi.u32 $0x4BDA12F7, s13;
	s18 =	sld [smem:$0x6F4]  }
0x337: {  	s24 =	sld [smem:$0x6F7]  }
0x338: {  	[smem:$0x76A] =	sst s14  }
0x339: {  	s21 =	spop (v2sf);
	[smem:$0x7A1] =	sst s0  }
0x33a: {  	[smem:$0x778] =	sst s21  }
0x33b: {  	(v2sf) =	vpush v59, $0xD;
	[smem:$0x76E] =	sst s3  }
0x33c: {  	(v2sf) =	vpush v59, $0xC;
	s21 =	sld [smem:$0x6F5]  }
0x33d: {  	(v2sf) =	vpush v59, $0xE;
	s0 =	sadd.s32 s31, s30;
	s30 =	sld [smem:$0x6F9]  }
0x33e: {  	(v2sf) =	vpush v59, $0xF;
	s31 =	sld [smem:$0x6FA]  }
0x33f: {  	s9 =	sshra.s32 s6, $0x1F;
	s28 =	spop (v2sf);
	[smem:$0x76B] =	sst s20  }
0x340: {  	s13 =	smul.u32 $0x4BDA12F7, s9;
	[smem:$0x779] =	sst s28  }
0x341: {  	[smem:$0x7A3] =	sst s0  }
0x342: {  	[smem:$0x771] =	sst s13  }
0x343: {  	s5 =	spop (v2sf);
	s0 =	sadd.s32 s12, s11;
	s12 =	sld [smem:$0x6FD]  }
0x344: {  	[smem:$0x77A] =	sst s5  }
0x345: {  	s10 =	spop (v2sf);
	[smem:$0x7A5] =	sst s0  }
0x346: {  	s0 =	sadd.s32 s16, s15;
	[smem:$0x77D] =	sst s10  }
0x347: {  	(v2sf) =	vpush v59, $0x9;
	[smem:$0x7A7] =	sst s0  }
0x348: {  	(v2sf) =	vpush v59, $0x8;
	s0 =	sadd.s32 s18, s17;
	s10 =	sld [smem:$0x6FC]  }
0x349: {  	(v2sf) =	vpush v59, $0xA;
	[smem:$0x798] =	sst s0;
	s0 =	sadd.s32 s23, s21  }
0x34a: {  	(v2sf) =	vpush v59, $0xB;
	s14 =	spop (v2sf);
	[smem:$0x7A8] =	sst s0;
	s0 =	sadd.s32 s25, s24  }
0x34b: {  	(v2sf) =	vpush v59, $0x0;
	s20 =	spop (v2sf);
	[smem:$0x7AA] =	sst s0;
	s0 =	sadd.s32 s31, s30  }
0x34c: {  	(v2sf) =	vpush v59, $0x1;
	s28 =	spop (v2sf);
	[smem:$0x7AC] =	sst s0;
	s0 =	sadd.s32 s10, s1  }
0x34d: {  	[tilespmem:$0x1FFE0] =	vst v2;
	(v2sf) =	vpush v59, $0x2;
	s11 =	spop (v2sf);
	[smem:$0x7AE] =	sst s0  }
0x34e: {  	s13 =	sld [smem:$0x6FE]  }
0x34f: {  	s2 =	smulhi.u32 $0x59E60383, s14;
	s3 =	sshra.s32 s14, $0x1F;
	s14 =	sld [smem:$0x6FF]  }
0x350: {  	s15 =	sld [smem:$0x700]  }
0x351: {  	s17 =	sld [smem:$0x701]  }
0x352: {  	s5 =	smul.u32 $0x59E60383, s3;
	s18 =	sld [smem:$0x702]  }
0x353: {  	s6 =	smulhi.u32 $0x59E60383, s20;
	s3 =	sshra.s32 s20, $0x1F;
	s20 =	sld [smem:$0x703]  }
0x354: {  	s21 =	sld [smem:$0x704]  }
0x355: {  	s24 =	sld [smem:$0x705]  }
0x356: {  	s25 =	sld [smem:$0x706]  }
0x357: {  	s9 =	smulhi.u32 $0x59E60383, s28;
	s8 =	sshra.s32 s28, $0x1F;
	s28 =	sld [smem:$0x707]  }
0x358: {  	s30 =	sld [smem:$0x708]  }
0x359: {  	s1 =	sld [smem:$0x711];
	s0 =	sadd.s32 s13, s12  }
0x35a: {  	[smem:$0x7B2] =	sst s0;
	s0 =	sadd.s32 s15, s14  }
0x35b: {  	[smem:$0x7B0] =	sst s0  }
0x35c: {  	s0 =	sadd.s32 s18, s17;
	s17 =	sld [smem:$0x709]  }
0x35d: {  	s16 =	spop (v2sf);
	s18 =	sld [smem:$0x70A]  }
0x35e: {  	s23 =	spop (v2sf);
	[smem:$0x7B4] =	sst s0  }
0x35f: {  	s31 =	spop (v2sf);
	s0 =	sadd.s32 s21, s20;
	s20 =	sld [smem:$0x70B]  }
0x360: {  	s12 =	smulhi.u32 $0x59E60383, s11;
	s21 =	sld [smem:$0x70C]  }
0x361: {  	s10 =	sshra.s32 s11, $0x1F;
	s13 =	smulhi.u32 $0x59E60383, s16;
	[smem:$0x7B6] =	sst s0  }
0x362: {  	s11 =	sshra.s32 s16, $0x1F;
	s0 =	sadd.s32 s25, s24;
	s24 =	sld [smem:$0x70D]  }
0x363: {  	s14 =	smul.u32 $0x59E60383, s11;
	s25 =	sld [smem:$0x70E]  }
0x364: {  	s15 =	smulhi.u32 $0x59E60383, s23;
	s11 =	sshra.s32 s23, $0x1F;
	[smem:$0x7AB] =	sst s0  }
0x365: {  	s23 =	spop (v2sf);
	s0 =	sadd.s32 s30, s28;
	s28 =	sld [smem:$0x70F]  }
0x366: {  	s16 =	smul.u32 $0x59E60383, s11;
	s30 =	sld [smem:$0x710]  }
0x367: {  	s11 =	sshra.s32 s31, $0x1F;
	[smem:$0x7AD] =	sst s0;
	s0 =	sadd.s32 s18, s17  }
0x368: {  	s18 =	smul.u32 $0x59E60383, s11;
	s11 =	sshra.s32 s23, $0x1F;
	[smem:$0x7AF] =	sst s0  }
0x369: {  	s0 =	sadd.s32 s21, s20;
	s20 =	smulhi.u32 $0x59E60383, s23;
	s23 =	sld [smem:$0x712]  }
0x36a: {  	(v2sf) =	vpush v59, $0x3;
	[smem:$0x7B1] =	sst s0  }
0x36b: {  	s0 =	sadd.s32 s25, s24;
	s24 =	sld [smem:$0x713]  }
0x36c: {  	s25 =	sld [smem:$0x714]  }
0x36d: {  	s17 =	smulhi.u32 $0x59E60383, s31;
	[smem:$0x7B3] =	sst s0  }
0x36e: {  	(v2sf) =	vpush v59, $0x4;
	s31 =	spop (v2sf);
	s0 =	sadd.s32 s30, s28;
	s30 =	sld [smem:$0x715]  }
0x36f: {  	s21 =	smul.u32 $0x59E60383, s11;
	s11 =	sshra.s32 s31, $0x1F;
	[smem:$0x7B5] =	sst s0  }
0x370: {  	(v2sf) =	vpush v59, $0x5;
	s0 =	sadd.s32 s23, s1;
	s23 =	smulhi.u32 $0x59E60383, s31;
	s31 =	sld [smem:$0x716]  }
0x371: {  	(v2sf) =	vpush v59, $0x6;
	s28 =	spop (v2sf);
	s1 =	sld [smem:$0x717]  }
0x372: {  	(v2sf) =	vpush v59, $0x7;
	[smem:$0x7B7] =	sst s0;
	s0 =	sadd.s32 s25, s24;
	s24 =	smul.u32 $0x59E60383, s11  }
0x373: {  	s25 =	smulhi.u32 $0x59E60383, s28;
	s11 =	sshra.s32 s28, $0x1F;
	s28 =	sld [smem:$0x718]  }
0x374: {  	[smem:$0x7A9] =	sst s0  }
0x375: {  	s3 =	smul.u32 $0x59E60383, s3;
	s0 =	sadd.s32 s31, s30;
	s30 =	sld [smem:$0x719]  }
0x376: {  	s8 =	smul.u32 $0x59E60383, s8;
	s31 =	sld [smem:$0x71A]  }
0x377: {  	s10 =	smul.u32 $0x59E60383, s10;
	[smem:$0x7BB] =	sst s0  }
0x378: {  	s0 =	sadd.s32 s28, s1;
	s28 =	smul.u32 $0x59E60383, s11;
	s11 =	spop (v2sf)  }
0x379: {  	[smem:$0x7B9] =	sst s0;
	s1 =	spop (v2sf)  }
0x37a: {  	s0 =	sadd.s32 s31, s30;
	s30 =	smulhi.u32 $0x59E60383, s11;
	s11 =	sshra.s32 s11, $0x1F  }
0x37b: {  	s5 =	sadd.s32 s5, s2;
	s2 =	sshra.s32 s1, $0x1F;
	s31 =	smul.u32 $0x59E60383, s11  }
0x37c: {  	[smem:$0x7BC] =	sst s0;
	s11 =	sadd.s32 s3, s6;
	s3 =	smulhi.u32 $0x59E60383, s1  }
0x37d: {  	s6 =	sadd.s32 s8, s9;
	s1 =	smul.u32 $0x59E60383, s2;
	s9 =	spop (v2sf)  }
0x37e: {  	s2 =	sadd.s32 s10, s12;
	s12 =	smulhi.u32 $0x59E60383, s9;
	s10 =	sshra.s32 s9, $0x1F  }
0x37f: {  	s8 =	sadd.s32 s14, s13;
	s14 =	spop (v2sf);
	s13 =	smul.u32 $0x59E60383, s10  }
0x380: {  	s10 =	smulhi.u32 $0x59E60383, s14;
	s9 =	sshra.s32 s14, $0x1F;
	s0 =	spop (v2sf)  }
0x381: {  	s14 =	sadd.s32 s16, s15;
	s15 =	smul.u32 $0x59E60383, s9;
	s9 =	spop (v2sf)  }
0x382: {  	s16 =	sadd.s32 s18, s17;
	s18 =	smulhi.u32 $0x59E60383, s9;
	s17 =	sshra.s32 s9, $0x1F  }
0x383: {  	s9 =	sadd.s32 s21, s20;
	s20 =	sadd.s32 s24, s23;
	s23 =	sadd.s32 s28, s25  }
0x384: {  	s24 =	sadd.s32 s31, s30;
	s25 =	smulhi.u32 $0x59E60383, s0;
	s30 =	sld [smem:$0x71B]  }
0x385: {  	s0 =	sshra.s32 s0, $0x1F;
	s21 =	smul.u32 $0x59E60383, s17  }
0x386: {  	s1 =	sadd.s32 s1, s3;
	s0 =	smul.u32 $0x59E60383, s0  }
0x387: {  	s17 =	sadd.s32 s13, s12;
	s15 =	sadd.s32 s15, s10;
	s31 =	smulhi.u32 $0x4BDA12F7, s30  }
0x388: {  	s10 =	sshra.s32 s6, $0x8;
	s28 =	sshra.s32 s30, $0x1F;
	s3 =	sadd.s32 s21, s18  }
0x389: {  	s12 =	sadd.s32 s0, s25;
	s25 =	sshrl.u32 s11, $0x1F;
	[smem:$0x773] =	sst s31  }
0x38a: {  	vm4 =	vmmov vm5;
	vm5 =	vmmov vm3;
	s30 =	smul.u32 $0x4BDA12F7, s28;
	s18 =	sshra.s32 s3, $0x1F;
	s31 =	sld [smem:$0x71C]  }
0x38b: {  	vm3 =	vcmask $0x300;
	s28 =	sshra.s32 s20, $0x8;
	v61 =	vmov s25;
	s25 =	sshra.s32 s23, $0x8;
	v60 =	vmov s18;
	s18 =	sshrl.u32 s14, $0x1F  }
0x38c: {  	[smem:$0x774] =	sst s30;
	v17 =	vsel vm3, s28, v60;
	s30 =	sshrl.u32 s20, $0x1F;
	s28 =	sshrl.u32 s23, $0x1F  }
0x38d: {  	v62 =	vmov s30;
	s30 =	sshra.s32 s23, $0x1F;
	s23 =	sshra.s32 s24, $0x1F;
	s13 =	smulhi.u32 $0x4BDA12F7, s31  }
0x38e: {  	s21 =	sshra.s32 s31, $0x1F;
	s31 =	sshra.s32 s20, $0x1F;
	s20 =	sshrl.u32 s5, $0x1F  }
0x38f: {  	v20 =	vnsel vm3, $0x0, v62;
	v17 =	vsel vm10, s31, v17;
	s0 =	smul.u32 $0x4BDA12F7, s21;
	s21 =	sshrl.u32 s6, $0x1F;
	s31 =	sshrl.u32 s2, $0x1F  }
0x390: {  	v19 =	vsel vm0, s20, v61;
	v20 =	vsel vm0, s28, v20;
	s20 =	sshrl.u32 s24, $0x1F;
	s28 =	sshrl.u32 s16, $0x1F;
	s6 =	sld [smem:$0x722]  }
0x391: {  	v63 =	vmov s18;
	[smem:$0x776] =	sst s13;
	v19 =	vsel vm1, s21, v19;
	s21 =	sshra.s32 s24, $0x8;
	s24 =	sshrl.u32 s8, $0x1F  }
0x392: {  	v17 =	vsel vm0, s25, v17;
	v20 =	vsel vm1, s20, v20;
	s25 =	sshrl.u32 s1, $0x1F;
	s20 =	sshrl.u32 s9, $0x1F;
	s13 =	sshra.s32 s15, $0x8;
	v19 =	vsel vm2, s31, v19  }
0x393: {  	[smem:$0x777] =	sst s0;
	v17 =	vsel vm4, s30, v17;
	v21 =	vsel vm0, s24, v63;
	v20 =	vsel vm2, s25, v20;
	s30 =	sshrl.u32 s17, $0x1F;
	s31 =	sshra.s32 s1, $0x8  }
0x394: {  	v21 =	vsel vm1, s28, v21;
	v20 =	vsel vm13, s30, v20;
	s30 =	sshra.s32 s14, $0x8;
	s14 =	sshra.s32 s2, $0x8;
	s2 =	sld [smem:$0x720]  }
0x395: {  	s24 =	sshrl.u32 s12, $0x1F;
	v17 =	vsel vm1, s21, v17;
	s21 =	sshrl.u32 s15, $0x1F;
	v21 =	vsel vm2, s20, v21;
	s20 =	sld [smem:$0x71D]  }
0x396: {  	v17 =	vsel vm12, s23, v17;
	s23 =	sshra.s32 s11, $0x8;
	v23 =	vmov s30;
	s11 =	sshra.s32 s8, $0x8;
	s30 =	sld [smem:$0x71F]  }
0x397: {  	s25 =	sshra.s32 s17, $0x8;
	s28 =	sshra.s32 s5, $0x8;
	v20 =	vsel vm6, s21, v20;
	v23 =	vsel vm0, s11, v23;
	s11 =	sld [smem:$0x725]  }
0x398: {  	s21 =	sshra.s32 s12, $0x8;
	v20 =	vsel vm11, s24, v20;
	s24 =	sshra.s32 s12, $0x1F;
	s12 =	sld [smem:$0x726]  }
0x399: {  	v17 =	vsel vm2, s31, v17;
	v22 =	vmov s23;
	s31 =	sshra.s32 s17, $0x1F;
	s17 =	sshra.s32 s15, $0x1F;
	s15 =	sld [smem:$0x729]  }
0x39a: {  	s18 =	sshra.s32 s1, $0x1F;
	v22 =	vsel vm0, s28, v22;
	s28 =	sld [smem:$0x71E]  }
0x39b: {  	s16 =	sshra.s32 s16, $0x8;
	v17 =	vsel vm5, s18, v17;
	s18 =	sshra.s32 s9, $0x8;
	s9 =	sld [smem:$0x723]  }
0x39c: {  	v23 =	vsel vm1, s16, v23;
	v22 =	vsel vm1, s10, v22;
	s10 =	sld [smem:$0x724]  }
0x39d: {  	v23 =	vsel vm2, s18, v23;
	s18 =	sld [smem:$0x72B]  }
0x39e: {  	v17 =	vsel vm13, s25, v17;
	s8 =	smulhi.u32 $0x4BDA12F7, s20;
	s23 =	sshra.s32 s20, $0x1F;
	s20 =	sld [smem:$0x72C]  }
0x39f: {  	s25 =	sshrl.u32 s3, $0x1F;
	v17 =	vsel vm14, s31, v17;
	s31 =	sshra.s32 s3, $0x8;
	s3 =	sld [smem:$0x721]  }
0x3a0: {  	v22 =	vsel vm2, s14, v22;
	s14 =	sld [smem:$0x728]  }
0x3a1: {  	v20 =	vsel vm9, s25, v20;
	s25 =	sld [smem:$0x730]  }
0x3a2: {  	v17 =	vsel vm6, s13, v17;
	s13 =	sld [smem:$0x727]  }
0x3a3: {  	s16 =	smulhi.u32 $0x4BDA12F7, s15;
	s5 =	sadd.s32 s30, s28;
	s30 =	sld [smem:$0x731]  }
0x3a4: {  	[smem:$0x7BE] =	sst s5  }
0x3a5: {  	[smem:$0x77B] =	sst s16  }
0x3a6: {  	v17 =	vsel vm15, s17, v17;
	s17 =	sld [smem:$0x72A]  }
0x3a7: {  	s5 =	smul.u32 $0x4BDA12F7, s23;
	s23 =	sld [smem:$0x72E]  }
0x3a8: {  	s16 =	sld [smem:$0x739]  }
0x3a9: {  	v17 =	vsel vm11, s21, v17;
	s21 =	sld [smem:$0x72D]  }
0x3aa: {  	s1 =	sadd.s32 s3, s2;
	s2 =	sld [smem:$0x742]  }
0x3ab: {  	[smem:$0x7C1] =	sst s1  }
0x3ac: {  	v17 =	vsel vm7, s24, v17;
	s24 =	sld [smem:$0x72F]  }
0x3ad: {  	s1 =	sadd.s32 s10, s9;
	s9 =	sld [smem:$0x733]  }
0x3ae: {  	s0 =	sshra.s32 s6, $0x1F;
	s3 =	smulhi.u32 $0x4BDA12F7, s6;
	s10 =	sld [smem:$0x734]  }
0x3af: {  	s6 =	smul.u32 $0x4BDA12F7, s0;
	s0 =	sadd.s32 s14, s13;
	s13 =	sld [smem:$0x737]  }
0x3b0: {  	s28 =	smulhi.u32 $0x4BDA12F7, s25;
	[smem:$0x7BF] =	sst s1  }
0x3b1: {  	[smem:$0x7C5] =	sst s0  }
0x3b2: {  	[smem:$0x77E] =	sst s28  }
0x3b3: {  	v17 =	vsel vm9, s31, v17;
	s31 =	sld [smem:$0x732]  }
0x3b4: {  	s1 =	sadd.s32 s12, s11;
	s11 =	sld [smem:$0x735]  }
0x3b5: {  	s12 =	sld [smem:$0x736]  }
0x3b6: {  	s0 =	sshra.s32 s15, $0x1F;
	s15 =	sld [smem:$0x738]  }
0x3b7: {  	s28 =	sld [smem:$0x73F]  }
0x3b8: {  	[smem:$0x7C3] =	sst s1  }
0x3b9: {  	s1 =	sadd.s32 s18, s17;
	s17 =	sld [smem:$0x73A]  }
0x3ba: {  	s18 =	sld [smem:$0x73B]  }
0x3bb: {  	[smem:$0x7BA] =	sst s1  }
0x3bc: {  	s1 =	sadd.s32 s21, s20;
	s20 =	sld [smem:$0x73C]  }
0x3bd: {  	s0 =	smul.u32 $0x4BDA12F7, s0;
	s21 =	sld [smem:$0x73D]  }
0x3be: {  	[smem:$0x7BD] =	sst s1  }
0x3bf: {  	[smem:$0x77C] =	sst s0  }
0x3c0: {  	s1 =	sadd.s32 s31, s30;
	s30 =	sld [smem:$0x740]  }
0x3c1: {  	s0 =	sadd.s32 s24, s23;
	s31 =	sld [smem:$0x741]  }
0x3c2: {  	s23 =	smulhi.u32 $0x4BDA12F7, s7;
	s24 =	sshra.s32 s7, $0x1F;
	s7 =	sld [smem:$0x743]  }
0x3c3: {  	s14 =	smulhi.u32 $0x4BDA12F7, s13;
	[smem:$0x7C0] =	sst s0  }
0x3c4: {  	[smem:$0x7C2] =	sst s1  }
0x3c5: {  	[smem:$0x780] =	sst s14  }
0x3c6: {  	s0 =	sshra.s32 s25, $0x1F;
	s25 =	sld [smem:$0x73E]  }
0x3c7: {  	s1 =	sadd.s32 s10, s9;
	s14 =	sld [smem:$0x747]  }
0x3c8: {  	s9 =	smulhi.u32 $0x4BDA12F7, s4;
	s10 =	sshra.s32 s4, $0x1F;
	s4 =	sld [smem:$0x751]  }
0x3c9: {  	[smem:$0x7C4] =	sst s1  }
0x3ca: {  	[smem:$0x782] =	sst s23  }
0x3cb: {  	s1 =	sadd.s32 s16, s15;
	s15 =	sld [smem:$0x748]  }
0x3cc: {  	s16 =	sld [smem:$0x749]  }
0x3cd: {  	s23 =	sld [smem:$0x74D]  }
0x3ce: {  	[smem:$0x7C7] =	sst s1  }
0x3cf: {  	s0 =	smul.u32 $0x4BDA12F7, s0;
	s1 =	sadd.s32 s18, s17;
	[smem:$0x784] =	sst s9  }
0x3d0: {  	s17 =	smulhi.u32 $0x4BDA12F7, s19;
	s18 =	sshra.s32 s19, $0x1F;
	s19 =	sld [smem:$0x74A]  }
0x3d1: {  	s9 =	sld [smem:$0x753]  }
0x3d2: {  	[smem:$0x77F] =	sst s0  }
0x3d3: {  	[smem:$0x7B8] =	sst s1  }
0x3d4: {  	s0 =	sadd.s32 s12, s11;
	s11 =	sld [smem:$0x744]  }
0x3d5: {  	s12 =	sld [smem:$0x745]  }
0x3d6: {  	s1 =	sadd.s32 s28, s25;
	s25 =	sld [smem:$0x74F]  }
0x3d7: {  	s28 =	smul.u32 $0x4BDA12F7, s10;
	s10 =	sld [smem:$0x754]  }
0x3d8: {  	[smem:$0x7C6] =	sst s0  }
0x3d9: {  	[smem:$0x7CB] =	sst s1  }
0x3da: {  	s0 =	sshra.s32 s13, $0x1F;
	s13 =	sld [smem:$0x746]  }
0x3db: {  	[smem:$0x785] =	sst s17  }
0x3dc: {  	s1 =	sadd.s32 s31, s30;
	s17 =	sld [smem:$0x75A]  }
0x3dd: {  	s30 =	smulhi.u32 $0x4BDA12F7, s22;
	s31 =	sshra.s32 s22, $0x1F;
	s22 =	sld [smem:$0x75D]  }
0x3de: {  	[smem:$0x7CD] =	sst s1  }
0x3df: {  	[smem:$0x787] =	sst s30  }
0x3e0: {  	s0 =	smul.u32 $0x4BDA12F7, s0;
	s1 =	sadd.s32 s12, s11;
	s11 =	sld [smem:$0x755]  }
0x3e1: {  	s30 =	sld [smem:$0x760]  }
0x3e2: {  	[smem:$0x781] =	sst s0  }
0x3e3: {  	[smem:$0x7D3] =	sst s1  }
0x3e4: {  	s0 =	sadd.s32 s21, s20;
	s20 =	sld [smem:$0x74B]  }
0x3e5: {  	s21 =	sld [smem:$0x74C]  }
0x3e6: {  	s1 =	sadd.s32 s14, s13;
	s13 =	sld [smem:$0x756]  }
0x3e7: {  	s14 =	sld [smem:$0x757]  }
0x3e8: {  	[smem:$0x7CA] =	sst s0  }
0x3e9: {  	s0 =	smul.u32 $0x4BDA12F7, s24;
	[smem:$0x7D1] =	sst s1  }
0x3ea: {  	s24 =	sld [smem:$0x74E]  }
0x3eb: {  	[smem:$0x783] =	sst s0  }
0x3ec: {  	s0 =	sadd.s32 s7, s2;
	s2 =	sld [smem:$0x750]  }
0x3ed: {  	s7 =	sld [smem:$0x752]  }
0x3ee: {  	s1 =	sadd.s32 s20, s19;
	s20 =	sld [smem:$0x75C]  }
0x3ef: {  	[smem:$0x7CF] =	sst s0  }
0x3f0: {  	[smem:$0x7D7] =	sst s1  }
0x3f1: {  	s0 =	sadd.s32 s16, s15;
	s15 =	sld [smem:$0x758]  }
0x3f2: {  	s12 =	sshra.s32 s26, $0x1F;
	s19 =	sshra.s32 s29, $0x1F;
	s16 =	sld [smem:$0x759]  }
0x3f3: {  	s1 =	sadd.s32 s23, s21;
	s23 =	smulhi.u32 $0x4BDA12F7, s29;
	s29 =	sld [smem:$0x75F]  }
0x3f4: {  	s21 =	smul.u32 $0x4BDA12F7, s12;
	s12 =	sld [smem:$0x769]  }
0x3f5: {  	[smem:$0x7D5] =	sst s0  }
0x3f6: {  	[smem:$0x7C9] =	sst s1  }
0x3f7: {  	v19 =	vcombine.low v21, v19;
	s0 =	smul.u32 $0x4BDA12F7, s18;
	s18 =	sld [smem:$0x75B]  }
0x3f8: {  	v5 =	vcombine.low v23, v22;
	s1 =	sadd.s32 s4, s2;
	s2 =	sld [smem:$0x763]  }
0x3f9: {  	v19 =	vperm.xlane v19, v0;
	v20 =	vperm.xlane v20, v1;
	s4 =	sld [smem:$0x764]  }
0x3fa: {  	v21 =	vperm.xlane v5, v0;
	v17 =	vperm.xlane v17, v1;
	[smem:$0x786] =	sst s0  }
0x3fb: {  	[smem:$0x7CE] =	sst s1  }
0x3fc: {  	v19 =	vsel vm8, v20, v19;
	v17 =	vsel vm8, v17, v21;
	s0 =	sadd.s32 s25, s24;
	s25 =	smulhi.u32 $0x4BDA12F7, s26;
	s26 =	sld [smem:$0x75E]  }
0x3fd: {  	v17 =	vadd.s32 v19, v17;
	s24 =	smul.u32 $0x4BDA12F7, s31;
	s31 =	sld [smem:$0x761]  }
0x3fe: {  	v19 =	vmul.u32 $0xFFFFFD27, v17;
	s1 =	sadd.s32 s9, s7;
	s7 =	sld [smem:$0x765]  }
0x3ff: {  	s9 =	sld [smem:$0x766]  }
0x400: {  	v18 =	vadd.s32 v59, v19;
	[smem:$0x7CC] =	sst s0  }
0x401: {  	(v2sf) =	vpush v18, $0xD;
	[smem:$0x7D0] =	sst s1  }
0x402: {  	(v2sf) =	vpush v18, $0xC;
	s0 =	sadd.s32 s11, s10;
	s10 =	sld [smem:$0x767]  }
0x403: {  	s11 =	sld [smem:$0x768]  }
0x404: {  	s1 =	sadd.s32 s14, s13;
	s13 =	sld [smem:$0x76A]  }
0x405: {  	(v2sf) =	vpush v18, $0xE;
	s14 =	sld [smem:$0x76B]  }
0x406: {  	[smem:$0x7D2] =	sst s0  }
0x407: {  	[smem:$0x7D4] =	sst s1  }
0x408: {  	s1 =	sadd.s32 s16, s15;
	s16 =	sld [smem:$0x76C]  }
0x409: {  	s0 =	sadd.s32 s18, s17;
	[smem:$0x7D6] =	sst s1  }
0x40a: {  	(v2sf) =	vpush v18, $0xF;
	[smem:$0x7C8] =	sst s0  }
0x40b: {  	s0 =	sadd.s32 s31, s30;
	s30 =	sld [smem:$0x76D]  }
0x40c: {  	s1 =	sadd.s32 s22, s20;
	s31 =	sld [smem:$0x76E]  }
0x40d: {  	(v2sf) =	vpush v18, $0x9;
	[smem:$0x7D8] =	sst s1;
	s1 =	sadd.s32 s29, s26  }
0x40e: {  	[smem:$0x7D9] =	sst s1  }
0x40f: {  	s1 =	sld [smem:$0x762]  }
0x410: {  	[smem:$0x7DC] =	sst s0;
	s15 =	spop (v2sf)  }
0x411: {  	(v2sf) =	vpush v18, $0x8;
	[smem:$0x7F7] =	sst s15;
	s17 =	spop (v2sf)  }
0x412: {  	[smem:$0x7F8] =	sst s17;
	s20 =	smulhi.u32 $0x4BDA12F7, s1  }
0x413: {  	s0 =	sshra.s32 s1, $0x1F;
	s1 =	sadd.s32 s4, s2;
	s4 =	sld [smem:$0x76F]  }
0x414: {  	s2 =	spop (v2sf);
	[smem:$0x7DE] =	sst s1  }
0x415: {  	[smem:$0x7F9] =	sst s2  }
0x416: {  	(v2sf) =	vpush v18, $0xA;
	s1 =	sadd.s32 s9, s7;
	s9 =	sld [smem:$0x770]  }
0x417: {  	s26 =	smul.u32 $0x4BDA12F7, s0;
	s0 =	sadd.s32 s11, s10;
	s10 =	sld [smem:$0x771]  }
0x418: {  	(v2sf) =	vpush v18, $0xB;
	s22 =	smul.u32 $0x4BDA12F7, s19;
	[smem:$0x7E2] =	sst s1  }
0x419: {  	s7 =	spop (v2sf);
	[smem:$0x7E0] =	sst s0  }
0x41a: {  	s19 =	smulhi.u32 $0x4BDA12F7, s12;
	[smem:$0x7FA] =	sst s7  }
0x41b: {  	(v2sf) =	vpush v18, $0x0;
	s0 =	sshra.s32 s12, $0x1F;
	s1 =	sadd.s32 s14, s13;
	s12 =	sld [smem:$0x772]  }
0x41c: {  	s11 =	spop (v2sf);
	[smem:$0x7E4] =	sst s1  }
0x41d: {  	(v2sf) =	vpush v18, $0x1;
	[smem:$0x7FB] =	sst s11  }
0x41e: {  	s29 =	smulhi.u32 $0x4BDA12F7, s16;
	s1 =	sadd.s32 s31, s30;
	s30 =	sld [smem:$0x773]  }
0x41f: {  	(v2sf) =	vpush v18, $0x2;
	s18 =	smul.u32 $0x4BDA12F7, s0;
	s31 =	sld [smem:$0x774]  }
0x420: {  	s13 =	spop (v2sf);
	[smem:$0x7E6] =	sst s1  }
0x421: {  	s0 =	sshra.s32 s16, $0x1F;
	s17 =	smulhi.u32 $0x4BDA12F7, s4;
	[smem:$0x7FC] =	sst s13  }
0x422: {  	s16 =	smul.u32 $0x4BDA12F7, s0;
	s0 =	sshra.s32 s4, $0x1F;
	s4 =	sld [smem:$0x775]  }
0x423: {  	(v2sf) =	vpush v18, $0x3;
	s1 =	sadd.s32 s10, s9;
	s9 =	sld [smem:$0x776]  }
0x424: {  	s10 =	sld [smem:$0x777]  }
0x425: {  	(v2sf) =	vpush v18, $0x4;
	s2 =	spop (v2sf);
	[smem:$0x7DB] =	sst s1  }
0x426: {  	s14 =	smul.u32 $0x4BDA12F7, s0;
	[smem:$0x7FD] =	sst s2  }
0x427: {  	(v2sf) =	vpush v18, $0x5;
	s7 =	spop (v2sf);
	s2 =	sadd.s32 s5, s8;
	s5 =	sld [smem:$0x779]  }
0x428: {  	s15 =	smulhi.u32 $0x4BDA12F7, s12;
	s0 =	sshra.s32 s12, $0x1F;
	[dreg:$0x1a] =	wrdreg s7  }
0x429: {  	s1 =	sadd.s32 s31, s30;
	s12 =	smul.u32 $0x4BDA12F7, s0;
	s30 =	sld [smem:$0x778]  }
0x42a: {  	(v2sf) =	vpush v18, $0x6;
	s11 =	spop (v2sf);
	[smem:$0x7E1] =	sst s2  }
0x42b: {  	[smem:$0x7DD] =	sst s1;
	s13 =	smulhi.u32 $0x4BDA12F7, s4;
	s0 =	sshra.s32 s4, $0x1F  }
0x42c: {  	(v2sf) =	vpush v18, $0x7;
	s1 =	sadd.s32 s10, s9;
	[dreg:$0x12] =	wrdreg s11;
	s31 =	spop (v2sf)  }
0x42d: {  	[smem:$0x7DF] =	sst s1;
	s10 =	smul.u32 $0x4BDA12F7, s0  }
0x42e: {  	[dreg:$0x10] =	wrdreg s31;
	s4 =	spop (v2sf)  }
0x42f: {  	s9 =	smulhi.u32 $0x4BDA12F7, s5;
	s1 =	sld [smem:$0x77A]  }
0x430: {  	s11 =	smulhi.u32 $0x4BDA12F7, s30;
	[dreg:$0xf] =	wrdreg s4  }
0x431: {  	s0 =	sshra.s32 s30, $0x1F;
	s30 =	sadd.s32 s6, s3;
	s3 =	sld [smem:$0x77B]  }
0x432: {  	s7 =	spop (v2sf);
	s4 =	sld [smem:$0x77C]  }
0x433: {  	s8 =	smul.u32 $0x4BDA12F7, s0;
	[dreg:$0xe] =	wrdreg s7  }
0x434: {  	s0 =	sshra.s32 s5, $0x1F;
	[smem:$0x7E3] =	sst s30;
	s31 =	spop (v2sf)  }
0x435: {  	v19 =	vld [tilespmem:$0x70];
	s30 =	sld [smem:$0x77D];
	s6 =	smul.u32 $0x4BDA12F7, s0  }
0x436: {  	[dreg:$0xd] =	wrdreg s31;
	s2 =	spop (v2sf)  }
0x437: {  	s7 =	smulhi.u32 $0x4BDA12F7, s1;
	s0 =	sshra.s32 s1, $0x1F;
	[dreg:$0xc] =	wrdreg s2  }
0x438: {  	s1 =	sadd.s32 s4, s3;
	s4 =	smul.u32 $0x4BDA12F7, s0;
	s2 =	sld [smem:$0x77E]  }
0x439: {  	s5 =	spop (v2sf);
	s3 =	sld [smem:$0x77F]  }
0x43a: {  	(v2sf) =	vpush v19, $0xD;
	[dreg:$0xb] =	wrdreg s5;
	s5 =	smulhi.u32 $0x4BDA12F7, s30  }
0x43b: {  	s0 =	sshra.s32 s30, $0x1F;
	s31 =	spop (v2sf);
	s30 =	sld [smem:$0x780]  }
0x43c: {  	[dreg:$0xa] =	wrdreg s31  }
0x43d: {  	(v2sf) =	vpush v19, $0xC;
	s31 =	sld [smem:$0x781]  }
0x43e: {  	[smem:$0x7E5] =	sst s1;
	s1 =	sadd.s32 s3, s2  }
0x43f: {  	(v2sf) =	vpush v19, $0xE;
	[smem:$0x7E7] =	sst s1  }
0x440: {  	(v2sf) =	vpush v19, $0xF;
	s1 =	sadd.s32 s31, s30;
	s30 =	sld [smem:$0x783]  }
0x441: {  	[smem:$0x7DA] =	sst s1  }
0x442: {  	s1 =	sld [smem:$0x782]  }
0x443: {  	s21 =	sadd.s32 s21, s25  }
0x444: {  	[smem:$0x7ED] =	sst s21;
	(v2sf) =	vpush v19, $0x9  }
0x445: {  	s22 =	sadd.s32 s22, s23;
	s1 =	sadd.s32 s30, s1;
	s30 =	sld [smem:$0x784]  }
0x446: {  	[smem:$0x7EC] =	sst s22;
	s20 =	sadd.s32 s26, s20;
	(v2sf) =	vpush v19, $0x8  }
0x447: {  	[smem:$0x7EE] =	sst s20  }
0x448: {  	(v2sf) =	vpush v19, $0xA;
	s3 =	smul.u32 $0x4BDA12F7, s0;
	s31 =	sadd.s32 s28, s30;
	s28 =	sld [smem:$0x785]  }
0x449: {  	s18 =	sadd.s32 s18, s19;
	s0 =	spop (v2sf);
	s30 =	sld [smem:$0x786]  }
0x44a: {  	[smem:$0x7EF] =	sst s18;
	(v2sf) =	vpush v19, $0xB;
	s2 =	smulhi.u32 $0x59E60383, s0;
	s0 =	sshra.s32 s0, $0x1F  }
0x44b: {  	[smem:$0x7E8] =	sst s1;
	s1 =	smul.u32 $0x59E60383, s0  }
0x44c: {  	(v2sf) =	vpush v19, $0x0;
	s0 =	spop (v2sf);
	s28 =	sadd.s32 s30, s28;
	s30 =	sld [smem:$0x787]  }
0x44d: {  	s26 =	sadd.s32 s14, s17;
	(v2sf) =	vpush v19, $0x1;
	[smem:$0x7E9] =	sst s31;
	s31 =	smulhi.u32 $0x59E60383, s0  }
0x44e: {  	s0 =	sshra.s32 s0, $0x1F;
	[smem:$0x7EA] =	sst s28;
	s28 =	spop (v2sf)  }
0x44f: {  	s0 =	smul.u32 $0x59E60383, s0;
	s24 =	sadd.s32 s24, s30;
	s30 =	spop (v2sf)  }
0x450: {  	s4 =	sadd.s32 s4, s7;
	(v2sf) =	vpush v19, $0x2;
	[smem:$0x7EB] =	sst s24;
	s24 =	smulhi.u32 $0x59E60383, s28  }
0x451: {  	s7 =	sld [smem:$0x78C];
	s28 =	sshra.s32 s28, $0x1F;
	s22 =	smulhi.u32 $0x59E60383, s30  }
0x452: {  	[smem:$0x7F0] =	sst s4;
	(v2sf) =	vpush v19, $0x3;
	s21 =	smul.u32 $0x59E60383, s28;
	s28 =	sshra.s32 s30, $0x1F  }
0x453: {  	s19 =	sadd.s32 s8, s11;
	s30 =	spop (v2sf);
	s20 =	smul.u32 $0x59E60383, s28  }
0x454: {  	s1 =	sadd.s32 s1, s2;
	s18 =	smulhi.u32 $0x59E60383, s30;
	s23 =	sshra.s32 s30, $0x1F  }
0x455: {  	s28 =	sadd.s32 s16, s29;
	s25 =	spop (v2sf);
	s16 =	smul.u32 $0x59E60383, s23  }
0x456: {  	[smem:$0x7F2] =	sst s1;
	(v2sf) =	vpush v19, $0x4;
	s14 =	smulhi.u32 $0x59E60383, s25;
	s29 =	sshra.s32 s25, $0x1F  }
0x457: {  	s25 =	sadd.s32 s12, s15;
	s30 =	spop (v2sf);
	s12 =	smul.u32 $0x59E60383, s29  }
0x458: {  	(v2sf) =	vpush v19, $0x5;
	s23 =	sadd.s32 s10, s13;
	s10 =	smulhi.u32 $0x59E60383, s30;
	s17 =	sshra.s32 s30, $0x1F  }
0x459: {  	s15 =	sadd.s32 s3, s5;
	s29 =	spop (v2sf);
	s8 =	smul.u32 $0x59E60383, s17  }
0x45a: {  	s17 =	sadd.s32 s6, s9;
	s6 =	smulhi.u32 $0x59E60383, s29;
	s30 =	sshra.s32 s29, $0x1F  }
0x45b: {  	s9 =	spop (v2sf);
	s29 =	sadd.s32 s0, s31;
	s4 =	smul.u32 $0x59E60383, s30  }
0x45c: {  	s3 =	smulhi.u32 $0x59E60383, s9;
	s11 =	sshra.s32 s9, $0x1F;
	s13 =	spop (v2sf)  }
0x45d: {  	s30 =	sadd.s32 s21, s24;
	s9 =	sadd.s32 s20, s22;
	s1 =	smul.u32 $0x59E60383, s11  }
0x45e: {  	s22 =	sadd.s32 s16, s18;
	s18 =	sld [smem:$0x788];
	s0 =	smulhi.u32 $0x59E60383, s13  }
0x45f: {  	s2 =	sshra.s32 s13, $0x1F;
	[smem:$0x7F3] =	sst s30;
	s31 =	spop (v2sf)  }
0x460: {  	[smem:$0x7F4] =	sst s9;
	s2 =	smul.u32 $0x59E60383, s2  }
0x461: {  	s11 =	smulhi.u32 $0x59E60383, s31;
	s24 =	spop (v2sf)  }
0x462: {  	s8 =	sadd.s32 s8, s10;
	s30 =	smulhi.u32 $0x59E60383, s24;
	s9 =	sshra.s32 s24, $0x1F  }
0x463: {  	s5 =	sshra.s32 s31, $0x1F;
	s31 =	sadd.s32 s12, s14;
	s13 =	smul.u32 $0x59E60383, s9  }
0x464: {  	[smem:$0x7F5] =	sst s8;
	s4 =	sadd.s32 s4, s6;
	s5 =	smul.u32 $0x59E60383, s5  }
0x465: {  	[smem:$0x7F6] =	sst s4;
	s30 =	sadd.s32 s13, s30;
	s14 =	spop (v2sf)  }
0x466: {  	s13 =	sld [smem:$0x789];
	s16 =	smulhi.u32 $0x59E60383, s14;
	s21 =	sshra.s32 s14, $0x1F  }
0x467: {  	s12 =	sshra.s32 s18, $0x1F;
	s6 =	spop (v2sf);
	s24 =	smul.u32 $0x59E60383, s21  }
0x468: {  	s0 =	sadd.s32 s2, s0;
	s9 =	smulhi.u32 $0x59E60383, s6;
	s10 =	sshra.s32 s6, $0x1F  }
0x469: {  	s4 =	sshrl.u32 s13, $0x1F;
	s21 =	sadd.s32 s5, s11;
	s2 =	smul.u32 $0x59E60383, s10  }
0x46a: {  	vm7 =	vcmask $0x300;
	v12 =	vmov s12;
	s10 =	sld [smem:$0x78A];
	s16 =	sadd.s32 s24, s16;
	s24 =	sshra.s32 s13, $0x3  }
0x46b: {  	vm10 =	vcmask $0x704;
	s5 =	sld [smem:$0x78B];
	v20 =	vsel vm7, s24, v12;
	s14 =	sadd.s32 s2, s9;
	s2 =	sshra.s32 s13, $0x1F  }
0x46c: {  	s8 =	sshra.s32 s7, $0x3;
	s20 =	sadd.s32 s1, s3;
	v24 =	vmov s4;
	s24 =	sld [smem:$0x78F];
	v20 =	vsel vm10, s2, v20  }
0x46d: {  	v22 =	vnsel vm7, $0x0, v24;
	s9 =	sshrl.u32 s7, $0x1F;
	s1 =	sshrl.u32 s10, $0x1F;
	v20 =	vsel vm0, s8, v20;
	s8 =	sld [smem:$0x78D]  }
0x46e: {  	s6 =	sshrl.u32 s5, $0x1F;
	v26 =	vsel vm0, s9, v22;
	s9 =	sld [smem:$0x790];
	v13 =	vmov s1  }
0x46f: {  	s11 =	sshra.s32 s7, $0x1F;
	s1 =	sshra.s32 s5, $0x3;
	v21 =	vsel vm0, s6, v13;
	s6 =	sld [smem:$0x78E]  }
0x470: {  	vm3 =	vmmov vm11;
	vm11 =	vcmask $0xF0C;
	s5 =	sshra.s32 s24, $0x3;
	s7 =	sshrl.u32 s24, $0x1F;
	s12 =	sshrl.u32 s8, $0x1F  }
0x471: {  	v25 =	vsel vm11, s11, v20;
	s11 =	sshra.s32 s24, $0x1F;
	s24 =	sld [smem:$0x792];
	v21 =	vsel vm1, s12, v21;
	s12 =	sshrl.u32 s9, $0x1F  }
0x472: {  	v28 =	vmov s12;
	s12 =	sld [smem:$0x794]  }
0x473: {  	s4 =	sld [smem:$0x791];
	s13 =	sshrl.u32 s6, $0x1F  }
0x474: {  	s2 =	sshra.s32 s10, $0x3;
	s10 =	sld [smem:$0x797];
	v27 =	vsel vm1, s5, v25;
	s3 =	sshrl.u32 s24, $0x1F;
	v20 =	vsel vm2, s13, v21;
	v21 =	vsel vm1, s7, v26  }
0x475: {  	vm4 =	vmmov vm13;
	v22 =	vsel vm12, s11, v27;
	s11 =	sshra.s32 s24, $0x1F;
	s7 =	sshra.s32 s24, $0x3;
	v21 =	vsel vm2, s3, v21;
	s24 =	sshrl.u32 s12, $0x1F  }
0x476: {  	v22 =	vsel vm2, s7, v22;
	s7 =	sld [smem:$0x793];
	v24 =	vsel vm13, s24, v21;
	vm13 =	vcmask $0x1F1C  }
0x477: {  	v22 =	vsel vm13, s11, v22;
	s11 =	sld [smem:$0x796]  }
0x478: {  	s5 =	sld [smem:$0x795];
	s13 =	sshrl.u32 s4, $0x1F  }
0x479: {  	v23 =	vsel vm0, s13, v28;
	s13 =	sshrl.u32 s7, $0x1F  }
0x47a: {  	vm5 =	vmmov vm6;
	s24 =	sshra.s32 s12, $0x3;
	v23 =	vsel vm1, s13, v23;
	s13 =	sshrl.u32 s11, $0x1F  }
0x47b: {  	[smem:$0x7F1] =	sst s0;
	s3 =	sshrl.u32 s5, $0x1F;
	v22 =	vsel vm4, s24, v22;
	s24 =	sshrl.u32 s10, $0x1F;
	v29 =	vsel vm5, s13, v24  }
0x47c: {  	v30 =	vmov s2;
	s0 =	sshra.s32 s8, $0x3;
	v21 =	vsel vm2, s3, v23;
	s13 =	sshra.s32 s12, $0x1F;
	s12 =	sshrl.u32 s18, $0x1F;
	v23 =	vsel vm3, s24, v29  }
0x47d: {  	v31 =	vsel vm0, s1, v30;
	v25 =	vsel vm14, s13, v22;
	s13 =	sshra.s32 s11, $0x3;
	s24 =	sshra.s32 s6, $0x3;
	s6 =	sshra.s32 s9, $0x3;
	v22 =	vsel vm9, s12, v23  }
0x47e: {  	s8 =	sshra.s32 s11, $0x1F;
	v32 =	vsel vm5, s13, v25;
	v23 =	vsel vm1, s0, v31;
	v33 =	vmov s6;
	s6 =	sld [smem:$0x799]  }
0x47f: {  	s12 =	sshra.s32 s10, $0x3;
	v24 =	vsel vm15, s8, v32;
	v23 =	vsel vm2, s24, v23;
	s24 =	sld [smem:$0x798]  }
0x480: {  	s3 =	sshra.s32 s10, $0x1F;
	s9 =	sshra.s32 s4, $0x3;
	v24 =	vsel vm3, s12, v24;
	s12 =	sld [smem:$0x79B]  }
0x481: {  	s11 =	sshra.s32 s7, $0x3;
	s13 =	sshra.s32 s5, $0x3;
	s10 =	sld [smem:$0x79A];
	v25 =	vsel vm0, s9, v33  }
0x482: {  	vm6 =	vmmov vm9;
	s5 =	sshra.s32 s18, $0x3;
	s18 =	sld [smem:$0x79C];
	v25 =	vsel vm1, s11, v25;
	s4 =	sshra.s32 s24, $0x1F  }
0x483: {  	vm9 =	vcmask $0x3734;
	s8 =	sshra.s32 s6, $0x3;
	v25 =	vsel vm2, s13, v25;
	v26 =	vmov s4;
	s13 =	sshrl.u32 s12, $0x1F  }
0x484: {  	v24 =	vsel vm9, s3, v24;
	s9 =	sshra.s32 s6, $0x1F;
	s11 =	sshrl.u32 s10, $0x1F;
	v26 =	vsel vm7, s8, v26;
	v27 =	vmov s13;
	s8 =	sld [smem:$0x79D]  }
0x485: {  	s7 =	sshrl.u32 s6, $0x1F;
	v24 =	vsel vm6, s5, v24;
	s5 =	sshra.s32 s18, $0x3;
	v26 =	vsel vm10, s9, v26;
	v27 =	vsel vm0, s11, v27;
	s11 =	sld [smem:$0x79F]  }
0x486: {  	v28 =	vmov s7;
	s7 =	sshra.s32 s18, $0x1F;
	v26 =	vsel vm0, s5, v26;
	s5 =	sld [smem:$0x79E]  }
0x487: {  	s0 =	sshra.s32 s10, $0x3;
	s9 =	sshrl.u32 s8, $0x1F;
	v26 =	vsel vm11, s7, v26;
	s7 =	sld [smem:$0x7A0]  }
0x488: {  	s6 =	sshrl.u32 s18, $0x1F;
	v27 =	vsel vm1, s9, v27;
	s13 =	sshra.s32 s11, $0x3;
	s9 =	sld [smem:$0x7A1]  }
0x489: {  	s2 =	sshra.s32 s12, $0x3;
	v28 =	vnsel vm7, $0x0, v28;
	s12 =	sshrl.u32 s11, $0x1F;
	s18 =	sshra.s32 s11, $0x1F;
	v26 =	vsel vm1, s13, v26  }
0x48a: {  	v28 =	vsel vm0, s6, v28;
	s10 =	sshrl.u32 s5, $0x1F;
	s6 =	sshrl.u32 s7, $0x1F;
	v26 =	vsel vm12, s18, v26;
	s18 =	sld [smem:$0x7A3]  }
0x48b: {  	v34 =	vsel vm1, s12, v28;
	v29 =	vsel vm2, s10, v27;
	s10 =	sshrl.u32 s9, $0x1F;
	v35 =	vmov s6;
	s6 =	sld [smem:$0x7A2]  }
0x48c: {  	s13 =	sshra.s32 s9, $0x3;
	v27 =	vsel vm2, s10, v34;
	s10 =	sshra.s32 s9, $0x1F;
	s9 =	sld [smem:$0x7A4]  }
0x48d: {  	s12 =	sshrl.u32 s18, $0x1F  }
0x48e: {  	v26 =	vsel vm2, s13, v26;
	s11 =	sshrl.u32 s6, $0x1F;
	v27 =	vsel vm4, s12, v27;
	s12 =	sld [smem:$0x7A5]  }
0x48f: {  	v26 =	vsel vm13, s10, v26;
	s10 =	sld [smem:$0x7A7];
	v28 =	vsel vm0, s11, v35;
	s11 =	sshrl.u32 s9, $0x1F  }
0x490: {  	v28 =	vsel vm1, s11, v28;
	s11 =	sld [smem:$0x7A6]  }
0x491: {  	vm8 =	vmmov vm5;
	s13 =	sshrl.u32 s12, $0x1F  }
0x492: {  	s8 =	sshra.s32 s8, $0x3;
	s4 =	sshrl.u32 s10, $0x1F;
	v27 =	vsel vm8, s13, v27;
	s13 =	sshra.s32 s18, $0x3  }
0x493: {  	v36 =	vmov s2;
	s3 =	sshrl.u32 s11, $0x1F;
	v27 =	vsel vm3, s4, v27;
	v26 =	vsel vm4, s13, v26;
	s13 =	sshra.s32 s18, $0x1F;
	s18 =	sshrl.u32 s24, $0x1F  }
0x494: {  	v34 =	vsel vm6, s18, v27;
	v26 =	vsel vm14, s13, v26;
	s13 =	sshra.s32 s6, $0x3;
	s18 =	sshra.s32 s12, $0x3;
	v27 =	vsel vm0, s0, v36;
	s6 =	sshra.s32 s9, $0x3  }
0x495: {  	s9 =	sshra.s32 s10, $0x1F;
	v27 =	vsel vm1, s8, v27;
	s8 =	sshra.s32 s10, $0x3;
	s10 =	sld [smem:$0x7A9]  }
0x496: {  	v37 =	vsel vm2, s3, v28;
	s3 =	sshra.s32 s5, $0x3;
	s5 =	sshra.s32 s7, $0x3;
	v26 =	vsel vm8, s18, v26;
	s18 =	sld [smem:$0x7AA]  }
0x497: {  	s7 =	sshra.s32 s12, $0x1F;
	v38 =	vmov s5  }
0x498: {  	s1 =	sshra.s32 s11, $0x3;
	v26 =	vsel vm15, s7, v26;
	v39 =	vsel vm0, s13, v38;
	s7 =	sld [smem:$0x7AB];
	s13 =	sshra.s32 s10, $0x1F  }
0x499: {  	s11 =	sshra.s32 s24, $0x3;
	v45 =	vsel vm2, s3, v27;
	s24 =	sshrl.u32 s18, $0x1F;
	v41 =	vmov s13;
	s13 =	sld [smem:$0x7AC]  }
0x49a: {  	v26 =	vsel vm3, s8, v26;
	v27 =	vsel vm1, s6, v39;
	v49 =	vmov s24;
	s24 =	sld [smem:$0x7AD]  }
0x49b: {  	s12 =	sld [smem:$0x7A8];
	v26 =	vsel vm9, s9, v26;
	v48 =	vsel vm2, s1, v27;
	s1 =	sshra.s32 s18, $0x3;
	s8 =	sshra.s32 s7, $0x3  }
0x49c: {  	v44 =	vsel vm6, s11, v26;
	s9 =	sshrl.u32 s7, $0x1F;
	s11 =	sshra.s32 s7, $0x1F;
	v47 =	vsel vm7, s8, v41;
	s18 =	sshrl.u32 s13, $0x1F  }
0x49d: {  	v26 =	vsel vm10, s11, v47;
	s4 =	sshra.s32 s13, $0x3;
	s6 =	sshra.s32 s24, $0x3;
	s13 =	sld [smem:$0x7AF]  }
0x49e: {  	v50 =	vmov s9;
	s9 =	sld [smem:$0x7AE];
	s8 =	sshra.s32 s24, $0x1F;
	v26 =	vsel vm0, s6, v26  }
0x49f: {  	(v2sf) =	vpush v19, $0x6;
	v28 =	vnsel vm7, $0x0, v50;
	s7 =	sshrl.u32 s24, $0x1F;
	v26 =	vsel vm11, s8, v26;
	s8 =	sld [smem:$0x7B1]  }
0x4a0: {  	v28 =	vsel vm0, s7, v28;
	s7 =	sld [smem:$0x7B0];
	s24 =	sshra.s32 s13, $0x3  }
0x4a1: {  	s3 =	sshrl.u32 s12, $0x1F;
	s11 =	sshrl.u32 s9, $0x1F;
	s0 =	sshra.s32 s13, $0x1F;
	v26 =	vsel vm1, s24, v26  }
0x4a2: {  	v27 =	vsel vm0, s3, v49;
	s2 =	sshra.s32 s9, $0x3;
	v26 =	vsel vm12, s0, v26;
	s0 =	sld [smem:$0x7B3];
	s24 =	sshra.s32 s8, $0x3  }
0x4a3: {  	v27 =	vsel vm1, s18, v27;
	s18 =	sshrl.u32 s13, $0x1F;
	s9 =	sshrl.u32 s7, $0x1F;
	v26 =	vsel vm2, s24, v26;
	s24 =	sld [smem:$0x7B5]  }
0x4a4: {  	v42 =	vsel vm2, s11, v27;
	v51 =	vsel vm1, s18, v28;
	s11 =	sshrl.u32 s8, $0x1F;
	v52 =	vmov s9;
	s9 =	sld [smem:$0x7B2]  }
0x4a5: {  	s8 =	sshra.s32 s8, $0x1F;
	v27 =	vsel vm2, s11, v51;
	s11 =	sld [smem:$0x7B4];
	s18 =	sshrl.u32 s0, $0x1F  }
0x4a6: {  	v26 =	vsel vm13, s8, v26;
	s8 =	sld [smem:$0x7B6];
	v27 =	vsel vm4, s18, v27;
	s18 =	sshrl.u32 s24, $0x1F  }
0x4a7: {  	s12 =	sshra.s32 s12, $0x3;
	s13 =	sshrl.u32 s9, $0x1F;
	v27 =	vsel vm8, s18, v27;
	s18 =	sld [smem:$0x7B7]  }
0x4a8: {  	s3 =	sshra.s32 s9, $0x3;
	s9 =	sshrl.u32 s10, $0x1F;
	v28 =	vsel vm0, s13, v52;
	s13 =	sshrl.u32 s11, $0x1F  }
0x4a9: {  	v28 =	vsel vm1, s13, v28;
	s5 =	sshrl.u32 s8, $0x1F;
	s13 =	sshra.s32 s0, $0x3;
	s0 =	sshra.s32 s0, $0x1F  }
0x4aa: {  	v53 =	vmov s1;
	v52 =	vsel vm2, s5, v28;
	v26 =	vsel vm4, s13, v26;
	s13 =	sshra.s32 s7, $0x3;
	s5 =	sld [smem:$0x7BB];
	s6 =	sshrl.u32 s18, $0x1F  }
0x4ab: {  	v26 =	vsel vm14, s0, v26;
	s0 =	sshra.s32 s11, $0x3;
	v54 =	vmov s13;
	s13 =	sshra.s32 s10, $0x3;
	s10 =	sld [smem:$0x7BA];
	v27 =	vsel vm3, s6, v27  }
0x4ac: {  	s11 =	sshra.s32 s18, $0x3;
	v49 =	vsel vm6, s9, v27;
	v27 =	vsel vm0, s12, v53;
	s12 =	sshra.s32 s18, $0x1F;
	s18 =	sld [smem:$0x7B8]  }
0x4ad: {  	s8 =	sshra.s32 s8, $0x3;
	s7 =	sshra.s32 s24, $0x3;
	v28 =	vsel vm0, s3, v54;
	s6 =	sld [smem:$0x7B9]  }
0x4ae: {  	v26 =	vsel vm8, s7, v26;
	v55 =	vsel vm1, s0, v28;
	s0 =	sld [smem:$0x7BF];
	s9 =	sshra.s32 s24, $0x1F;
	s24 =	spop (v2sf);
	v27 =	vsel vm1, s4, v27  }
0x4af: {  	v26 =	vsel vm15, s9, v26;
	s4 =	sshra.s32 s24, $0x1F;
	v54 =	vsel vm2, s2, v27;
	s2 =	smulhi.u32 $0x59E60383, s24;
	s7 =	sshra.s32 s18, $0x1F  }
0x4b0: {  	v58 =	vsel vm2, s8, v55;
	v26 =	vsel vm3, s11, v26;
	s8 =	smul.u32 $0x59E60383, s4;
	v56 =	vmov s7;
	s7 =	sld [smem:$0x7BD]  }
0x4b1: {  	s9 =	sshrl.u32 s6, $0x1F;
	s11 =	sshra.s32 s10, $0x3;
	s24 =	sshrl.u32 s5, $0x1F;
	v26 =	vsel vm9, s12, v26  }
0x4b2: {  	s4 =	sld [smem:$0x7BC];
	v57 =	vmov s9;
	s12 =	sshrl.u32 s10, $0x1F;
	v51 =	vsel vm6, s13, v26;
	s13 =	sshra.s32 s10, $0x1F;
	v27 =	vsel vm7, s11, v56  }
0x4b3: {  	v26 =	vsel vm0, s24, v57;
	s24 =	sld [smem:$0x7C0];
	v27 =	vsel vm10, s13, v27;
	s13 =	sadd.s32 s8, s2;
	s8 =	sshra.s32 s7, $0x3  }
0x4b4: {  	s9 =	sshrl.u32 s7, $0x1F;
	s10 =	sshra.s32 s7, $0x1F;
	s7 =	sld [smem:$0x7BE]  }
0x4b5: {  	v59 =	vmov s12;
	v27 =	vsel vm0, s8, v27;
	s8 =	sld [smem:$0x7C1]  }
0x4b6: {  	s3 =	sshrl.u32 s4, $0x1F;
	v28 =	vnsel vm7, $0x0, v59  }
0x4b7: {  	s12 =	sshrl.u32 s0, $0x1F;
	v26 =	vsel vm1, s3, v26;
	v60 =	vsel vm0, s9, v28;
	s9 =	sshrl.u32 s24, $0x1F;
	s11 =	sshrl.u32 s7, $0x1F  }
0x4b8: {  	v61 =	vmov s12;
	v41 =	vsel vm2, s11, v26;
	v26 =	vsel vm1, s9, v60;
	s12 =	sshrl.u32 s8, $0x1F;
	s9 =	sld [smem:$0x7C2]  }
0x4b9: {  	v28 =	vsel vm0, s12, v61;
	s12 =	sld [smem:$0x7C4]  }
0x4ba: {  	v27 =	vsel vm11, s10, v27;
	s10 =	sshra.s32 s24, $0x3  }
0x4bb: {  	v27 =	vsel vm1, s10, v27;
	s11 =	sshra.s32 s24, $0x1F;
	s24 =	sshrl.u32 s9, $0x1F  }
0x4bc: {  	v27 =	vsel vm12, s11, v27;
	v26 =	vsel vm2, s24, v26;
	s11 =	sshrl.u32 s12, $0x1F  }
0x4bd: {  	v26 =	vsel vm4, s11, v26;
	s11 =	sld [smem:$0x7C6]  }
0x4be: {  	s10 =	sld [smem:$0x7C3];
	s24 =	sshra.s32 s9, $0x3  }
0x4bf: {  	s2 =	sshra.s32 s5, $0x3;
	s1 =	sshra.s32 s9, $0x1F;
	s9 =	sld [smem:$0x7C5];
	v27 =	vsel vm2, s24, v27  }
0x4c0: {  	s5 =	smov.u32 s18;
	v27 =	vsel vm13, s1, v27;
	s1 =	sshra.s32 s6, $0x3;
	s24 =	sshrl.u32 s11, $0x1F  }
0x4c1: {  	s3 =	sshrl.u32 s10, $0x1F;
	s6 =	sld [smem:$0x7C7];
	v62 =	vmov s1;
	v26 =	vsel vm8, s24, v26;
	s24 =	sshra.s32 s12, $0x3  }
0x4c2: {  	v28 =	vsel vm1, s3, v28;
	s3 =	sshrl.u32 s9, $0x1F;
	v63 =	vsel vm0, s2, v62;
	s2 =	sshra.s32 s4, $0x3;
	s12 =	sshra.s32 s12, $0x1F;
	v27 =	vsel vm4, s24, v27  }
0x4c3: {  	s4 =	sshra.s32 s11, $0x3;
	s24 =	sshrl.u32 s18, $0x1F;
	s18 =	sld [smem:$0x7C8];
	v27 =	vsel vm14, s12, v27  }
0x4c4: {  	v50 =	vsel vm2, s3, v28;
	s3 =	sshrl.u32 s6, $0x1F;
	v27 =	vsel vm8, s4, v27;
	s4 =	sld [smem:$0x7C9]  }
0x4c5: {  	s8 =	sshra.s32 s8, $0x3;
	s11 =	sshra.s32 s11, $0x1F;
	v26 =	vsel vm3, s3, v26;
	s3 =	sshra.s32 s0, $0x3  }
0x4c6: {  	v47 =	vsel vm6, s24, v26;
	s12 =	sshra.s32 s10, $0x3;
	s24 =	sshra.s32 s6, $0x3;
	s0 =	sshra.s32 s18, $0x1F  }
0x4c7: {  	v5 =	vmov s3;
	s3 =	sshra.s32 s6, $0x1F;
	s10 =	sld [smem:$0x7CA];
	v27 =	vsel vm15, s11, v27;
	v13 =	vmov s0;
	s6 =	sshra.s32 s4, $0x3  }
0x4c8: {  	v26 =	vsel vm1, s2, v63;
	s2 =	sshra.s32 s9, $0x3;
	v27 =	vsel vm3, s24, v27;
	s24 =	sld [smem:$0x7CC];
	s9 =	sshra.s32 s4, $0x1F;
	v31 =	vsel vm7, s6, v13  }
0x4c9: {  	s7 =	sshra.s32 s7, $0x3;
	v12 =	vsel vm0, s8, v5;
	v30 =	vsel vm9, s3, v27;
	v27 =	vsel vm10, s9, v31;
	s9 =	sld [smem:$0x7CB]  }
0x4ca: {  	v55 =	vsel vm2, s7, v26;
	v26 =	vsel vm1, s12, v12;
	s8 =	sshrl.u32 s4, $0x1F  }
0x4cb: {  	v60 =	vsel vm2, s2, v26;
	s11 =	sshrl.u32 s10, $0x1F;
	s2 =	sshra.s32 s10, $0x3;
	s10 =	sld [smem:$0x7CE];
	v32 =	vmov s8  }
0x4cc: {  	v26 =	vnsel vm7, $0x0, v32;
	s6 =	sshrl.u32 s24, $0x1F;
	s12 =	sshrl.u32 s9, $0x1F  }
0x4cd: {  	s7 =	sshra.s32 s5, $0x3;
	s5 =	sshra.s32 s24, $0x3;
	v26 =	vsel vm0, s6, v26;
	s6 =	sld [smem:$0x7CD];
	v33 =	vmov s12  }
0x4ce: {  	v27 =	vsel vm0, s5, v27;
	s5 =	sld [smem:$0x7CF];
	v28 =	vsel vm0, s11, v33;
	s11 =	sshrl.u32 s10, $0x1F  }
0x4cf: {  	v56 =	vsel vm6, s7, v30;
	v30 =	vsel vm1, s11, v26;
	s11 =	sld [smem:$0x7D1]  }
0x4d0: {  	s0 =	sld [smem:$0x7D0];
	s7 =	sshra.s32 s24, $0x1F;
	s8 =	sshrl.u32 s6, $0x1F  }
0x4d1: {  	v27 =	vsel vm11, s7, v27;
	s12 =	sshra.s32 s10, $0x3;
	s7 =	sshrl.u32 s5, $0x1F;
	v28 =	vsel vm1, s8, v28  }
0x4d2: {  	s24 =	sshra.s32 s10, $0x1F;
	v27 =	vsel vm1, s12, v27;
	v26 =	vsel vm2, s7, v28;
	s7 =	sld [smem:$0x7D2];
	s10 =	sshrl.u32 s11, $0x1F  }
0x4d3: {  	v27 =	vsel vm12, s24, v27;
	s24 =	sshra.s32 s0, $0x3;
	v36 =	vmov s10;
	s10 =	sld [smem:$0x7D3]  }
0x4d4: {  	s8 =	sshrl.u32 s0, $0x1F;
	v27 =	vsel vm2, s24, v27;
	s24 =	sld [smem:$0x7D4]  }
0x4d5: {  	v35 =	vsel vm2, s8, v30;
	s8 =	sshra.s32 s0, $0x1F;
	s12 =	sshrl.u32 s7, $0x1F  }
0x4d6: {  	v27 =	vsel vm13, s8, v27;
	s8 =	sld [smem:$0x7D5];
	v28 =	vsel vm4, s12, v35;
	s12 =	sshrl.u32 s10, $0x1F  }
0x4d7: {  	s0 =	sshrl.u32 s24, $0x1F;
	v30 =	vsel vm0, s12, v36;
	s12 =	sld [smem:$0x7D6]  }
0x4d8: {  	s1 =	sshra.s32 s7, $0x1F;
	v28 =	vsel vm8, s0, v28;
	s0 =	sshra.s32 s7, $0x3;
	s7 =	sld [smem:$0x7D7]  }
0x4d9: {  	s9 =	sshra.s32 s9, $0x3;
	s11 =	sshra.s32 s11, $0x3;
	v27 =	vsel vm4, s0, v27  }
0x4da: {  	v38 =	vmov s9;
	v31 =	vmov s11;
	s3 =	sshrl.u32 s8, $0x1F;
	s11 =	sshra.s32 s10, $0x3;
	v27 =	vsel vm14, s1, v27;
	s4 =	sshrl.u32 s12, $0x1F  }
0x4db: {  	s0 =	sshrl.u32 s18, $0x1F;
	v31 =	vsel vm0, s11, v31;
	v30 =	vsel vm1, s3, v30;
	v28 =	vsel vm3, s4, v28;
	s4 =	sshrl.u32 s7, $0x1F  }
0x4dc: {  	s9 =	sshra.s32 s6, $0x3;
	s11 =	sld [smem:$0x7D9];
	v33 =	vsel vm2, s4, v30;
	v28 =	vsel vm6, s0, v28;
	s0 =	sshra.s32 s24, $0x3;
	v30 =	vsel vm0, s2, v38  }
0x4dd: {  	v27 =	vsel vm8, s0, v27;
	s0 =	sshra.s32 s5, $0x3;
	v30 =	vsel vm1, s9, v30;
	s9 =	sld [smem:$0x7D8]  }
0x4de: {  	s6 =	sshra.s32 s7, $0x3;
	s24 =	sshra.s32 s24, $0x1F;
	v12 =	vsel vm2, s0, v30;
	s0 =	sld [smem:$0x7DA]  }
0x4df: {  	s1 =	sshra.s32 s11, $0x3;
	s7 =	sshra.s32 s12, $0x1F;
	v27 =	vsel vm15, s24, v27;
	s24 =	sld [smem:$0x7DB]  }
0x4e0: {  	s4 =	sshra.s32 s8, $0x3;
	s8 =	sshra.s32 s18, $0x3;
	s5 =	sshra.s32 s12, $0x3  }
0x4e1: {  	s12 =	sshrl.u32 s11, $0x1F;
	s11 =	sld [smem:$0x7DD];
	v27 =	vsel vm3, s5, v27;
	s18 =	sshra.s32 s0, $0x1F  }
0x4e2: {  	vm5 =	vmmov vm7;
	v27 =	vsel vm9, s7, v27;
	s10 =	sshrl.u32 s9, $0x1F;
	s7 =	sshra.s32 s24, $0x3;
	v43 =	vmov s18  }
0x4e3: {  	s2 =	sshra.s32 s9, $0x3;
	s9 =	sld [smem:$0x7DC];
	v13 =	vsel vm6, s8, v27;
	s8 =	sshra.s32 s24, $0x1F;
	v30 =	vsel vm5, s7, v43  }
0x4e4: {  	v31 =	vsel vm1, s4, v31;
	v39 =	vmov s12;
	s12 =	sshrl.u32 s11, $0x1F;
	s4 =	sshrl.u32 s24, $0x1F;
	v30 =	vsel vm10, s8, v30;
	s8 =	sld [smem:$0x7DF]  }
0x4e5: {  	s24 =	sshra.s32 s11, $0x1F;
	v46 =	vmov s4;
	s18 =	sshra.s32 s11, $0x3;
	s11 =	sld [smem:$0x7DE]  }
0x4e6: {  	v5 =	vsel vm2, s6, v31;
	v31 =	vnsel vm5, $0x0, v46;
	v30 =	vsel vm0, s18, v30;
	s18 =	sld [smem:$0x7E1]  }
0x4e7: {  	v27 =	vsel vm0, s10, v39;
	s10 =	sshrl.u32 s9, $0x1F;
	s3 =	sshra.s32 s9, $0x3;
	v31 =	vsel vm0, s12, v31;
	s9 =	sshrl.u32 s8, $0x1F  }
0x4e8: {  	v27 =	vsel vm1, s10, v27;
	s7 =	sshrl.u32 s11, $0x1F;
	v53 =	vsel vm1, s9, v31;
	s9 =	sld [smem:$0x7E0]  }
0x4e9: {  	v3 =	vsel vm2, s7, v27;
	v30 =	vsel vm11, s24, v30;
	s7 =	sld [smem:$0x7E2];
	s24 =	sshra.s32 s8, $0x3;
	s12 =	sshrl.u32 s18, $0x1F  }
0x4ea: {  	s8 =	sshra.s32 s8, $0x1F;
	v30 =	vsel vm1, s24, v30;
	v27 =	vsel vm2, s12, v53;
	s12 =	sld [smem:$0x7E3]  }
0x4eb: {  	v30 =	vsel vm12, s8, v30;
	s8 =	sld [smem:$0x7E4];
	s10 =	sshrl.u32 s9, $0x1F  }
0x4ec: {  	(v2sf) =	vpush v19, $0x7;
	v20 =	vcombine.low v21, v20;
	s4 =	sshra.s32 s18, $0x1F;
	v57 =	vmov s10;
	s10 =	sshrl.u32 s7, $0x1F  }
0x4ed: {  	v59 =	vmov s1;
	s1 =	sshra.s32 s7, $0x3;
	s24 =	sshrl.u32 s12, $0x1F;
	v31 =	vsel vm0, s10, v57;
	s10 =	sld [smem:$0x7E5]  }
0x4ee: {  	v20 =	vperm.xlane v20, v0;
	v21 =	vcombine.low v25, v23;
	s5 =	sshrl.u32 s8, $0x1F;
	v27 =	vsel vm4, s24, v27;
	s24 =	sshra.s32 s18, $0x3;
	s18 =	sld [smem:$0x7E6]  }
0x4ef: {  	v22 =	vperm.xlane v22, v1;
	v24 =	vperm.xlane v24, v1;
	s7 =	sshra.s32 s9, $0x3;
	s9 =	sshra.s32 s12, $0x1F;
	v30 =	vsel vm2, s24, v30;
	s24 =	sld [smem:$0x7E7]  }
0x4f0: {  	v21 =	vperm.xlane v21, v0;
	v34 =	vperm.xlane v34, v1;
	v30 =	vsel vm13, s4, v30;
	s4 =	sshra.s32 s11, $0x3;
	s11 =	sshra.s32 s12, $0x3;
	s6 =	sshrl.u32 s10, $0x1F  }
0x4f1: {  	vm7 =	vmmov vm8;
	v31 =	vsel vm1, s5, v31;
	s5 =	sshrl.u32 s18, $0x1F;
	v30 =	vsel vm4, s11, v30;
	s11 =	sshra.s32 s8, $0x3;
	s12 =	sshra.s32 s18, $0x3  }
0x4f2: {  	v61 =	vmov s7;
	s7 =	sshra.s32 s10, $0x3;
	s18 =	sld [smem:$0x7E8];
	v27 =	vsel vm7, s6, v27;
	s6 =	sshrl.u32 s24, $0x1F;
	v46 =	vsel vm2, s5, v31  }
0x4f3: {  	s8 =	sshra.s32 s10, $0x1F;
	v30 =	vsel vm14, s9, v30;
	v31 =	vsel vm0, s1, v61;
	s9 =	sshra.s32 s24, $0x3;
	v27 =	vsel vm3, s6, v27;
	s6 =	sshrl.u32 s0, $0x1F  }
0x4f4: {  	v30 =	vsel vm7, s7, v30;
	v62 =	vsel vm1, s11, v31;
	s11 =	sshra.s32 s0, $0x3;
	s0 =	sshrl.u32 s28, $0x1F;
	s7 =	sld [smem:$0x7E9];
	v43 =	vsel vm6, s6, v27  }
0x4f5: {  	s10 =	sshra.s32 s24, $0x1F;
	v27 =	vsel vm0, s2, v59;
	v30 =	vsel vm15, s8, v30;
	s24 =	sshrl.u32 s18, $0x1F;
	v35 =	vmov s0;
	s0 =	sld [smem:$0x7EC]  }
0x4f6: {  	v59 =	vsel vm2, s12, v62;
	s12 =	sshrl.u32 s26, $0x1F;
	v27 =	vsel vm1, s3, v27;
	v63 =	vsel vm3, s9, v30;
	s3 =	sshra.s32 s18, $0x3;
	s9 =	sld [smem:$0x7EA]  }
0x4f7: {  	v5 =	vcombine.low v5, v12;
	s18 =	sld [smem:$0x7EB];
	v57 =	vsel vm2, s4, v27;
	s8 =	sshrl.u32 s7, $0x1F;
	s5 =	sshra.s32 s7, $0x3;
	v27 =	vsel vm9, s10, v63  }
0x4f8: {  	v51 =	vperm.xlane v51, v1;
	vm8 =	vmmov vm11;
	s7 =	sshrl.u32 s17, $0x1F;
	v53 =	vsel vm6, s11, v27;
	s11 =	sshrl.u32 s25, $0x1F;
	s1 =	sshra.s32 s0, $0x3  }
0x4f9: {  	v5 =	vperm.xlane v5, v0;
	v30 =	vnsel vm5, $0x0, v35;
	v36 =	vmov s8;
	s8 =	sld [smem:$0x7EF];
	s10 =	sshrl.u32 s9, $0x1F;
	s6 =	sshra.s32 s9, $0x3  }
0x4fa: {  	v13 =	vperm.xlane v13, v1;
	v30 =	vsel vm0, s12, v30;
	v38 =	vsel vm0, s24, v36;
	s24 =	sshrl.u32 s18, $0x1F;
	s9 =	sshrl.u32 s0, $0x1F;
	s2 =	sshra.s32 s18, $0x3  }
0x4fb: {  	v3 =	vcombine.low v46, v3;
	v30 =	vsel vm1, s11, v30;
	s18 =	sshrl.u32 s23, $0x1F;
	s11 =	spop (v2sf);
	v39 =	vmov s9;
	s9 =	sld [smem:$0x7ED]  }
0x4fc: {  	s0 =	sshrl.u32 s19, $0x1F;
	v36 =	vmov s5;
	v27 =	vsel vm1, s10, v38;
	v30 =	vsel vm2, s18, v30;
	s10 =	sld [smem:$0x7EE];
	s18 =	sshra.s32 s11, $0x1F  }
0x4fd: {  	vm11 =	vmmov vm4;
	vm4 =	vmmov vm9;
	v62 =	vsel vm0, s3, v36;
	s3 =	sshra.s32 s29, $0x8;
	s5 =	sshrl.u32 s8, $0x1F;
	s4 =	smul.u32 $0x59E60383, s18  }
0x4fe: {  	v3 =	vperm.xlane v3, v0;
	v63 =	vmov s1;
	v32 =	vsel vm11, s0, v30;
	s18 =	sshra.s32 s28, $0x3;
	s12 =	sshrl.u32 s9, $0x1F;
	s0 =	sshra.s32 s9, $0x3  }
0x4ff: {  	v61 =	vsel vm7, s7, v32;
	s7 =	sshra.s32 s10, $0x3;
	v31 =	vsel vm0, s12, v39;
	s12 =	smulhi.u32 $0x59E60383, s11;
	s11 =	sld [smem:$0x7F0];
	v36 =	vsel vm0, s0, v63  }
0x500: {  	v27 =	vsel vm2, s24, v27;
	v38 =	vmov s3;
	s24 =	sshrl.u32 s10, $0x1F;
	s10 =	sshrl.u32 s20, $0x1F;
	v36 =	vsel vm1, s7, v36;
	s7 =	sld [smem:$0x7F2]  }
0x501: {  	v32 =	vsel vm1, s6, v62;
	v62 =	vmov s10;
	v31 =	vsel vm1, s24, v31;
	s1 =	sadd.s32 s4, s12;
	s12 =	sshra.s32 s8, $0x3;
	s8 =	sld [smem:$0x7F1]  }
0x502: {  	v32 =	vsel vm2, s2, v32;
	s9 =	sshra.s32 s15, $0x1F;
	s10 =	sld [smem:$0x7F3];
	v62 =	vnsel vm5, $0x0, v62;
	v30 =	vsel vm2, s5, v31;
	s24 =	sshrl.u32 s11, $0x1F  }
0x503: {  	v36 =	vsel vm2, s12, v36;
	s12 =	sshrl.u32 s31, $0x1F;
	v27 =	vcombine.low v30, v27;
	v31 =	vsel vm3, s24, v61;
	s24 =	sshra.s32 s28, $0x1F;
	s28 =	sshrl.u32 s29, $0x1F  }
0x504: {  	s6 =	sshrl.u32 s15, $0x1F;
	v61 =	vmov s9;
	s5 =	sshrl.u32 s7, $0x1F;
	v2 =	vmov s12;
	s0 =	sshrl.u32 s8, $0x1F;
	v63 =	vmov s28  }
0x505: {  	s9 =	sshrl.u32 s10, $0x1F;
	v31 =	vsel vm6, s6, v31;
	s6 =	sshrl.u32 s21, $0x1F;
	v62 =	vsel vm0, s0, v62;
	v63 =	vsel vm0, s5, v63  }
0x506: {  	v61 =	vsel vm5, s18, v61;
	s18 =	sshrl.u32 s30, $0x1F;
	s28 =	sshrl.u32 s22, $0x1F;
	v62 =	vsel vm1, s6, v62;
	v63 =	vsel vm1, s9, v63;
	s9 =	sld [smem:$0x7F4]  }
0x507: {  	v27 =	vperm.xlane v27, v0;
	v61 =	vsel vm10, s24, v61;
	s0 =	sshrl.u32 s16, $0x1F;
	s6 =	sld [smem:$0x7F5];
	v62 =	vsel vm2, s18, v62;
	s18 =	sshra.s32 s1, $0x1F  }
0x508: {  	s12 =	sshrl.u32 s14, $0x1F;
	v2 =	vsel vm0, s28, v2;
	v62 =	vsel vm11, s0, v62;
	v35 =	vmov s18;
	s0 =	sshra.s32 s20, $0x8  }
0x509: {  	s4 =	sshra.s32 s26, $0x3;
	s28 =	sshrl.u32 s13, $0x1F;
	v31 =	vperm.xlane v31, v1;
	v62 =	vsel vm7, s12, v62;
	v35 =	vsel vm5, s0, v35;
	s12 =	sshra.s32 s20, $0x1F  }
0x50a: {  	v61 =	vsel vm0, s4, v61;
	s24 =	sshrl.u32 s9, $0x1F;
	s5 =	sshrl.u32 s6, $0x1F;
	v62 =	vsel vm3, s28, v62;
	v35 =	vsel vm10, s12, v35;
	s28 =	sshra.s32 s8, $0x8  }
0x50b: {  	s20 =	sshra.s32 s7, $0x8;
	s0 =	sshra.s32 s8, $0x1F;
	v63 =	vsel vm2, s24, v63;
	v2 =	vsel vm1, s5, v2;
	s5 =	sld [smem:$0x7F6];
	v35 =	vsel vm0, s28, v35  }
0x50c: {  	s29 =	sshra.s32 s10, $0x8;
	s18 =	sshrl.u32 s1, $0x1F;
	s7 =	sshra.s32 s21, $0x8;
	v38 =	vsel vm0, s20, v38;
	vm10 =	vmmov vm8;
	v35 =	vsel vm8, s0, v35  }
0x50d: {  	s8 =	sshra.s32 s21, $0x1F;
	v62 =	vsel vm6, s18, v62;
	v38 =	vsel vm1, s29, v38;
	v35 =	vsel vm1, s7, v35  }
0x50e: {  	s10 =	sshra.s32 s30, $0x8;
	s24 =	sshrl.u32 s5, $0x1F;
	v23 =	vsel vm12, s8, v35;
	v35 =	vcombine.low v37, v29;
	v37 =	vcombine.low v48, v45;
	v48 =	vld [tilespmem:$0x1FFF0]  }
0x50f: {  	s12 =	sshra.s32 s30, $0x1F;
	v2 =	vsel vm2, s24, v2;
	s24 =	sshra.s32 s31, $0x8;
	v45 =	vperm.xlane v44, v1;
	v23 =	vsel vm2, s10, v23  }
0x510: {  	s18 =	sshra.s32 s16, $0x8;
	s31 =	sshra.s32 s22, $0x8;
	v39 =	vmov s24;
	v2 =	vcombine.low v2, v63;
	v23 =	vsel vm13, s12, v23  }
0x511: {  	s20 =	sshra.s32 s16, $0x1F;
	s21 =	sshra.s32 s6, $0x8;
	v39 =	vsel vm0, s31, v39;
	v25 =	vperm.xlane v35, v0;
	v23 =	vsel vm11, s18, v23  }
0x512: {  	s22 =	sshra.s32 s14, $0x8;
	v29 =	vperm.xlane v37, v0;
	v37 =	vsel vm1, s21, v39;
	v23 =	vsel vm14, s20, v23  }
0x513: {  	s29 =	sshra.s32 s9, $0x8;
	v2 =	vperm.xlane v2, v0;
	v23 =	vsel vm7, s22, v23;
	vm8 =	vnez.u8 v48  }
0x514: {  	v48 =	vsel vm2, s29, v38;
	v38 =	vperm.xlane v49, v1;
	v20 =	vsel vm8, v22, v20  }
0x515: {  	s24 =	sshra.s32 s14, $0x1F;
	v21 =	vsel vm8, v24, v21;
	v34 =	vsel vm8, v34, v25;
	v35 =	vsel vm8, v45, v29  }
0x516: {  	s28 =	sshra.s32 s13, $0x8;
	v23 =	vsel vm15, s24, v23;
	v5 =	vsel vm8, v13, v5;
	v31 =	vsel vm8, v31, v27  }
0x517: {  	s30 =	sshra.s32 s5, $0x8;
	s5 =	sshra.s32 s26, $0x1F;
	v20 =	vadd.s32 v20, v21;
	v39 =	vadd.s32 v34, v35;
	v44 =	vsel vm3, s28, v23  }
0x518: {  	s31 =	sshra.s32 s13, $0x1F;
	v34 =	vsel vm2, s30, v37;
	v35 =	vcombine.low v52, v42;
	v42 =	vsel vm10, s5, v61  }
0x519: {  	v45 =	vmul.u32 $0x1B, v20;
	v24 =	vmul.u32 $0xFFFFFFE5, v39;
	v22 =	vsel vm9, s31, v44  }
0x51a: {  	s4 =	sshra.s32 s1, $0x8;
	s6 =	sshra.s32 s25, $0x3;
	v21 =	vsub.s32 v39, v20;
	v25 =	vcombine.low v34, v48;
	v39 =	vperm.xlane v62, v1  }
0x51b: {  	s7 =	sshra.s32 s25, $0x1F;
	v29 =	vsel vm1, s6, v42;
	v22 =	vsel vm6, s4, v22;
	v21 =	vmul.u32 v21, v21  }
0x51c: {  	v23 =	vperm.xlane v35, v0;
	v48 =	vsel vm12, s7, v29;
	v4 =	vsub.s32 v45, v4  }
0x51d: {  	s16 =	sld [smem:$0x7FA];
	v37 =	vld [tilespmem:$0x1FFC0];
	v6 =	vadd.s32 v6, v24;
	v25 =	vperm.xlane v25, v0;
	v22 =	vperm.xlane v22, v1  }
0x51e: {  	v44 =	vld [tilespmem:$0x1FFB0];
	v45 =	vcombine.low v58, v54;
	v2 =	vsel vm8, v39, v2;
	v39 =	vcombine.low v50, v41  }
0x51f: {  	s8 =	sld [smem:$0x7F7];
	v50 =	vperm.xlane v56, v1;
	v6 =	vadd.s32 v4, v6;
	v23 =	vsel vm8, v38, v23  }
0x520: {  	s10 =	sshra.s32 s17, $0x3;
	s14 =	sshra.s32 s17, $0x1F;
	s17 =	smulhi.u32 $0x4BDA12F7, s16;
	v8 =	vadd.s32 v8, v4;
	v10 =	vadd.s32 v10, v4;
	v11 =	vadd.s32 v4, v11  }
0x521: {  	s21 =	sshra.s32 s23, $0x3;
	s22 =	sshra.s32 s23, $0x1F;
	s23 =	sld [smem:$0x7F8];
	v14 =	vadd.s32 v4, v14;
	v15 =	vadd.s32 v4, v15;
	v18 =	vadd.s32 v4, v18  }
0x522: {  	s9 =	smulhi.u32 $0x4BDA12F7, s8;
	s2 =	sshra.s32 s8, $0x1F;
	v6 =	vmul.u32 v6, v6;
	v22 =	vsel vm8, v22, v25;
	v42 =	vperm.xlane v39, v0  }
0x523: {  	s2 =	smul.u32 $0x4BDA12F7, s2;
	v24 =	vsub.s32 v37, v44;
	v34 =	vsub.s32 v7, v44;
	v9 =	vsub.s32 v9, v44  }
0x524: {  	s24 =	smulhi.u32 $0x4BDA12F7, s23;
	s4 =	sshra.s32 s23, $0x1F;
	s7 =	sld [smem:$0x7F9];
	v16 =	vsub.s32 v16, v44;
	v17 =	vsub.s32 v17, v44;
	v24 =	vmul.u32 v24, v24  }
0x525: {  	s29 =	sld [smem:$0x7FB];
	s4 =	smul.u32 $0x4BDA12F7, s4;
	v37 =	vmul.u32 v34, v34;
	v16 =	vmul.u32 v16, v16;
	v17 =	vmul.u32 v17, v17  }
0x526: {  	s5 =	sshra.s32 s19, $0x1F;
	s31 =	sshra.s32 s19, $0x3;
	s19 =	sld [smem:$0x7FC];
	v21 =	vadd.s32 v24, v21;
	v24 =	vperm.xlane v45, v0;
	v45 =	vperm.xlane v47, v1  }
0x527: {  	s8 =	smulhi.u32 $0x4BDA12F7, s7;
	s6 =	sshra.s32 s7, $0x1F;
	s7 =	sadd.s32 s4, s24;
	v47 =	vcombine.low v60, v55;
	v6 =	vadd.s32 v6, v21;
	v21 =	vsel vm2, s21, v48  }
0x528: {  	s30 =	smulhi.u32 $0x4BDA12F7, s29;
	s21 =	sshrl.u32 s7, $0x1F;
	v49 =	vadd.s32 $0xFFFFFFFB, v6;
	v52 =	vsel vm13, s22, v21;
	v21 =	vadd.s32 v2, v22  }
0x529: {  	s25 =	smov.u32 s11;
	s26 =	sshra.s32 s11, $0x3;
	s20 =	smulhi.u32 $0x4BDA12F7, s19;
	v6 =	vadd.s32 $0xFFFFFFDC, v6;
	v54 =	vsel vm8, v51, v24;
	v41 =	vmov s21  }
0x52a: {  	s13 =	sshra.s32 s25, $0x1F;
	s12 =	smul.u32 $0x4BDA12F7, s6;
	s6 =	sshra.s32 s16, $0x1F;
	v25 =	vsel vm8, v45, v42;
	vm9 =	vlt.s32 v49, $0xFFFFFFFF;
	v2 =	vsel vm11, s31, v52  }
0x52b: {  	s24 =	sld [smem:$0x7FD];
	s28 =	smul.u32 $0x4BDA12F7, s6;
	s6 =	sshra.s32 s29, $0x1F;
	v61 =	vmul.u32 $0xFFFFFD27, v21;
	v22 =	vadd.s32 v23, v54;
	v54 =	vmul.u32 v9, v9  }
0x52c: {  	s4 =	sshra.s32 s19, $0x1F;
	s19 =	rddreg [dreg:$0x10];
	s18 =	smul.u32 $0x4BDA12F7, s6;
	v58 =	vsel vm14, s5, v2;
	v2 =	vsel vm9, $0x1, v40;
	vm9 =	vgt.s32 v6, $0x0  }
0x52d: {  	s23 =	sshra.s32 s15, $0x3;
	s16 =	rddreg [dreg:$0x1a];
	s22 =	smul.u32 $0x4BDA12F7, s4;
	vm14 =	vmmov vm15;
	v23 =	vmul.u32 $0xFFFFFFE5, v22;
	v35 =	vsub.s32 v22, v20  }
0x52e: {  	s29 =	rddreg [dreg:$0x12];
	s6 =	sadd.s32 s2, s9;
	s25 =	smulhi.u32 $0x4BDA12F7, s24;
	v62 =	vsel vm7, s10, v58;
	v19 =	vadd.s32 v19, v61;
	v38 =	vmul.u32 v35, v35  }
0x52f: {  	s9 =	sadd.s32 s12, s8;
	s15 =	sshrl.u32 s6, $0x1F;
	s12 =	sadd.s32 s22, s20;
	v7 =	vsel vm9, $0xFFFFFFFF, v40;
	v6 =	vsel vm15, s14, v62;
	vm15 =	vmmov vm3  }
0x530: {  	s8 =	sshra.s32 s16, $0x1F;
	s20 =	smulhi.u32 $0x4BDA12F7, s19;
	s22 =	sshrl.u32 s12, $0x1F;
	(v2sf) =	vpush v19, $0xD;
	v8 =	vadd.s32 v23, v8;
	v23 =	vsel vm0, s15, v41  }
0x531: {  	s2 =	rddreg [dreg:$0xd];
	s10 =	sadd.s32 s28, s17;
	s17 =	smulhi.u32 $0x4BDA12F7, s16;
	v58 =	vmov s22;
	v4 =	vadd.s32 v4, v19;
	v63 =	vsel vm3, s26, v6  }
0x532: {  	s21 =	sshra.s32 s19, $0x1F;
	s28 =	smul.u32 $0x4BDA12F7, s8;
	s8 =	sadd.s32 s18, s30;
	v8 =	vmul.u32 v8, v8;
	v6 =	vsel vm9, $0x1, v40;
	v22 =	vadd.s32 v37, v38  }
0x533: {  	s19 =	sshra.s32 s2, $0x1F;
	s30 =	smulhi.u32 $0x4BDA12F7, s29;
	s0 =	sshrl.u32 s8, $0x1F;
	vm9 =	vge.s32 v49, $0xFFFFFFFF;
	(v2sf) =	vpush v19, $0xC;
	v49 =	vperm.xlane v47, v0  }
0x534: {  	s31 =	sshra.s32 s24, $0x1F;
	s19 =	smul.u32 $0x4BDA12F7, s19;
	s26 =	sshrl.u32 s9, $0x1F;
	v61 =	vsel vm0, s0, v58;
	v47 =	vcombine.low v33, v26;
	v24 =	vsel vm4, s13, v63  }
0x535: {  	s14 =	smul.u32 $0x4BDA12F7, s31;
	s31 =	sshra.s32 s29, $0x1F;
	(v2sf) =	vpush v19, $0xE;
	v23 =	vsel vm1, s26, v23;
	v22 =	vadd.s32 v8, v22  }
0x536: {  	s18 =	smul.u32 $0x4BDA12F7, s31;
	v8 =	vsel vm9, $0x1, v40;
	(v2sf) =	vpush v19, $0xF;
	v34 =	vsel vm8, v50, v49  }
0x537: {  	s16 =	sshrl.u32 s10, $0x1F;
	s4 =	sadd.s32 s28, s17;
	s28 =	rddreg [dreg:$0xe];
	v29 =	vsel vm6, s23, v24;
	v50 =	vperm.xlane v47, v0;
	v48 =	vadd.s32 $0xFFFFFFFB, v22  }
0x538: {  	s5 =	sadd.s32 s14, s25;
	s14 =	smul.u32 $0x4BDA12F7, s21;
	s13 =	sadd.s32 s18, s30;
	(v2sf) =	vpush v19, $0x9;
	v22 =	vadd.s32 $0xFFFFFFDC, v22;
	v51 =	vadd.s32 v25, v34  }
0x539: {  	s29 =	smulhi.u32 $0x4BDA12F7, s28;
	s17 =	sshra.s32 s28, $0x1F;
	s26 =	sshrl.u32 s13, $0x1F;
	v34 =	vsel vm2, s16, v23;
	v7 =	vadd.s32 v7, v8;
	vm9 =	vlt.s32 v48, $0xFFFFFFFF  }
0x53a: {  	s23 =	rddreg [dreg:$0xf];
	s31 =	smul.u32 $0x4BDA12F7, s17;
	(v2sf) =	vpush v19, $0x8;
	v25 =	vmul.u32 $0xFFFFFFE5, v51;
	v52 =	vmov s26  }
0x53b: {  	s24 =	smulhi.u32 $0x4BDA12F7, s23;
	s14 =	sadd.s32 s14, s20;
	v24 =	vsub.s32 v51, v20;
	(v2sf) =	vpush v19, $0xA;
	v55 =	vnsel vm5, $0x0, v52  }
0x53c: {  	s25 =	sshra.s32 s23, $0x1F;
	s20 =	smulhi.u32 $0x4BDA12F7, s2;
	s30 =	sshrl.u32 s14, $0x1F;
	v56 =	vmul.u32 v24, v24;
	v52 =	vperm.xlane v28, v1;
	(v2sf) =	vpush v19, $0xB  }
0x53d: {  	s6 =	sshra.s32 s6, $0x3;
	s7 =	sshra.s32 s7, $0x3;
	s15 =	smul.u32 $0x4BDA12F7, s25;
	v25 =	vadd.s32 v25, v10;
	v60 =	vsel vm0, s30, v55;
	v10 =	vsel vm9, $0x1, v40  }
0x53e: {  	s11 =	sadd.s32 s31, s29;
	s26 =	rddreg [dreg:$0xb];
	s2 =	sadd.s32 s19, s20;
	vm9 =	vgt.s32 v22, $0x0;
	(v2sf) =	vpush v19, $0x0;
	v25 =	vmul.u32 v25, v25  }
0x53f: {  	s28 =	smulhi.u32 $0x4BDA12F7, s26;
	s20 =	sshra.s32 s26, $0x1F;
	s15 =	sadd.s32 s15, s24;
	v22 =	vsel vm9, $0xFFFFFFFF, v40;
	v9 =	vsel vm9, $0x1, v40;
	v23 =	vadd.s32 v54, v56  }
0x540: {  	s29 =	smul.u32 $0x4BDA12F7, s20;
	s30 =	rddreg [dreg:$0xa];
	s21 =	sshrl.u32 s15, $0x1F;
	vm9 =	vge.s32 v48, $0xFFFFFFFF;
	v48 =	vmov s7;
	v2 =	vadd.s32 v10, v2  }
0x541: {  	s31 =	smulhi.u32 $0x4BDA12F7, s30;
	s19 =	sshra.s32 s30, $0x1F;
	s30 =	sshra.s32 s12, $0x3;
	v62 =	vsel vm1, s21, v60;
	v49 =	vsel vm0, s6, v48;
	v60 =	vcombine.low v59, v57  }
0x542: {  	s22 =	rddreg [dreg:$0xc];
	s1 =	sshrl.u32 s5, $0x1F;
	v54 =	vmov s30;
	v57 =	vcombine.low v36, v32;
	v59 =	vperm.xlane v29, v1  }
0x543: {  	s24 =	sshrl.u32 s11, $0x1F;
	s0 =	sadd.s32 s29, s28;
	s28 =	sshra.s32 s9, $0x3;
	v7 =	vadd.s32 v22, v7;
	v6 =	vadd.s32 v9, v6;
	v25 =	vadd.s32 v25, v23  }
0x544: {  	s23 =	smulhi.u32 $0x4BDA12F7, s22;
	s16 =	sshra.s32 s22, $0x1F;
	v23 =	vsel vm1, s1, v61;
	v24 =	vsel vm2, s24, v62;
	v51 =	vsel vm1, s28, v49  }
0x545: {  	s16 =	smul.u32 $0x4BDA12F7, s16;
	s25 =	sshrl.u32 s2, $0x1F;
	v62 =	vperm.xlane v43, v1;
	v63 =	vadd.s32 $0xFFFFFFFB, v25;
	s17 =	spop (v2sf);
	(v2sf) =	vpush v19, $0x1  }
0x546: {  	s18 =	sshrl.u32 s4, $0x1F;
	v42 =	vsel vm11, s25, v24;
	v24 =	vsel vm9, $0x1, v40;
	s22 =	spop (v2sf);
	(v2sf) =	vpush v19, $0x2  }
0x547: {  	s3 =	sadd.s32 s16, s23;
	s29 =	sshra.s32 s10, $0x3;
	v37 =	vsel vm2, s18, v23;
	v25 =	vadd.s32 $0xFFFFFFDC, v25;
	s20 =	spop (v2sf);
	(v2sf) =	vpush v19, $0x3  }
0x548: {  	s23 =	sshrl.u32 s3, $0x1F;
	s24 =	smul.u32 $0x4BDA12F7, s19;
	v28 =	vsel vm2, s29, v51;
	v35 =	vperm.xlane v60, v0;
	(v2sf) =	vpush v19, $0x4  }
0x549: {  	s25 =	sshrl.u32 s0, $0x1F;
	v36 =	vperm.xlane v57, v0;
	vm9 =	vlt.s32 v63, $0xFFFFFFFF;
	v45 =	vsel vm7, s23, v42  }
0x54a: {  	s5 =	sshra.s32 s5, $0x3;
	s1 =	sadd.s32 s24, s31;
	v3 =	vsel vm8, v62, v3;
	v7 =	vadd.s32 v24, v7;
	v38 =	vsel vm3, s25, v45  }
0x54b: {  	s12 =	sshra.s32 s13, $0x3;
	v61 =	vld [tilespmem:$0x1FFD0];
	s23 =	sshra.s32 s8, $0x3;
	v23 =	vsel vm9, $0x1, v40;
	vm9 =	vgt.s32 v25, $0x0;
	s31 =	sshra.s32 s1, $0x1F;
	vm3 =	vcmask $0x704  }
0x54c: {  	s13 =	sshra.s32 s13, $0x1F;
	s30 =	sshra.s32 s15, $0x3;
	s26 =	sshrl.u32 s1, $0x1F;
	v12 =	vsel vm0, s23, v54;
	v36 =	vsel vm8, v59, v36;
	v55 =	vmov s31  }
0x54d: {  	s15 =	sshra.s32 s15, $0x1F;
	v33 =	vsel vm6, s26, v38;
	v26 =	vsel vm9, $0xFFFFFFFF, v40;
	v56 =	vsel vm5, s12, v55;
	s12 =	smulhi.u32 $0x4BDA12F7, s17;
	s17 =	sshra.s32 s17, $0x1F  }
0x54e: {  	s24 =	sshra.s32 s14, $0x3;
	v25 =	vsel vm9, $0x1, v40;
	vm9 =	vge.s32 v63, $0xFFFFFFFF;
	v38 =	vsel vm8, v52, v50;
	s25 =	smul.u32 $0x4BDA12F7, s17;
	s21 =	spop (v2sf)  }
0x54f: {  	v63 =	vperm.xlane v53, v1;
	v12 =	vsel vm1, s5, v12;
	v2 =	vadd.s32 v23, v2;
	s28 =	smulhi.u32 $0x4BDA12F7, s22;
	s29 =	sshra.s32 s22, $0x1F;
	s19 =	spop (v2sf)  }
0x550: {  	s26 =	sshra.s32 s14, $0x1F;
	v5 =	vadd.s32 v38, v5;
	v39 =	vsub.s32 v61, v44;
	v58 =	vsel vm3, s13, v56;
	s14 =	smul.u32 $0x4BDA12F7, s29;
	s18 =	spop (v2sf)  }
0x551: {  	v47 =	vld [tilespmem:$0x1FFE0];
	v61 =	vcombine.low v37, v34;
	v33 =	vperm.xlane v33, v1;
	v13 =	vsel vm0, s24, v58;
	s24 =	sshra.s32 s11, $0x3;
	s31 =	smulhi.u32 $0x4BDA12F7, s20;
	s16 =	spop (v2sf)  }
0x552: {  	v7 =	vadd.s32 v26, v7;
	v38 =	vmul.u32 $0xFFFFFFE5, v5;
	v13 =	vsel vm10, s26, v13;
	s20 =	sshra.s32 s20, $0x1F;
	s29 =	sshra.s32 s11, $0x1F;
	s9 =	spop (v2sf)  }
0x553: {  	v5 =	vsub.s32 v5, v20;
	v45 =	vmul.u32 v39, v39;
	v13 =	vsel vm1, s30, v13;
	s8 =	sadd.s32 s25, s12;
	s20 =	smul.u32 $0x4BDA12F7, s20;
	s7 =	spop (v2sf)  }
0x554: {  	v35 =	vsel vm8, v63, v35;
	v5 =	vmul.u32 v5, v5;
	s23 =	sshra.s32 s21, $0x1F;
	v13 =	vsel vm12, s15, v13;
	s15 =	smulhi.u32 $0x4BDA12F7, s21;
	s6 =	spop (v2sf)  }
0x555: {  	v3 =	vadd.s32 v3, v35;
	v11 =	vadd.s32 v38, v11;
	s13 =	sadd.s32 s14, s28;
	s21 =	smul.u32 $0x4BDA12F7, s23;
	s12 =	spop (v2sf);
	(v2sf) =	vpush v19, $0x5  }
0x556: {  	v35 =	vmul.u32 $0xFFFFFFE5, v3;
	v38 =	vsub.s32 v47, v44;
	s25 =	smulhi.u32 $0x4BDA12F7, s19;
	s26 =	sshra.s32 s19, $0x1F;
	s10 =	spop (v2sf);
	(v2sf) =	vpush v19, $0x6  }
0x557: {  	v3 =	vsub.s32 v3, v20;
	v47 =	vsub.s32 v21, v44;
	s28 =	sshra.s32 s4, $0x3;
	s30 =	smul.u32 $0x4BDA12F7, s26;
	s5 =	spop (v2sf);
	(v2sf) =	vpush v19, $0x7  }
0x558: {  	v46 =	vmul.u32 v11, v11;
	v5 =	vadd.s32 v45, v5;
	v11 =	vsel vm9, $0x1, v40;
	s17 =	sadd.s32 s20, s31;
	s31 =	smulhi.u32 $0x4BDA12F7, s18;
	s18 =	sshra.s32 s18, $0x1F  }
0x559: {  	v38 =	vmul.u32 v38, v38;
	v3 =	vmul.u32 v3, v3;
	v49 =	vadd.s32 v35, v14;
	s11 =	sadd.s32 s21, s15;
	s21 =	sshra.s32 s2, $0x3;
	s22 =	smul.u32 $0x4BDA12F7, s18  }
0x55a: {  	v7 =	vadd.s32 v11, v7;
	v13 =	vsel vm2, s24, v13;
	v5 =	vadd.s32 v46, v5;
	s24 =	smulhi.u32 $0x4BDA12F7, s16;
	s16 =	sshra.s32 s16, $0x1F;
	s2 =	sshra.s32 s2, $0x1F  }
0x55b: {  	v48 =	vsel vm2, s28, v12;
	v3 =	vadd.s32 v38, v3;
	v12 =	vmul.u32 v49, v49;
	s4 =	sadd.s32 s30, s25;
	s25 =	sshrl.u32 s13, $0x1F;
	s16 =	smul.u32 $0x4BDA12F7, s16  }
0x55c: {  	v13 =	vsel vm13, s29, v13;
	v52 =	vadd.s32 $0xFFFFFFFB, v5;
	v5 =	vadd.s32 $0xFFFFFFDC, v5;
	s28 =	smulhi.u32 $0x4BDA12F7, s9;
	s9 =	sshra.s32 s9, $0x1F;
	s30 =	sshrl.u32 s8, $0x1F  }
0x55d: {  	v28 =	vcombine.low v48, v28;
	vm9 =	vlt.s32 v52, $0xFFFFFFFF;
	v53 =	vsel vm11, s21, v13;
	s21 =	sshrl.u32 s11, $0x1F;
	s13 =	sshra.s32 s13, $0x3;
	s8 =	sshra.s32 s8, $0x3  }
0x55e: {  	v3 =	vadd.s32 v12, v3;
	s14 =	sadd.s32 s22, s31;
	v50 =	vmov s25;
	s31 =	sshrl.u32 s4, $0x1F;
	s9 =	smul.u32 $0x4BDA12F7, s9;
	v12 =	vsel vm9, $0x1, v40  }
0x55f: {  	s23 =	smulhi.u32 $0x4BDA12F7, s7;
	s7 =	sshra.s32 s7, $0x1F;
	s22 =	sshrl.u32 s17, $0x1F;
	vm9 =	vgt.s32 v5, $0x0;
	v58 =	vmov s13;
	v60 =	vadd.s32 $0xFFFFFFFB, v3  }
0x560: {  	s17 =	sshra.s32 s17, $0x3;
	v3 =	vadd.s32 $0xFFFFFFDC, v3;
	s4 =	sshra.s32 s4, $0x3;
	v28 =	vperm.xlane v28, v0;
	s26 =	sshrl.u32 s14, $0x1F;
	v14 =	vsel vm0, s30, v50  }
0x561: {  	s16 =	sadd.s32 s16, s24;
	s30 =	smul.u32 $0x4BDA12F7, s7;
	v13 =	vsel vm9, $0x1, v40;
	v32 =	vsel vm0, s8, v58;
	v2 =	vadd.s32 v12, v2;
	s15 =	sadd.s32 s9, s28  }
0x562: {  	v51 =	vmov s26;
	s29 =	sshrl.u32 s16, $0x1F;
	v54 =	vsel vm1, s22, v14;
	v32 =	vsel vm1, s17, v32;
	s17 =	sshra.s32 s16, $0x3;
	s22 =	sshrl.u32 s15, $0x1F  }
0x563: {  	v14 =	vsel vm9, $0xFFFFFFFF, v40;
	vm9 =	vge.s32 v52, $0xFFFFFFFF;
	v35 =	vsel vm0, s31, v51;
	s18 =	sadd.s32 s30, s23;
	s31 =	smulhi.u32 $0x4BDA12F7, s6;
	s6 =	sshra.s32 s6, $0x1F  }
0x564: {  	v56 =	vsel vm2, s21, v54;
	v29 =	vsel vm9, $0x1, v40;
	vm9 =	vlt.s32 v60, $0xFFFFFFFF;
	s30 =	sshra.s32 s11, $0x3;
	s6 =	smul.u32 $0x4BDA12F7, s6;
	s9 =	spop (v2sf)  }
0x565: {  	v55 =	vsel vm1, s29, v35;
	v27 =	vsel vm9, $0x1, v40;
	vm9 =	vgt.s32 v3, $0x0;
	s24 =	smulhi.u32 $0x4BDA12F7, s12;
	s12 =	sshra.s32 s12, $0x1F;
	s7 =	spop (v2sf)  }
0x566: {  	s15 =	sshra.s32 s15, $0x3;
	v3 =	vadd.s32 v31, v36;
	v32 =	vsel vm2, s30, v32;
	v31 =	vperm.xlane v61, v0;
	s12 =	smul.u32 $0x4BDA12F7, s12;
	s26 =	spop (v2sf)  }
0x567: {  	s21 =	sshrl.u32 s18, $0x1F;
	v35 =	vsel vm2, s22, v55;
	v36 =	vmul.u32 $0xFFFFFFE5, v3;
	v3 =	vsub.s32 v3, v20;
	s28 =	smulhi.u32 $0x4BDA12F7, s26;
	s8 =	sshra.s32 s26, $0x1F  }
0x568: {  	v39 =	vmov s21;
	v48 =	vsel vm9, $0xFFFFFFFF, v40;
	v49 =	vsel vm9, $0x1, v40;
	s20 =	sadd.s32 s6, s31;
	s31 =	sshra.s32 s14, $0x3;
	s29 =	smul.u32 $0x4BDA12F7, s8  }
0x569: {  	s19 =	sshra.s32 s18, $0x1F;
	v2 =	vadd.s32 v27, v2;
	v5 =	vcombine.low v35, v56;
	s25 =	smulhi.u32 $0x4BDA12F7, s10;
	s10 =	sshra.s32 s10, $0x1F;
	v62 =	vmov s31  }
0x56a: {  	v3 =	vmul.u32 v3, v3;
	v42 =	vsel vm8, v33, v31;
	s10 =	smul.u32 $0x4BDA12F7, s10;
	s14 =	sshra.s32 s18, $0x3;
	v34 =	vsel vm0, s4, v62;
	s6 =	sadd.s32 s29, s28  }
0x56b: {  	v15 =	vadd.s32 v36, v15;
	v5 =	vperm.xlane v5, v0;
	s12 =	sadd.s32 s12, s24;
	s22 =	sshrl.u32 s20, $0x1F;
	v34 =	vsel vm1, s17, v34;
	s13 =	sshra.s32 s6, $0x1F  }
0x56c: {  	v3 =	vadd.s32 v16, v3;
	s23 =	sshra.s32 s20, $0x3;
	v34 =	vsel vm2, s15, v34;
	s30 =	smulhi.u32 $0x4BDA12F7, s9;
	s9 =	sshra.s32 s9, $0x1F;
	v63 =	vmov s13  }
0x56d: {  	v15 =	vmul.u32 v15, v15;
	s4 =	sshra.s32 s0, $0x3;
	s24 =	sshrl.u32 s12, $0x1F;
	v32 =	vcombine.low v34, v32;
	s9 =	smul.u32 $0x4BDA12F7, s9;
	v35 =	vsel vm5, s14, v63  }
0x56e: {  	s0 =	sshra.s32 s0, $0x1F;
	v34 =	vnsel vm5, $0x0, v39;
	s26 =	smulhi.u32 $0x4BDA12F7, s5;
	s5 =	sshra.s32 s5, $0x1F;
	vm5 =	vcmask $0x2724;
	v35 =	vsel vm3, s19, v35  }
0x56f: {  	v3 =	vadd.s32 v15, v3;
	s8 =	sadd.s32 s10, s25;
	s10 =	sshra.s32 s3, $0x3;
	s25 =	sshra.s32 s20, $0x1F;
	v41 =	vsel vm5, s2, v53;
	v35 =	vsel vm0, s23, v35  }
0x570: {  	v51 =	vadd.s32 $0xFFFFFFFB, v3;
	s3 =	sshra.s32 s3, $0x1F;
	s5 =	smul.u32 $0x4BDA12F7, s5;
	s28 =	sshra.s32 s12, $0x3;
	v37 =	vsel vm7, s10, v41;
	v35 =	vsel vm10, s25, v35  }
0x571: {  	v3 =	vadd.s32 $0xFFFFFFDC, v3;
	s9 =	sadd.s32 s9, s30;
	s31 =	sshra.s32 s8, $0x3;
	s12 =	sshra.s32 s12, $0x1F;
	v37 =	vsel vm14, s3, v37;
	v35 =	vsel vm1, s28, v35  }
0x572: {  	v34 =	vsel vm0, s22, v34;
	s29 =	sshrl.u32 s8, $0x1F;
	s5 =	sadd.s32 s5, s26;
	s8 =	sshra.s32 s8, $0x1F;
	v37 =	vsel vm15, s4, v37;
	v35 =	vsel vm12, s12, v35  }
0x573: {  	v34 =	vsel vm1, s24, v34;
	s19 =	sshra.s32 s1, $0x3;
	s12 =	smulhi.u32 $0x4BDA12F7, s7;
	s7 =	sshra.s32 s7, $0x1F;
	v37 =	vsel vm4, s0, v37;
	v35 =	vsel vm2, s31, v35  }
0x574: {  	v34 =	vsel vm2, s29, v34;
	s15 =	sshrl.u32 s5, $0x1F;
	s13 =	sshra.s32 s5, $0x3;
	s7 =	smul.u32 $0x4BDA12F7, s7;
	v37 =	vsel vm6, s19, v37;
	v35 =	vsel vm13, s8, v35  }
0x575: {  	s17 =	sshrl.u32 s9, $0x1F;
	v34 =	vsel vm11, s15, v34;
	s14 =	sshra.s32 s5, $0x1F;
	v37 =	vperm.xlane v37, v1;
	v35 =	vsel vm11, s13, v35  }
0x576: {  	v32 =	vperm.xlane v32, v0;
	s16 =	sshra.s32 s9, $0x3;
	v34 =	vsel vm7, s17, v34;
	s2 =	sadd.s32 s7, s12;
	v35 =	vsel vm5, s14, v35  }
0x577: {  	s18 =	sshra.s32 s9, $0x1F;
	v63 =	vadd.s32 v25, v6;
	s20 =	sshrl.u32 s2, $0x1F;
	v28 =	vsel vm8, v37, v28;
	v35 =	vsel vm7, s16, v35  }
0x578: {  	s21 =	sshra.s32 s2, $0x3;
	vm5 =	vge.s32 v51, $0xFFFFFFFF;
	v34 =	vsel vm15, s20, v34;
	v35 =	vsel vm14, s18, v35  }
0x579: {  	s22 =	sshrl.u32 s6, $0x1F;
	s23 =	sshra.s32 s2, $0x1F;
	v16 =	vadd.s32 v42, v28;
	vm7 =	vlt.s32 v51, $0xFFFFFFFF;
	v35 =	vsel vm15, s21, v35  }
0x57a: {  	s24 =	sshra.s32 s6, $0x3;
	v34 =	vsel vm6, s22, v34;
	v28 =	vmul.u32 $0xFFFFFFE5, v16;
	v35 =	vsel vm4, s23, v35  }
0x57b: {  	v16 =	vsub.s32 v16, v20;
	v52 =	vsel vm7, $0x1, v40;
	v35 =	vsel vm6, s24, v35  }
0x57c: {  	v34 =	vperm.xlane v34, v1;
	v16 =	vmul.u32 v16, v16;
	v35 =	vperm.xlane v35, v1  }
0x57d: {  	v2 =	vadd.s32 v52, v2;
	v45 =	vadd.s32 v28, v18;
	vm4 =	vgt.s32 v3, $0x0  }
0x57e: {  	v5 =	vsel vm8, v34, v5;
	v16 =	vadd.s32 v17, v16;
	v43 =	vsel vm8, v35, v32  }
0x57f: {  	vm6 =	vge.s32 v60, $0xFFFFFFFF;
	v15 =	vmul.u32 v45, v45;
	v5 =	vadd.s32 v5, v43  }
0x580: {  	v17 =	vmul.u32 v47, v47;
	v53 =	vsel vm4, $0xFFFFFFFF, v40;
	v46 =	vmul.u32 $0xFFFFFFE5, v5  }
0x581: {  	v54 =	vsel vm4, $0x1, v40;
	v50 =	vsel vm6, $0x1, v40;
	v5 =	vsub.s32 v5, v20  }
0x582: {  	v15 =	vadd.s32 v15, v16;
	v5 =	vmul.u32 v5, v5;
	v4 =	vadd.s32 v46, v4  }
0x583: {  	v16 =	vsel vm5, $0x1, v40;
	v55 =	vadd.s32 $0xFFFFFFFB, v15;
	v4 =	vmul.u32 v4, v4  }
0x584: {  	v15 =	vadd.s32 $0xFFFFFFDC, v15;
	vm6 =	vlt.s32 v55, $0xFFFFFFFF;
	v5 =	vadd.s32 v17, v5  }
0x585: {  	vm7 =	vgt.s32 v15, $0x0;
	vm4 =	vge.s32 v55, $0xFFFFFFFF;
	v3 =	vadd.s32 v4, v5  }
0x586: {  	v56 =	vsel vm6, $0x1, v40;
	v58 =	vadd.s32 $0xFFFFFFFB, v3;
	v3 =	vadd.s32 $0xFFFFFFDC, v3  }
0x587: {  	v15 =	vsel vm7, $0xFFFFFFFF, v40;
	vm6 =	vgt.s32 v3, $0x0;
	v3 =	vadd.s32 v14, v7  }
0x588: {  	v57 =	vsel vm7, $0x1, v40;
	v8 =	vsel vm4, $0x1, v40;
	v3 =	vadd.s32 v29, v3  }
0x589: {  	v2 =	vadd.s32 v56, v2;
	v4 =	vadd.s32 v13, v63;
	v3 =	vadd.s32 v48, v3  }
0x58a: {  	v4 =	vadd.s32 v49, v4;
	vm5 =	vlt.s32 v58, $0xFFFFFFFF;
	v3 =	vadd.s32 v50, v3  }
0x58b: {  	vm7 =	vge.s32 v58, $0xFFFFFFFF;
	v4 =	vadd.s32 v54, v4;
	v3 =	vadd.s32 v53, v3  }
0x58c: {  	v59 =	vsel vm5, $0x1, v40;
	v60 =	vsel vm6, $0xFFFFFFFF, v40;
	v3 =	vadd.s32 v16, v3  }
0x58d: {  	v61 =	vsel vm6, $0x1, v40;
	v2 =	vadd.s32 v59, v2;
	v3 =	vadd.s32 v15, v3  }
0x58e: {  	v4 =	vadd.s32 v57, v4;
	v2 =	vcvt.s32.f32 v2;
	v3 =	vadd.s32 v8, v3  }
0x58f: {  	v62 =	vsel vm7, $0x1, v40;
	v4 =	vadd.s32 v61, v4;
	v3 =	vadd.s32 v60, v3  }
0x590: {  	[tilespmem:$0x100] =	vst v2;
	v2 =	vcvt.s32.f32 v4;
	v3 =	vadd.s32 v62, v3  }
0x591: {  	s29 =	rddreg [dreg:$0x9];
	v3 =	vcvt.s32.f32 v3  }
0x592: {  	s30 =	simm.s32 $0x1;
	s26 =	rddreg [dreg:$0x8];
	p0 =	sne.s32 s29, $0x1;
	[tilespmem:$0x120] =	vst v2  }
.Ltmp0:
0x593: {  	s25 =	rddreg [dreg:$0x7];
	s28 =	simm.s32 $0x0;
	[tilespmem:$0x110] =	vst v3;
	(pc) =	sbr.rel @p0 .LBB2_1-.Ltmp0, $4  }
0x594: {  	[hbm4b:s25+s28] =	stream.linear.scatter [tilespmem:s26], [sflag:$0x1], $0x80, $0x38;
	[tilespmem:$0x180] =	vst v63  }
0x595: {  	_ =	swait.ge [sflag:s30], $0x80  }
0x596: {  	s31 =	simm.s32 $0x1;
	[sflag:s30] =	ssyncset.done $0x0  }
0x597: {  	s1 =	sadd.s32 $0xFFFFFFFF, s29;
	[sflag:s31] =	ssyncadd.s32 $0xFFFFFF80  }
0x598: {  	_ =	sfence.sel $0x180000  }
0x599: {  	[bflag:$0x0] =	sbarrier.arrive $0xFFFF  }
0x59a: {  	_ =	strace $0x90000047  }
0x59b: {  	s0 =	stileid.u32;
	[bflag:$0x2] =	sbarrier.arrive $0xFFFF  }
0x59c: {  	p0 =	sne.s32 s0, $0x0;
	s0 =	rddreg [dreg:$0x3]  }
0x59d: {  	s0 =	sadd.s32 @!p0 $0x100000, s0  }
0x59e: {  	[sflag:s0] =	ssyncadd.tile.s32 @!p0 $0x1;
	_ =	shalt  }
.Lfunc_end2:
_tile_overlayer_lowered:
.L_overlay_start_2:
0x59f: {  	(tag) =	ssettag $0x2  }
0x5a0: {  	s0 =	rddreg [dreg:$0x0];
	s2 =	stileid.u32  }
0x5a1: {  	s1 =	rddreg [dreg:$0x1];
	p0 =	sne.s32 s2, $0x0  }
0x5a2: {  	s3 =	rddreg [dreg:$0x2];
	[bflag:$0x3] =	sbarrier.arrive $0xFFFF;
	s2 =	simm.s32 @!p0 $0x1C01  }
0x5a3: {  	[timem:s3], [sflag:s2] =	dma.local @!p0 [hbm:s0], s1  }
0x5a4: {  	s0 =	simm.s32 @!p0 $0x1  }
0x5a5: {  	_ =	swait.ge @!p0 [sflag:s0], s1  }
0x5a6: {  	s1 =	ssub.s32 @!p0 $0x0, s1;
	[sflag:s0] =	ssyncset.done @!p0 $0x0  }
0x5a7: {  	[sflag:s0] =	ssyncadd.s32 @!p0 s1  }
0x5a8: {  	[bflag:$0x3] =	sbarrier.arrive $0xFFFF  }
0x5a9: {  	_ =	shalt  }

</sc_bundles>
